<compile_context>
chip_gen: v7x
topology: tpu7x:2x2x1
jax: 0.10.2.dev20260603
libtpu: 0.0.44.dev20260713+nightly
codegen_flags: <defaults>
</compile_context>

<pallas_src>
import functools

import jax
import jax.numpy as jnp
from jax import lax
from jax.experimental import pallas as pl
from jax.experimental.pallas import tpu as pltpu
from jax.experimental.pallas import tpu_sc as plsc

NC = 2
NS = 16
NW = NC * NS
CH = 128
LN = 16


def _linear_body(x_ref, w_ref, b_ref, o_ref):
    o_ref[...] = lax.dot_general(
        x_ref[...], w_ref[...], (((1,), (1,)), ((), ())),
        preferred_element_type=jnp.float32) + b_ref[...]


def _final_body(p_ref, b_ref, o_ref):
    o_ref[...] = p_ref[0] + p_ref[1] + b_ref[...]


def _make_scatter(n_pad, d, ngroup, grp):
    rows_per_tile = n_pad // NS
    zr = min(64, rows_per_tile)
    mesh = plsc.VectorSubcoreMesh(
        core_axis_name="c", subcore_axis_name="s",
        num_cores=NC, num_subcores=NS)

    @functools.partial(
        pl.kernel,
        out_type=jax.ShapeDtypeStruct((NC, n_pad, d), jnp.float32),
        mesh=mesh,
        scratch_types=[
            pltpu.VMEM((grp, CH), jnp.int32),
            pltpu.VMEM((grp, CH), jnp.int32),
            pltpu.VMEM((grp, CH), jnp.float32),
            pltpu.VMEM((CH, d), jnp.float32),
            pltpu.VMEM((zr, d), jnp.float32),
            pltpu.VMEM_SHARED((n_pad, d), jnp.float32),
            pltpu.SemaphoreType.DMA,
        ],
    )
    def scatter(support_hbm, src_hbm, dst_hbm, adj_hbm, out_hbm,
                src_v, dst_v, adj_v, rows_v, zbuf, acc, sem):
        c = lax.axis_index("c")
        s = lax.axis_index("s")
        wid = c * NS + s
        row0 = s * rows_per_tile

        zero16 = jnp.zeros((LN,), jnp.float32)

        def _zrow(r, carry):
            for k in range(d // LN):
                zbuf[r, pl.ds(k * LN, LN)] = zero16
            return carry

        lax.fori_loop(0, zr, _zrow, 0)
        for i in range(rows_per_tile // zr):
            pltpu.sync_copy(zbuf, acc.at[pl.ds(row0 + i * zr, zr)])
        rem = rows_per_tile % zr
        if rem:
            pltpu.sync_copy(zbuf.at[pl.ds(0, rem)],
                            acc.at[pl.ds(row0 + (rows_per_tile // zr) * zr, rem)])

        plsc.subcore_barrier()

        def _group(g, carry):
            pltpu.sync_copy(src_hbm.at[wid, pl.ds(g * grp, grp)], src_v)
            pltpu.sync_copy(dst_hbm.at[wid, pl.ds(g * grp, grp)], dst_v)
            pltpu.sync_copy(adj_hbm.at[wid, pl.ds(g * grp, grp)], adj_v)

            def _chunk(j, ccarry):
                pltpu.async_copy(support_hbm.at[src_v.at[j]], rows_v, sem).wait()

                def _sixteen(g16, gcarry):
                    av = adj_v[j, pl.ds(g16 * LN, LN)]
                    for i in range(LN):
                        a = av[i]
                        for k in range(d // LN):
                            sl = pl.ds(k * LN, LN)
                            rows_v[g16 * LN + i, sl] = rows_v[g16 * LN + i, sl] * a
                    return gcarry

                lax.fori_loop(0, CH // LN, _sixteen, 0)
                pltpu.sync_copy(rows_v, acc.at[dst_v.at[j]], add=True)
                return ccarry

            lax.fori_loop(0, grp, _chunk, 0)
            return carry

        lax.fori_loop(0, ngroup, _group, 0)
        plsc.subcore_barrier()
        pltpu.sync_copy(acc.at[pl.ds(row0, rows_per_tile)],
                        out_hbm.at[c, pl.ds(row0, rows_per_tile)])

    return scatter


def kernel(x, edge_index, adj_values, W, b_lin, bias):
    n, d = x.shape
    e = adj_values.shape[0]

    bm = 1000
    assert n % bm == 0
    support = pl.pallas_call(
        _linear_body,
        grid=(n // bm,),
        in_specs=[
            pl.BlockSpec((bm, d), lambda i: (i, 0)),
            pl.BlockSpec((d, d), lambda i: (0, 0)),
            pl.BlockSpec((1, d), lambda i: (0, 0)),
        ],
        out_specs=pl.BlockSpec((bm, d), lambda i: (i, 0)),
        out_shape=jax.ShapeDtypeStruct((n, d), jnp.float32),
    )(x, W, b_lin[None, :].astype(jnp.float32))

    dst = edge_index[0].astype(jnp.int32)
    src = edge_index[1].astype(jnp.int32)
    adj = adj_values.astype(jnp.float32)

    grp = 8
    epg = NW * CH * grp
    e_pad = -(-e // epg) * epg
    ngroup = e_pad // epg
    nchunk = ngroup * grp
    pad = e_pad - e
    if pad:
        src = jnp.concatenate([src, jnp.zeros((pad,), jnp.int32)])
        dst = jnp.concatenate([dst, jnp.zeros((pad,), jnp.int32)])
        adj = jnp.concatenate([adj, jnp.zeros((pad,), jnp.float32)])
    src3 = src.reshape(NW, nchunk, CH)
    dst3 = dst.reshape(NW, nchunk, CH)
    adj3 = adj.reshape(NW, nchunk, CH)

    n_pad = -(-n // (NS * 8)) * (NS * 8)
    partials = _make_scatter(n_pad, d, ngroup, grp)(support, src3, dst3, adj3)

    out = pl.pallas_call(
        _final_body,
        grid=(n // bm,),
        in_specs=[
            pl.BlockSpec((NC, bm, d), lambda i: (0, i, 0)),
            pl.BlockSpec((1, d), lambda i: (0, 0)),
        ],
        out_specs=pl.BlockSpec((bm, d), lambda i: (i, 0)),
        out_shape=jax.ShapeDtypeStruct((n, d), jnp.float32),
    )(partials, bias[None, :].astype(jnp.float32))
    return out

# --- scband reference (transcript-rebuilt; emitter-appended) ---
"""Pipeline reference for scband-graph-conv-18691697672406 (READ-ONLY COPY).

The authoritative reference and input builder live on the scoring server;
editing this copy changes nothing except your own understanding.
"""

import jax, jax.numpy as jnp
import numpy as np

N = 10000
E = 320000
D = 128


def setup_inputs(seed: int = 0) -> dict:
    key = jax.random.key(seed)
    k1, k2, k3, k4, k5, k6 = jax.random.split(key, 6)
    x = jax.random.normal(k1, (N, D), dtype=jnp.float32)
    edge_index = jax.random.randint(k2, (2, E), 0, N, dtype=jnp.int64)
    adj_values = jax.random.uniform(k3, (E,), dtype=jnp.float32)
    # Linear layer parameters (layer = nn.Linear(D, D))
    bound = 1.0 / np.sqrt(D)
    W = jax.random.uniform(k4, (D, D), minval=-bound, maxval=bound, dtype=jnp.float32)
    b_lin = jax.random.uniform(k5, (D,), minval=-bound, maxval=bound, dtype=jnp.float32)
    # GraphConv bias parameter, init uniform(-stdv, stdv), stdv = 1/sqrt(out)
    bias = jax.random.uniform(k6, (D,), minval=-bound, maxval=bound, dtype=jnp.float32)
    return {"x": x, "edge_index": edge_index, "adj_values": adj_values,
            "W": W, "b_lin": b_lin, "bias": bias}


def reference(x, edge_index, adj_values, W, b_lin, bias):
    # support = self.layer(x)  (nn.Linear: x @ W.T + b)
    support = x @ W.T + b_lin
    # out = torch.spmm(adj, support)
    # adj is sparse [N, N] with entries adj[dst, src] = adj_values
    dst = edge_index[0]
    src = edge_index[1]
    msgs = adj_values[:, None] * jnp.take(support, src, axis=0)
    out = jax.ops.segment_sum(msgs, dst, num_segments=N)
    # out = out + self.bias
    return out + bias

if __name__ == "__main__":
    import jax
    _d = setup_inputs()
    print(jax.jit(kernel)(*tuple(_d.values())))

</pallas_src>

<mosaic_0001>
#map = affine_map<(d0, d1) -> (0, 0)>
#map1 = affine_map<(d0, d1) -> (0, 0, 0)>
module attributes {stable_mosaic.version = 14 : i64} {
  func.func @scatter(%arg0: i32, %arg1: i32, %arg2: memref<10000x128xf32, #tpu.memory_space<hbm>>, %arg3: memref<32x80x128xi32, #tpu.memory_space<hbm>>, %arg4: memref<32x80x128xi32, #tpu.memory_space<hbm>>, %arg5: memref<32x80x128xf32, #tpu.memory_space<hbm>>, %arg6: memref<2x10112x128xf32, #tpu.memory_space<hbm>>, %arg7: memref<8x128xi32, #tpu.memory_space<vmem>>, %arg8: memref<8x128xi32, #tpu.memory_space<vmem>>, %arg9: memref<8x128xf32, #tpu.memory_space<vmem>>, %arg10: memref<128x128xf32, #tpu.memory_space<vmem>>, %arg11: memref<64x128xf32, #tpu.memory_space<vmem>>, %arg12: memref<10112x128xf32, #tpu.memory_space<vmem_shared>>, %arg13: memref<!tpu.dma_semaphore, #tpu.memory_space<semaphore_mem>>) attributes {dimension_semantics = [#tpu.dimension_semantics<core_parallel>, #tpu.dimension_semantics<subcore_parallel>], iteration_bounds = array<i64: 2, 16>, scalar_prefetch = 0 : i64, scratch_operands = 7 : i64, tpu.core_type = #tpu.core_type<sc_vector_subcore>, window_params = [{transform_indices = #map}, {transform_indices = #map1}, {transform_indices = #map1}, {transform_indices = #map1}, {transform_indices = #map1}]} {
    %mul3A = arith.constant 16 : i32
    %mul3A_0 = arith.muli %arg0, %mul3A : i32
    %add3A = arith.addi %mul3A_0, %arg1 : i32
    %mul3A_1 = arith.constant 632 : i32
    %mul3A_2 = arith.muli %arg1, %mul3A_1 : i32
    %broadcast_in_dim3A = arith.constant 0.000000e+00 : f32
    %broadcast_in_dim3A_3 = vector.broadcast %broadcast_in_dim3A : f32 to vector<16xf32>
    %scan3A = arith.constant 0 : i32
    %scan3A_4 = arith.constant 0 : i32
    %scan3A_5 = arith.constant 64 : i32
    %scan3A_6 = arith.addi %scan3A_4, %scan3A_5 : i32
    %scan3A_7 = arith.constant 1 : i32
    scf.for %scan3A_36 = %scan3A_4 to %scan3A_6 step %scan3A_7  : i32 {
      %swap3A = arith.index_cast %scan3A_36 : i32 to index
      %swap3A_37 = arith.constant 0 : index
      %swap3A_38 = tpu.vector_load %arg11[%swap3A, %swap3A_37] {strides = array<i32>} : memref<64x128xf32, #tpu.memory_space<vmem>>, vector<1x16xf32>,
      %swap3A_39 = vector.shape_cast %swap3A_38 : vector<1x16xf32> to vector<16xf32>
      %swap3A_40 = vector.shape_cast %broadcast_in_dim3A_3 : vector<16xf32> to vector<1x16xf32>
      tpu.vector_store %arg11[%swap3A, %swap3A_37], %swap3A_40 {strides = array<i32>} : memref<64x128xf32, #tpu.memory_space<vmem>>, vector<1x16xf32>,
      %swap3A_41 = arith.index_cast %scan3A_36 : i32 to index
      %swap3A_42 = arith.constant 16 : index
      %swap3A_43 = tpu.vector_load %arg11[%swap3A_41, %swap3A_42] {strides = array<i32>} : memref<64x128xf32, #tpu.memory_space<vmem>>, vector<1x16xf32>,
      %swap3A_44 = vector.shape_cast %swap3A_43 : vector<1x16xf32> to vector<16xf32>
      %swap3A_45 = vector.shape_cast %broadcast_in_dim3A_3 : vector<16xf32> to vector<1x16xf32>
      tpu.vector_store %arg11[%swap3A_41, %swap3A_42], %swap3A_45 {strides = array<i32>} : memref<64x128xf32, #tpu.memory_space<vmem>>, vector<1x16xf32>,
      %swap3A_46 = arith.index_cast %scan3A_36 : i32 to index
      %swap3A_47 = arith.constant 32 : index
      %swap3A_48 = tpu.vector_load %arg11[%swap3A_46, %swap3A_47] {strides = array<i32>} : memref<64x128xf32, #tpu.memory_space<vmem>>, vector<1x16xf32>,
      %swap3A_49 = vector.shape_cast %swap3A_48 : vector<1x16xf32> to vector<16xf32>
      %swap3A_50 = vector.shape_cast %broadcast_in_dim3A_3 : vector<16xf32> to vector<1x16xf32>
      tpu.vector_store %arg11[%swap3A_46, %swap3A_47], %swap3A_50 {strides = array<i32>} : memref<64x128xf32, #tpu.memory_space<vmem>>, vector<1x16xf32>,
      %swap3A_51 = arith.index_cast %scan3A_36 : i32 to index
      %swap3A_52 = arith.constant 48 : index
      %swap3A_53 = tpu.vector_load %arg11[%swap3A_51, %swap3A_52] {strides = array<i32>} : memref<64x128xf32, #tpu.memory_space<vmem>>, vector<1x16xf32>,
      %swap3A_54 = vector.shape_cast %swap3A_53 : vector<1x16xf32> to vector<16xf32>
      %swap3A_55 = vector.shape_cast %broadcast_in_dim3A_3 : vector<16xf32> to vector<1x16xf32>
      tpu.vector_store %arg11[%swap3A_51, %swap3A_52], %swap3A_55 {strides = array<i32>} : memref<64x128xf32, #tpu.memory_space<vmem>>, vector<1x16xf32>,
      %swap3A_56 = arith.index_cast %scan3A_36 : i32 to index
      %swap3A_57 = arith.constant 64 : index
      %swap3A_58 = tpu.vector_load %arg11[%swap3A_56, %swap3A_57] {strides = array<i32>} : memref<64x128xf32, #tpu.memory_space<vmem>>, vector<1x16xf32>,
      %swap3A_59 = vector.shape_cast %swap3A_58 : vector<1x16xf32> to vector<16xf32>
      %swap3A_60 = vector.shape_cast %broadcast_in_dim3A_3 : vector<16xf32> to vector<1x16xf32>
      tpu.vector_store %arg11[%swap3A_56, %swap3A_57], %swap3A_60 {strides = array<i32>} : memref<64x128xf32, #tpu.memory_space<vmem>>, vector<1x16xf32>,
      %swap3A_61 = arith.index_cast %scan3A_36 : i32 to index
      %swap3A_62 = arith.constant 80 : index
      %swap3A_63 = tpu.vector_load %arg11[%swap3A_61, %swap3A_62] {strides = array<i32>} : memref<64x128xf32, #tpu.memory_space<vmem>>, vector<1x16xf32>,
      %swap3A_64 = vector.shape_cast %swap3A_63 : vector<1x16xf32> to vector<16xf32>
      %swap3A_65 = vector.shape_cast %broadcast_in_dim3A_3 : vector<16xf32> to vector<1x16xf32>
      tpu.vector_store %arg11[%swap3A_61, %swap3A_62], %swap3A_65 {strides = array<i32>} : memref<64x128xf32, #tpu.memory_space<vmem>>, vector<1x16xf32>,
      %swap3A_66 = arith.index_cast %scan3A_36 : i32 to index
      %swap3A_67 = arith.constant 96 : index
      %swap3A_68 = tpu.vector_load %arg11[%swap3A_66, %swap3A_67] {strides = array<i32>} : memref<64x128xf32, #tpu.memory_space<vmem>>, vector<1x16xf32>,
      %swap3A_69 = vector.shape_cast %swap3A_68 : vector<1x16xf32> to vector<16xf32>
      %swap3A_70 = vector.shape_cast %broadcast_in_dim3A_3 : vector<16xf32> to vector<1x16xf32>
      tpu.vector_store %arg11[%swap3A_66, %swap3A_67], %swap3A_70 {strides = array<i32>} : memref<64x128xf32, #tpu.memory_space<vmem>>, vector<1x16xf32>,
      %swap3A_71 = arith.index_cast %scan3A_36 : i32 to index
      %swap3A_72 = arith.constant 112 : index
      %swap3A_73 = tpu.vector_load %arg11[%swap3A_71, %swap3A_72] {strides = array<i32>} : memref<64x128xf32, #tpu.memory_space<vmem>>, vector<1x16xf32>,
      %swap3A_74 = vector.shape_cast %swap3A_73 : vector<1x16xf32> to vector<16xf32>
      %swap3A_75 = vector.shape_cast %broadcast_in_dim3A_3 : vector<16xf32> to vector<1x16xf32>
      tpu.vector_store %arg11[%swap3A_71, %swap3A_72], %swap3A_75 {strides = array<i32>} : memref<64x128xf32, #tpu.memory_space<vmem>>, vector<1x16xf32>,
    }
    %scan3A_8 = arith.constant 64 : i32
    %add3A_9 = arith.constant 0 : i32
    %add3A_10 = arith.addi %mul3A_2, %add3A_9 : i32
    "tpu.region"() ({
      %run_scoped3A = tpu.sem_alloc : memref<!tpu.dma_semaphore, #tpu.memory_space<semaphore_mem>>
      %dma_start3A = arith.constant 0 : i32
      %dma_start3A_36 = tpu.memref_slice %arg12[%add3A_10, %dma_start3A] : memref<10112x128xf32, #tpu.memory_space<vmem_shared>> -> memref<64x128xf32, #tpu.memory_space<vmem_shared>>
      %dma_start3A_37 = arith.constant 0 : i32
      %dma_start3A_38 = tpu.memref_slice %arg12[%add3A_10, %dma_start3A_37] : memref<10112x128xf32, #tpu.memory_space<vmem_shared>> -> memref<64x128xf32, #tpu.memory_space<vmem_shared>>
      tpu.enqueue_dma source(%arg11 : memref<64x128xf32, #tpu.memory_space<vmem>>) target(%dma_start3A_38 : memref<64x128xf32, #tpu.memory_space<vmem_shared>>) target_semaphore(%run_scoped3A : memref<!tpu.dma_semaphore, #tpu.memory_space<semaphore_mem>>)
      %dma_wait3A = arith.constant 0 : i32
      %dma_wait3A_39 = tpu.memref_slice %arg12[%add3A_10, %dma_wait3A] : memref<10112x128xf32, #tpu.memory_space<vmem_shared>> -> memref<64x128xf32, #tpu.memory_space<vmem_shared>>
      %dma_wait3A_40 = arith.constant 0 : i32
      %dma_wait3A_41 = tpu.memref_slice %arg12[%add3A_10, %dma_wait3A_40] : memref<10112x128xf32, #tpu.memory_space<vmem_shared>> -> memref<64x128xf32, #tpu.memory_space<vmem_shared>>
      tpu.wait_dma2 semaphore(%run_scoped3A : memref<!tpu.dma_semaphore, #tpu.memory_space<semaphore_mem>>) src(%arg11 : memref<64x128xf32, #tpu.memory_space<vmem>>) dst(%dma_wait3A_41 : memref<64x128xf32, #tpu.memory_space<vmem_shared>>)
      tpu.yield
    }) : () -> ()
    %add3A_11 = arith.constant 64 : i32
    %add3A_12 = arith.addi %mul3A_2, %add3A_11 : i32
    "tpu.region"() ({
      %run_scoped3A = tpu.sem_alloc : memref<!tpu.dma_semaphore, #tpu.memory_space<semaphore_mem>>
      %dma_start3A = arith.constant 0 : i32
      %dma_start3A_36 = tpu.memref_slice %arg12[%add3A_12, %dma_start3A] : memref<10112x128xf32, #tpu.memory_space<vmem_shared>> -> memref<64x128xf32, #tpu.memory_space<vmem_shared>>
      %dma_start3A_37 = arith.constant 0 : i32
      %dma_start3A_38 = tpu.memref_slice %arg12[%add3A_12, %dma_start3A_37] : memref<10112x128xf32, #tpu.memory_space<vmem_shared>> -> memref<64x128xf32, #tpu.memory_space<vmem_shared>>
      tpu.enqueue_dma source(%arg11 : memref<64x128xf32, #tpu.memory_space<vmem>>) target(%dma_start3A_38 : memref<64x128xf32, #tpu.memory_space<vmem_shared>>) target_semaphore(%run_scoped3A : memref<!tpu.dma_semaphore, #tpu.memory_space<semaphore_mem>>)
      %dma_wait3A = arith.constant 0 : i32
      %dma_wait3A_39 = tpu.memref_slice %arg12[%add3A_12, %dma_wait3A] : memref<10112x128xf32, #tpu.memory_space<vmem_shared>> -> memref<64x128xf32, #tpu.memory_space<vmem_shared>>
      %dma_wait3A_40 = arith.constant 0 : i32
      %dma_wait3A_41 = tpu.memref_slice %arg12[%add3A_12, %dma_wait3A_40] : memref<10112x128xf32, #tpu.memory_space<vmem_shared>> -> memref<64x128xf32, #tpu.memory_space<vmem_shared>>
      tpu.wait_dma2 semaphore(%run_scoped3A : memref<!tpu.dma_semaphore, #tpu.memory_space<semaphore_mem>>) src(%arg11 : memref<64x128xf32, #tpu.memory_space<vmem>>) dst(%dma_wait3A_41 : memref<64x128xf32, #tpu.memory_space<vmem_shared>>)
      tpu.yield
    }) : () -> ()
    %add3A_13 = arith.constant 128 : i32
    %add3A_14 = arith.addi %mul3A_2, %add3A_13 : i32
    "tpu.region"() ({
      %run_scoped3A = tpu.sem_alloc : memref<!tpu.dma_semaphore, #tpu.memory_space<semaphore_mem>>
      %dma_start3A = arith.constant 0 : i32
      %dma_start3A_36 = tpu.memref_slice %arg12[%add3A_14, %dma_start3A] : memref<10112x128xf32, #tpu.memory_space<vmem_shared>> -> memref<64x128xf32, #tpu.memory_space<vmem_shared>>
      %dma_start3A_37 = arith.constant 0 : i32
      %dma_start3A_38 = tpu.memref_slice %arg12[%add3A_14, %dma_start3A_37] : memref<10112x128xf32, #tpu.memory_space<vmem_shared>> -> memref<64x128xf32, #tpu.memory_space<vmem_shared>>
      tpu.enqueue_dma source(%arg11 : memref<64x128xf32, #tpu.memory_space<vmem>>) target(%dma_start3A_38 : memref<64x128xf32, #tpu.memory_space<vmem_shared>>) target_semaphore(%run_scoped3A : memref<!tpu.dma_semaphore, #tpu.memory_space<semaphore_mem>>)
      %dma_wait3A = arith.constant 0 : i32
      %dma_wait3A_39 = tpu.memref_slice %arg12[%add3A_14, %dma_wait3A] : memref<10112x128xf32, #tpu.memory_space<vmem_shared>> -> memref<64x128xf32, #tpu.memory_space<vmem_shared>>
      %dma_wait3A_40 = arith.constant 0 : i32
      %dma_wait3A_41 = tpu.memref_slice %arg12[%add3A_14, %dma_wait3A_40] : memref<10112x128xf32, #tpu.memory_space<vmem_shared>> -> memref<64x128xf32, #tpu.memory_space<vmem_shared>>
      tpu.wait_dma2 semaphore(%run_scoped3A : memref<!tpu.dma_semaphore, #tpu.memory_space<semaphore_mem>>) src(%arg11 : memref<64x128xf32, #tpu.memory_space<vmem>>) dst(%dma_wait3A_41 : memref<64x128xf32, #tpu.memory_space<vmem_shared>>)
      tpu.yield
    }) : () -> ()
    %add3A_15 = arith.constant 192 : i32
    %add3A_16 = arith.addi %mul3A_2, %add3A_15 : i32
    "tpu.region"() ({
      %run_scoped3A = tpu.sem_alloc : memref<!tpu.dma_semaphore, #tpu.memory_space<semaphore_mem>>
      %dma_start3A = arith.constant 0 : i32
      %dma_start3A_36 = tpu.memref_slice %arg12[%add3A_16, %dma_start3A] : memref<10112x128xf32, #tpu.memory_space<vmem_shared>> -> memref<64x128xf32, #tpu.memory_space<vmem_shared>>
      %dma_start3A_37 = arith.constant 0 : i32
      %dma_start3A_38 = tpu.memref_slice %arg12[%add3A_16, %dma_start3A_37] : memref<10112x128xf32, #tpu.memory_space<vmem_shared>> -> memref<64x128xf32, #tpu.memory_space<vmem_shared>>
      tpu.enqueue_dma source(%arg11 : memref<64x128xf32, #tpu.memory_space<vmem>>) target(%dma_start3A_38 : memref<64x128xf32, #tpu.memory_space<vmem_shared>>) target_semaphore(%run_scoped3A : memref<!tpu.dma_semaphore, #tpu.memory_space<semaphore_mem>>)
      %dma_wait3A = arith.constant 0 : i32
      %dma_wait3A_39 = tpu.memref_slice %arg12[%add3A_16, %dma_wait3A] : memref<10112x128xf32, #tpu.memory_space<vmem_shared>> -> memref<64x128xf32, #tpu.memory_space<vmem_shared>>
      %dma_wait3A_40 = arith.constant 0 : i32
      %dma_wait3A_41 = tpu.memref_slice %arg12[%add3A_16, %dma_wait3A_40] : memref<10112x128xf32, #tpu.memory_space<vmem_shared>> -> memref<64x128xf32, #tpu.memory_space<vmem_shared>>
      tpu.wait_dma2 semaphore(%run_scoped3A : memref<!tpu.dma_semaphore, #tpu.memory_space<semaphore_mem>>) src(%arg11 : memref<64x128xf32, #tpu.memory_space<vmem>>) dst(%dma_wait3A_41 : memref<64x128xf32, #tpu.memory_space<vmem_shared>>)
      tpu.yield
    }) : () -> ()
    %add3A_17 = arith.constant 256 : i32
    %add3A_18 = arith.addi %mul3A_2, %add3A_17 : i32
    "tpu.region"() ({
      %run_scoped3A = tpu.sem_alloc : memref<!tpu.dma_semaphore, #tpu.memory_space<semaphore_mem>>
      %dma_start3A = arith.constant 0 : i32
      %dma_start3A_36 = tpu.memref_slice %arg12[%add3A_18, %dma_start3A] : memref<10112x128xf32, #tpu.memory_space<vmem_shared>> -> memref<64x128xf32, #tpu.memory_space<vmem_shared>>
      %dma_start3A_37 = arith.constant 0 : i32
      %dma_start3A_38 = tpu.memref_slice %arg12[%add3A_18, %dma_start3A_37] : memref<10112x128xf32, #tpu.memory_space<vmem_shared>> -> memref<64x128xf32, #tpu.memory_space<vmem_shared>>
      tpu.enqueue_dma source(%arg11 : memref<64x128xf32, #tpu.memory_space<vmem>>) target(%dma_start3A_38 : memref<64x128xf32, #tpu.memory_space<vmem_shared>>) target_semaphore(%run_scoped3A : memref<!tpu.dma_semaphore, #tpu.memory_space<semaphore_mem>>)
      %dma_wait3A = arith.constant 0 : i32
      %dma_wait3A_39 = tpu.memref_slice %arg12[%add3A_18, %dma_wait3A] : memref<10112x128xf32, #tpu.memory_space<vmem_shared>> -> memref<64x128xf32, #tpu.memory_space<vmem_shared>>
      %dma_wait3A_40 = arith.constant 0 : i32
      %dma_wait3A_41 = tpu.memref_slice %arg12[%add3A_18, %dma_wait3A_40] : memref<10112x128xf32, #tpu.memory_space<vmem_shared>> -> memref<64x128xf32, #tpu.memory_space<vmem_shared>>
      tpu.wait_dma2 semaphore(%run_scoped3A : memref<!tpu.dma_semaphore, #tpu.memory_space<semaphore_mem>>) src(%arg11 : memref<64x128xf32, #tpu.memory_space<vmem>>) dst(%dma_wait3A_41 : memref<64x128xf32, #tpu.memory_space<vmem_shared>>)
      tpu.yield
    }) : () -> ()
    %add3A_19 = arith.constant 320 : i32
    %add3A_20 = arith.addi %mul3A_2, %add3A_19 : i32
    "tpu.region"() ({
      %run_scoped3A = tpu.sem_alloc : memref<!tpu.dma_semaphore, #tpu.memory_space<semaphore_mem>>
      %dma_start3A = arith.constant 0 : i32
      %dma_start3A_36 = tpu.memref_slice %arg12[%add3A_20, %dma_start3A] : memref<10112x128xf32, #tpu.memory_space<vmem_shared>> -> memref<64x128xf32, #tpu.memory_space<vmem_shared>>
      %dma_start3A_37 = arith.constant 0 : i32
      %dma_start3A_38 = tpu.memref_slice %arg12[%add3A_20, %dma_start3A_37] : memref<10112x128xf32, #tpu.memory_space<vmem_shared>> -> memref<64x128xf32, #tpu.memory_space<vmem_shared>>
      tpu.enqueue_dma source(%arg11 : memref<64x128xf32, #tpu.memory_space<vmem>>) target(%dma_start3A_38 : memref<64x128xf32, #tpu.memory_space<vmem_shared>>) target_semaphore(%run_scoped3A : memref<!tpu.dma_semaphore, #tpu.memory_space<semaphore_mem>>)
      %dma_wait3A = arith.constant 0 : i32
      %dma_wait3A_39 = tpu.memref_slice %arg12[%add3A_20, %dma_wait3A] : memref<10112x128xf32, #tpu.memory_space<vmem_shared>> -> memref<64x128xf32, #tpu.memory_space<vmem_shared>>
      %dma_wait3A_40 = arith.constant 0 : i32
      %dma_wait3A_41 = tpu.memref_slice %arg12[%add3A_20, %dma_wait3A_40] : memref<10112x128xf32, #tpu.memory_space<vmem_shared>> -> memref<64x128xf32, #tpu.memory_space<vmem_shared>>
      tpu.wait_dma2 semaphore(%run_scoped3A : memref<!tpu.dma_semaphore, #tpu.memory_space<semaphore_mem>>) src(%arg11 : memref<64x128xf32, #tpu.memory_space<vmem>>) dst(%dma_wait3A_41 : memref<64x128xf32, #tpu.memory_space<vmem_shared>>)
      tpu.yield
    }) : () -> ()
    %add3A_21 = arith.constant 384 : i32
    %add3A_22 = arith.addi %mul3A_2, %add3A_21 : i32
    "tpu.region"() ({
      %run_scoped3A = tpu.sem_alloc : memref<!tpu.dma_semaphore, #tpu.memory_space<semaphore_mem>>
      %dma_start3A = arith.constant 0 : i32
      %dma_start3A_36 = tpu.memref_slice %arg12[%add3A_22, %dma_start3A] : memref<10112x128xf32, #tpu.memory_space<vmem_shared>> -> memref<64x128xf32, #tpu.memory_space<vmem_shared>>
      %dma_start3A_37 = arith.constant 0 : i32
      %dma_start3A_38 = tpu.memref_slice %arg12[%add3A_22, %dma_start3A_37] : memref<10112x128xf32, #tpu.memory_space<vmem_shared>> -> memref<64x128xf32, #tpu.memory_space<vmem_shared>>
      tpu.enqueue_dma source(%arg11 : memref<64x128xf32, #tpu.memory_space<vmem>>) target(%dma_start3A_38 : memref<64x128xf32, #tpu.memory_space<vmem_shared>>) target_semaphore(%run_scoped3A : memref<!tpu.dma_semaphore, #tpu.memory_space<semaphore_mem>>)
      %dma_wait3A = arith.constant 0 : i32
      %dma_wait3A_39 = tpu.memref_slice %arg12[%add3A_22, %dma_wait3A] : memref<10112x128xf32, #tpu.memory_space<vmem_shared>> -> memref<64x128xf32, #tpu.memory_space<vmem_shared>>
      %dma_wait3A_40 = arith.constant 0 : i32
      %dma_wait3A_41 = tpu.memref_slice %arg12[%add3A_22, %dma_wait3A_40] : memref<10112x128xf32, #tpu.memory_space<vmem_shared>> -> memref<64x128xf32, #tpu.memory_space<vmem_shared>>
      tpu.wait_dma2 semaphore(%run_scoped3A : memref<!tpu.dma_semaphore, #tpu.memory_space<semaphore_mem>>) src(%arg11 : memref<64x128xf32, #tpu.memory_space<vmem>>) dst(%dma_wait3A_41 : memref<64x128xf32, #tpu.memory_space<vmem_shared>>)
      tpu.yield
    }) : () -> ()
    %add3A_23 = arith.constant 448 : i32
    %add3A_24 = arith.addi %mul3A_2, %add3A_23 : i32
    "tpu.region"() ({
      %run_scoped3A = tpu.sem_alloc : memref<!tpu.dma_semaphore, #tpu.memory_space<semaphore_mem>>
      %dma_start3A = arith.constant 0 : i32
      %dma_start3A_36 = tpu.memref_slice %arg12[%add3A_24, %dma_start3A] : memref<10112x128xf32, #tpu.memory_space<vmem_shared>> -> memref<64x128xf32, #tpu.memory_space<vmem_shared>>
      %dma_start3A_37 = arith.constant 0 : i32
      %dma_start3A_38 = tpu.memref_slice %arg12[%add3A_24, %dma_start3A_37] : memref<10112x128xf32, #tpu.memory_space<vmem_shared>> -> memref<64x128xf32, #tpu.memory_space<vmem_shared>>
      tpu.enqueue_dma source(%arg11 : memref<64x128xf32, #tpu.memory_space<vmem>>) target(%dma_start3A_38 : memref<64x128xf32, #tpu.memory_space<vmem_shared>>) target_semaphore(%run_scoped3A : memref<!tpu.dma_semaphore, #tpu.memory_space<semaphore_mem>>)
      %dma_wait3A = arith.constant 0 : i32
      %dma_wait3A_39 = tpu.memref_slice %arg12[%add3A_24, %dma_wait3A] : memref<10112x128xf32, #tpu.memory_space<vmem_shared>> -> memref<64x128xf32, #tpu.memory_space<vmem_shared>>
      %dma_wait3A_40 = arith.constant 0 : i32
      %dma_wait3A_41 = tpu.memref_slice %arg12[%add3A_24, %dma_wait3A_40] : memref<10112x128xf32, #tpu.memory_space<vmem_shared>> -> memref<64x128xf32, #tpu.memory_space<vmem_shared>>
      tpu.wait_dma2 semaphore(%run_scoped3A : memref<!tpu.dma_semaphore, #tpu.memory_space<semaphore_mem>>) src(%arg11 : memref<64x128xf32, #tpu.memory_space<vmem>>) dst(%dma_wait3A_41 : memref<64x128xf32, #tpu.memory_space<vmem_shared>>)
      tpu.yield
    }) : () -> ()
    %add3A_25 = arith.constant 512 : i32
    %add3A_26 = arith.addi %mul3A_2, %add3A_25 : i32
    "tpu.region"() ({
      %run_scoped3A = tpu.sem_alloc : memref<!tpu.dma_semaphore, #tpu.memory_space<semaphore_mem>>
      %dma_start3A = arith.constant 0 : i32
      %dma_start3A_36 = tpu.memref_slice %arg12[%add3A_26, %dma_start3A] : memref<10112x128xf32, #tpu.memory_space<vmem_shared>> -> memref<64x128xf32, #tpu.memory_space<vmem_shared>>
      %dma_start3A_37 = arith.constant 0 : i32
      %dma_start3A_38 = tpu.memref_slice %arg12[%add3A_26, %dma_start3A_37] : memref<10112x128xf32, #tpu.memory_space<vmem_shared>> -> memref<64x128xf32, #tpu.memory_space<vmem_shared>>
      tpu.enqueue_dma source(%arg11 : memref<64x128xf32, #tpu.memory_space<vmem>>) target(%dma_start3A_38 : memref<64x128xf32, #tpu.memory_space<vmem_shared>>) target_semaphore(%run_scoped3A : memref<!tpu.dma_semaphore, #tpu.memory_space<semaphore_mem>>)
      %dma_wait3A = arith.constant 0 : i32
      %dma_wait3A_39 = tpu.memref_slice %arg12[%add3A_26, %dma_wait3A] : memref<10112x128xf32, #tpu.memory_space<vmem_shared>> -> memref<64x128xf32, #tpu.memory_space<vmem_shared>>
      %dma_wait3A_40 = arith.constant 0 : i32
      %dma_wait3A_41 = tpu.memref_slice %arg12[%add3A_26, %dma_wait3A_40] : memref<10112x128xf32, #tpu.memory_space<vmem_shared>> -> memref<64x128xf32, #tpu.memory_space<vmem_shared>>
      tpu.wait_dma2 semaphore(%run_scoped3A : memref<!tpu.dma_semaphore, #tpu.memory_space<semaphore_mem>>) src(%arg11 : memref<64x128xf32, #tpu.memory_space<vmem>>) dst(%dma_wait3A_41 : memref<64x128xf32, #tpu.memory_space<vmem_shared>>)
      tpu.yield
    }) : () -> ()
    %add3A_27 = arith.constant 576 : i32
    %add3A_28 = arith.addi %mul3A_2, %add3A_27 : i32
    "tpu.region"() ({
      %run_scoped3A = tpu.sem_alloc : memref<!tpu.dma_semaphore, #tpu.memory_space<semaphore_mem>>
      %dma_start3A = arith.constant 0 : i32
      %dma_start3A_36 = arith.constant 0 : i32
      %dma_start3A_37 = tpu.memref_slice %arg11[%dma_start3A, %dma_start3A_36] : memref<64x128xf32, #tpu.memory_space<vmem>> -> memref<56x128xf32, #tpu.memory_space<vmem>>
      %dma_start3A_38 = arith.constant 0 : i32
      %dma_start3A_39 = tpu.memref_slice %arg12[%add3A_28, %dma_start3A_38] : memref<10112x128xf32, #tpu.memory_space<vmem_shared>> -> memref<56x128xf32, #tpu.memory_space<vmem_shared>>
      %dma_start3A_40 = arith.constant 0 : i32
      %dma_start3A_41 = tpu.memref_slice %arg12[%add3A_28, %dma_start3A_40] : memref<10112x128xf32, #tpu.memory_space<vmem_shared>> -> memref<56x128xf32, #tpu.memory_space<vmem_shared>>
      %dma_start3A_42 = arith.constant 0 : i32
      %dma_start3A_43 = arith.constant 0 : i32
      %dma_start3A_44 = tpu.memref_slice %arg11[%dma_start3A_42, %dma_start3A_43] : memref<64x128xf32, #tpu.memory_space<vmem>> -> memref<56x128xf32, #tpu.memory_space<vmem>>
      tpu.enqueue_dma source(%dma_start3A_44 : memref<56x128xf32, #tpu.memory_space<vmem>>) target(%dma_start3A_41 : memref<56x128xf32, #tpu.memory_space<vmem_shared>>) target_semaphore(%run_scoped3A : memref<!tpu.dma_semaphore, #tpu.memory_space<semaphore_mem>>)
      %dma_wait3A = arith.constant 0 : i32
      %dma_wait3A_45 = arith.constant 0 : i32
      %dma_wait3A_46 = tpu.memref_slice %arg11[%dma_wait3A, %dma_wait3A_45] : memref<64x128xf32, #tpu.memory_space<vmem>> -> memref<56x128xf32, #tpu.memory_space<vmem>>
      %dma_wait3A_47 = arith.constant 0 : i32
      %dma_wait3A_48 = tpu.memref_slice %arg12[%add3A_28, %dma_wait3A_47] : memref<10112x128xf32, #tpu.memory_space<vmem_shared>> -> memref<56x128xf32, #tpu.memory_space<vmem_shared>>
      %dma_wait3A_49 = arith.constant 0 : i32
      %dma_wait3A_50 = tpu.memref_slice %arg12[%add3A_28, %dma_wait3A_49] : memref<10112x128xf32, #tpu.memory_space<vmem_shared>> -> memref<56x128xf32, #tpu.memory_space<vmem_shared>>
      %dma_wait3A_51 = arith.constant 0 : i32
      %dma_wait3A_52 = arith.constant 0 : i32
      %dma_wait3A_53 = tpu.memref_slice %arg11[%dma_wait3A_51, %dma_wait3A_52] : memref<64x128xf32, #tpu.memory_space<vmem>> -> memref<56x128xf32, #tpu.memory_space<vmem>>
      tpu.wait_dma2 semaphore(%run_scoped3A : memref<!tpu.dma_semaphore, #tpu.memory_space<semaphore_mem>>) src(%dma_wait3A_53 : memref<56x128xf32, #tpu.memory_space<vmem>>) dst(%dma_wait3A_50 : memref<56x128xf32, #tpu.memory_space<vmem_shared>>)
      tpu.yield
    }) : () -> ()
    %barrier3A = arith.constant 0 : index
    tpu.barrier barrier_id(%barrier3A)
    %scan3A_29 = arith.constant 0 : i32
    %scan3A_30 = arith.constant 0 : i32
    %scan3A_31 = arith.constant 10 : i32
    %scan3A_32 = arith.addi %scan3A_30, %scan3A_31 : i32
    %scan3A_33 = arith.constant 1 : i32
    scf.for %scan3A_36 = %scan3A_30 to %scan3A_32 step %scan3A_33  : i32 {
      %mul3A_37 = arith.constant 8 : i32
      %mul3A_38 = arith.muli %scan3A_36, %mul3A_37 : i32
      "tpu.region"() ({
        %run_scoped3A = tpu.sem_alloc : memref<!tpu.dma_semaphore, #tpu.memory_space<semaphore_mem>>
        %dma_start3A = arith.constant 0 : i32
        %dma_start3A_49 = tpu.memref_slice %arg3[%add3A, %mul3A_38, %dma_start3A] : memref<32x80x128xi32, #tpu.memory_space<hbm>> -> memref<1x8x128xi32, #tpu.memory_space<hbm>>
        %dma_start3A_50 = tpu.memref_squeeze %dma_start3A_49 : memref<1x8x128xi32, #tpu.memory_space<hbm>> -> memref<8x128xi32, #tpu.memory_space<hbm>>
        %dma_start3A_51 = arith.constant 0 : i32
        %dma_start3A_52 = tpu.memref_slice %arg3[%add3A, %mul3A_38, %dma_start3A_51] : memref<32x80x128xi32, #tpu.memory_space<hbm>> -> memref<1x8x128xi32, #tpu.memory_space<hbm>>
        %dma_start3A_53 = tpu.memref_squeeze %dma_start3A_52 : memref<1x8x128xi32, #tpu.memory_space<hbm>> -> memref<8x128xi32, #tpu.memory_space<hbm>>
        tpu.enqueue_dma source(%dma_start3A_53 : memref<8x128xi32, #tpu.memory_space<hbm>>) target(%arg7 : memref<8x128xi32, #tpu.memory_space<vmem>>) target_semaphore(%run_scoped3A : memref<!tpu.dma_semaphore, #tpu.memory_space<semaphore_mem>>)
        %dma_wait3A = arith.constant 0 : i32
        %dma_wait3A_54 = tpu.memref_slice %arg3[%add3A, %mul3A_38, %dma_wait3A] : memref<32x80x128xi32, #tpu.memory_space<hbm>> -> memref<1x8x128xi32, #tpu.memory_space<hbm>>
        %dma_wait3A_55 = tpu.memref_squeeze %dma_wait3A_54 : memref<1x8x128xi32, #tpu.memory_space<hbm>> -> memref<8x128xi32, #tpu.memory_space<hbm>>
        %dma_wait3A_56 = arith.constant 0 : i32
        %dma_wait3A_57 = tpu.memref_slice %arg3[%add3A, %mul3A_38, %dma_wait3A_56] : memref<32x80x128xi32, #tpu.memory_space<hbm>> -> memref<1x8x128xi32, #tpu.memory_space<hbm>>
        %dma_wait3A_58 = tpu.memref_squeeze %dma_wait3A_57 : memref<1x8x128xi32, #tpu.memory_space<hbm>> -> memref<8x128xi32, #tpu.memory_space<hbm>>
        tpu.wait_dma2 semaphore(%run_scoped3A : memref<!tpu.dma_semaphore, #tpu.memory_space<semaphore_mem>>) src(%dma_wait3A_58 : memref<8x128xi32, #tpu.memory_space<hbm>>) dst(%arg7 : memref<8x128xi32, #tpu.memory_space<vmem>>)
        tpu.yield
      }) : () -> ()
      %mul3A_39 = arith.constant 8 : i32
      %mul3A_40 = arith.muli %scan3A_36, %mul3A_39 : i32
      "tpu.region"() ({
        %run_scoped3A = tpu.sem_alloc : memref<!tpu.dma_semaphore, #tpu.memory_space<semaphore_mem>>
        %dma_start3A = arith.constant 0 : i32
        %dma_start3A_49 = tpu.memref_slice %arg4[%add3A, %mul3A_40, %dma_start3A] : memref<32x80x128xi32, #tpu.memory_space<hbm>> -> memref<1x8x128xi32, #tpu.memory_space<hbm>>
        %dma_start3A_50 = tpu.memref_squeeze %dma_start3A_49 : memref<1x8x128xi32, #tpu.memory_space<hbm>> -> memref<8x128xi32, #tpu.memory_space<hbm>>
        %dma_start3A_51 = arith.constant 0 : i32
        %dma_start3A_52 = tpu.memref_slice %arg4[%add3A, %mul3A_40, %dma_start3A_51] : memref<32x80x128xi32, #tpu.memory_space<hbm>> -> memref<1x8x128xi32, #tpu.memory_space<hbm>>
        %dma_start3A_53 = tpu.memref_squeeze %dma_start3A_52 : memref<1x8x128xi32, #tpu.memory_space<hbm>> -> memref<8x128xi32, #tpu.memory_space<hbm>>
        tpu.enqueue_dma source(%dma_start3A_53 : memref<8x128xi32, #tpu.memory_space<hbm>>) target(%arg8 : memref<8x128xi32, #tpu.memory_space<vmem>>) target_semaphore(%run_scoped3A : memref<!tpu.dma_semaphore, #tpu.memory_space<semaphore_mem>>)
        %dma_wait3A = arith.constant 0 : i32
        %dma_wait3A_54 = tpu.memref_slice %arg4[%add3A, %mul3A_40, %dma_wait3A] : memref<32x80x128xi32, #tpu.memory_space<hbm>> -> memref<1x8x128xi32, #tpu.memory_space<hbm>>
        %dma_wait3A_55 = tpu.memref_squeeze %dma_wait3A_54 : memref<1x8x128xi32, #tpu.memory_space<hbm>> -> memref<8x128xi32, #tpu.memory_space<hbm>>
        %dma_wait3A_56 = arith.constant 0 : i32
        %dma_wait3A_57 = tpu.memref_slice %arg4[%add3A, %mul3A_40, %dma_wait3A_56] : memref<32x80x128xi32, #tpu.memory_space<hbm>> -> memref<1x8x128xi32, #tpu.memory_space<hbm>>
        %dma_wait3A_58 = tpu.memref_squeeze %dma_wait3A_57 : memref<1x8x128xi32, #tpu.memory_space<hbm>> -> memref<8x128xi32, #tpu.memory_space<hbm>>
        tpu.wait_dma2 semaphore(%run_scoped3A : memref<!tpu.dma_semaphore, #tpu.memory_space<semaphore_mem>>) src(%dma_wait3A_58 : memref<8x128xi32, #tpu.memory_space<hbm>>) dst(%arg8 : memref<8x128xi32, #tpu.memory_space<vmem>>)
        tpu.yield
      }) : () -> ()
      %mul3A_41 = arith.constant 8 : i32
      %mul3A_42 = arith.muli %scan3A_36, %mul3A_41 : i32
      "tpu.region"() ({
        %run_scoped3A = tpu.sem_alloc : memref<!tpu.dma_semaphore, #tpu.memory_space<semaphore_mem>>
        %dma_start3A = arith.constant 0 : i32
        %dma_start3A_49 = tpu.memref_slice %arg5[%add3A, %mul3A_42, %dma_start3A] : memref<32x80x128xf32, #tpu.memory_space<hbm>> -> memref<1x8x128xf32, #tpu.memory_space<hbm>>
        %dma_start3A_50 = tpu.memref_squeeze %dma_start3A_49 : memref<1x8x128xf32, #tpu.memory_space<hbm>> -> memref<8x128xf32, #tpu.memory_space<hbm>>
        %dma_start3A_51 = arith.constant 0 : i32
        %dma_start3A_52 = tpu.memref_slice %arg5[%add3A, %mul3A_42, %dma_start3A_51] : memref<32x80x128xf32, #tpu.memory_space<hbm>> -> memref<1x8x128xf32, #tpu.memory_space<hbm>>
        %dma_start3A_53 = tpu.memref_squeeze %dma_start3A_52 : memref<1x8x128xf32, #tpu.memory_space<hbm>> -> memref<8x128xf32, #tpu.memory_space<hbm>>
        tpu.enqueue_dma source(%dma_start3A_53 : memref<8x128xf32, #tpu.memory_space<hbm>>) target(%arg9 : memref<8x128xf32, #tpu.memory_space<vmem>>) target_semaphore(%run_scoped3A : memref<!tpu.dma_semaphore, #tpu.memory_space<semaphore_mem>>)
        %dma_wait3A = arith.constant 0 : i32
        %dma_wait3A_54 = tpu.memref_slice %arg5[%add3A, %mul3A_42, %dma_wait3A] : memref<32x80x128xf32, #tpu.memory_space<hbm>> -> memref<1x8x128xf32, #tpu.memory_space<hbm>>
        %dma_wait3A_55 = tpu.memref_squeeze %dma_wait3A_54 : memref<1x8x128xf32, #tpu.memory_space<hbm>> -> memref<8x128xf32, #tpu.memory_space<hbm>>
        %dma_wait3A_56 = arith.constant 0 : i32
        %dma_wait3A_57 = tpu.memref_slice %arg5[%add3A, %mul3A_42, %dma_wait3A_56] : memref<32x80x128xf32, #tpu.memory_space<hbm>> -> memref<1x8x128xf32, #tpu.memory_space<hbm>>
        %dma_wait3A_58 = tpu.memref_squeeze %dma_wait3A_57 : memref<1x8x128xf32, #tpu.memory_space<hbm>> -> memref<8x128xf32, #tpu.memory_space<hbm>>
        tpu.wait_dma2 semaphore(%run_scoped3A : memref<!tpu.dma_semaphore, #tpu.memory_space<semaphore_mem>>) src(%dma_wait3A_58 : memref<8x128xf32, #tpu.memory_space<hbm>>) dst(%arg9 : memref<8x128xf32, #tpu.memory_space<vmem>>)
        tpu.yield
      }) : () -> ()
      %scan3A_43 = arith.constant 0 : i32
      %scan3A_44 = arith.constant 0 : i32
      %scan3A_45 = arith.constant 8 : i32
      %scan3A_46 = arith.addi %scan3A_44, %scan3A_45 : i32
      %scan3A_47 = arith.constant 1 : i32
      scf.for %scan3A_49 = %scan3A_44 to %scan3A_46 step %scan3A_47  : i32 {
        %dma_start3A = arith.constant 0 : i32
        %dma_start3A_50 = tpu.memref_slice %arg7[%scan3A_49, %dma_start3A] : memref<8x128xi32, #tpu.memory_space<vmem>> -> memref<1x128xi32, #tpu.memory_space<vmem>>
        %dma_start3A_51 = tpu.memref_squeeze %dma_start3A_50 : memref<1x128xi32, #tpu.memory_space<vmem>> -> memref<128xi32, #tpu.memory_space<vmem>>
        %dma_start3A_52 = arith.constant 0 : i32
        %dma_start3A_53 = arith.constant 0 : i32
        %dma_start3A_54 = tpu.memref_slice %arg2[%dma_start3A_52, %dma_start3A_53] : memref<10000x128xf32, #tpu.memory_space<hbm>> -> memref<10000x128xf32, #tpu.memory_space<hbm>>
        tpu.enqueue_indirect_dma source(%dma_start3A_54 : memref<10000x128xf32, #tpu.memory_space<hbm>>) target(%arg10 : memref<128x128xf32, #tpu.memory_space<vmem>>) offsets(%dma_start3A_51 : memref<128xi32, #tpu.memory_space<vmem>>) semaphore(%arg13 : memref<!tpu.dma_semaphore, #tpu.memory_space<semaphore_mem>>)
        %dma_wait3A = arith.constant 0 : i32
        %dma_wait3A_55 = tpu.memref_slice %arg7[%scan3A_49, %dma_wait3A] : memref<8x128xi32, #tpu.memory_space<vmem>> -> memref<1x128xi32, #tpu.memory_space<vmem>>
        %dma_wait3A_56 = tpu.memref_squeeze %dma_wait3A_55 : memref<1x128xi32, #tpu.memory_space<vmem>> -> memref<128xi32, #tpu.memory_space<vmem>>
        %dma_wait3A_57 = arith.constant 0 : i32
        %dma_wait3A_58 = arith.constant 0 : i32
        %dma_wait3A_59 = tpu.memref_slice %arg2[%dma_wait3A_57, %dma_wait3A_58] : memref<10000x128xf32, #tpu.memory_space<hbm>> -> memref<10000x128xf32, #tpu.memory_space<hbm>>
        tpu.wait_indirect_dma semaphore(%arg13 : memref<!tpu.dma_semaphore, #tpu.memory_space<semaphore_mem>>) src(%dma_wait3A_59 : memref<10000x128xf32, #tpu.memory_space<hbm>>) dst(%arg10 : memref<128x128xf32, #tpu.memory_space<vmem>>)
        %scan3A_60 = arith.constant 0 : i32
        %scan3A_61 = arith.constant 0 : i32
        %scan3A_62 = arith.constant 8 : i32
        %scan3A_63 = arith.addi %scan3A_61, %scan3A_62 : i32
        %scan3A_64 = arith.constant 1 : i32
        scf.for %scan3A_66 = %scan3A_61 to %scan3A_63 step %scan3A_64  : i32 {
          %mul3A_67 = arith.constant 16 : i32
          %mul3A_68 = arith.muli %scan3A_66, %mul3A_67 : i32
          %get3A = arith.index_cast %scan3A_49 : i32 to index
          %get3A_69 = arith.index_cast %mul3A_68 : i32 to index
          %get3A_70 = tpu.vector_load %arg9[%get3A, %get3A_69] {strides = array<i32>} : memref<8x128xf32, #tpu.memory_space<vmem>>, vector<1x16xf32>,
          %get3A_71 = vector.shape_cast %get3A_70 : vector<1x16xf32> to vector<16xf32>
          %slice3A = vector.extract_strided_slice %get3A_71 {offsets = [0], sizes = [1], strides = [1]} : vector<16xf32> to vector<1xf32>
          %squeeze3A = vector.extract %slice3A[0] : f32 from vector<1xf32>
          %mul3A_72 = arith.constant 16 : i32
          %mul3A_73 = arith.muli %scan3A_66, %mul3A_72 : i32
          %add3A_74 = arith.constant 0 : i32
          %add3A_75 = arith.addi %mul3A_73, %add3A_74 : i32
          %get3A_76 = arith.index_cast %add3A_75 : i32 to index
          %get3A_77 = arith.constant 0 : index
          %get3A_78 = tpu.vector_load %arg10[%get3A_76, %get3A_77] {strides = array<i32>} : memref<128x128xf32, #tpu.memory_space<vmem>>, vector<1x16xf32>,
          %get3A_79 = vector.shape_cast %get3A_78 : vector<1x16xf32> to vector<16xf32>
          %mul3A_80 = vector.broadcast %squeeze3A : f32 to vector<16xf32>
          %mul3A_81 = arith.mulf %get3A_79, %mul3A_80 : vector<16xf32>
          %mul3A_82 = arith.constant 16 : i32
          %mul3A_83 = arith.muli %scan3A_66, %mul3A_82 : i32
          %add3A_84 = arith.constant 0 : i32
          %add3A_85 = arith.addi %mul3A_83, %add3A_84 : i32
          %swap3A = arith.index_cast %add3A_85 : i32 to index
          %swap3A_86 = arith.constant 0 : index
          %swap3A_87 = tpu.vector_load %arg10[%swap3A, %swap3A_86] {strides = array<i32>} : memref<128x128xf32, #tpu.memory_space<vmem>>, vector<1x16xf32>,
          %swap3A_88 = vector.shape_cast %swap3A_87 : vector<1x16xf32> to vector<16xf32>
          %swap3A_89 = vector.shape_cast %mul3A_81 : vector<16xf32> to vector<1x16xf32>
          tpu.vector_store %arg10[%swap3A, %swap3A_86], %swap3A_89 {strides = array<i32>} : memref<128x128xf32, #tpu.memory_space<vmem>>, vector<1x16xf32>,
          %mul3A_90 = arith.constant 16 : i32
          %mul3A_91 = arith.muli %scan3A_66, %mul3A_90 : i32
          %add3A_92 = arith.constant 0 : i32
          %add3A_93 = arith.addi %mul3A_91, %add3A_92 : i32
          %get3A_94 = arith.index_cast %add3A_93 : i32 to index
          %get3A_95 = arith.constant 16 : index
          %get3A_96 = tpu.vector_load %arg10[%get3A_94, %get3A_95] {strides = array<i32>} : memref<128x128xf32, #tpu.memory_space<vmem>>, vector<1x16xf32>,
          %get3A_97 = vector.shape_cast %get3A_96 : vector<1x16xf32> to vector<16xf32>
          %mul3A_98 = vector.broadcast %squeeze3A : f32 to vector<16xf32>
          %mul3A_99 = arith.mulf %get3A_97, %mul3A_98 : vector<16xf32>
          %mul3A_100 = arith.constant 16 : i32
          %mul3A_101 = arith.muli %scan3A_66, %mul3A_100 : i32
          %add3A_102 = arith.constant 0 : i32
          %add3A_103 = arith.addi %mul3A_101, %add3A_102 : i32
          %swap3A_104 = arith.index_cast %add3A_103 : i32 to index
          %swap3A_105 = arith.constant 16 : index
          %swap3A_106 = tpu.vector_load %arg10[%swap3A_104, %swap3A_105] {strides = array<i32>} : memref<128x128xf32, #tpu.memory_space<vmem>>, vector<1x16xf32>,
          %swap3A_107 = vector.shape_cast %swap3A_106 : vector<1x16xf32> to vector<16xf32>
          %swap3A_108 = vector.shape_cast %mul3A_99 : vector<16xf32> to vector<1x16xf32>
          tpu.vector_store %arg10[%swap3A_104, %swap3A_105], %swap3A_108 {strides = array<i32>} : memref<128x128xf32, #tpu.memory_space<vmem>>, vector<1x16xf32>,
          %mul3A_109 = arith.constant 16 : i32
          %mul3A_110 = arith.muli %scan3A_66, %mul3A_109 : i32
          %add3A_111 = arith.constant 0 : i32
          %add3A_112 = arith.addi %mul3A_110, %add3A_111 : i32
          %get3A_113 = arith.index_cast %add3A_112 : i32 to index
          %get3A_114 = arith.constant 32 : index
          %get3A_115 = tpu.vector_load %arg10[%get3A_113, %get3A_114] {strides = array<i32>} : memref<128x128xf32, #tpu.memory_space<vmem>>, vector<1x16xf32>,
          %get3A_116 = vector.shape_cast %get3A_115 : vector<1x16xf32> to vector<16xf32>
          %mul3A_117 = vector.broadcast %squeeze3A : f32 to vector<16xf32>
          %mul3A_118 = arith.mulf %get3A_116, %mul3A_117 : vector<16xf32>
          %mul3A_119 = arith.constant 16 : i32
          %mul3A_120 = arith.muli %scan3A_66, %mul3A_119 : i32
          %add3A_121 = arith.constant 0 : i32
          %add3A_122 = arith.addi %mul3A_120, %add3A_121 : i32
          %swap3A_123 = arith.index_cast %add3A_122 : i32 to index
          %swap3A_124 = arith.constant 32 : index
          %swap3A_125 = tpu.vector_load %arg10[%swap3A_123, %swap3A_124] {strides = array<i32>} : memref<128x128xf32, #tpu.memory_space<vmem>>, vector<1x16xf32>,
          %swap3A_126 = vector.shape_cast %swap3A_125 : vector<1x16xf32> to vector<16xf32>
          %swap3A_127 = vector.shape_cast %mul3A_118 : vector<16xf32> to vector<1x16xf32>
          tpu.vector_store %arg10[%swap3A_123, %swap3A_124], %swap3A_127 {strides = array<i32>} : memref<128x128xf32, #tpu.memory_space<vmem>>, vector<1x16xf32>,
          %mul3A_128 = arith.constant 16 : i32
          %mul3A_129 = arith.muli %scan3A_66, %mul3A_128 : i32
          %add3A_130 = arith.constant 0 : i32
          %add3A_131 = arith.addi %mul3A_129, %add3A_130 : i32
          %get3A_132 = arith.index_cast %add3A_131 : i32 to index
          %get3A_133 = arith.constant 48 : index
          %get3A_134 = tpu.vector_load %arg10[%get3A_132, %get3A_133] {strides = array<i32>} : memref<128x128xf32, #tpu.memory_space<vmem>>, vector<1x16xf32>,
          %get3A_135 = vector.shape_cast %get3A_134 : vector<1x16xf32> to vector<16xf32>
          %mul3A_136 = vector.broadcast %squeeze3A : f32 to vector<16xf32>
          %mul3A_137 = arith.mulf %get3A_135, %mul3A_136 : vector<16xf32>
          %mul3A_138 = arith.constant 16 : i32
          %mul3A_139 = arith.muli %scan3A_66, %mul3A_138 : i32
          %add3A_140 = arith.constant 0 : i32
          %add3A_141 = arith.addi %mul3A_139, %add3A_140 : i32
          %swap3A_142 = arith.index_cast %add3A_141 : i32 to index
          %swap3A_143 = arith.constant 48 : index
          %swap3A_144 = tpu.vector_load %arg10[%swap3A_142, %swap3A_143] {strides = array<i32>} : memref<128x128xf32, #tpu.memory_space<vmem>>, vector<1x16xf32>,
          %swap3A_145 = vector.shape_cast %swap3A_144 : vector<1x16xf32> to vector<16xf32>
          %swap3A_146 = vector.shape_cast %mul3A_137 : vector<16xf32> to vector<1x16xf32>
          tpu.vector_store %arg10[%swap3A_142, %swap3A_143], %swap3A_146 {strides = array<i32>} : memref<128x128xf32, #tpu.memory_space<vmem>>, vector<1x16xf32>,
          %mul3A_147 = arith.constant 16 : i32
          %mul3A_148 = arith.muli %scan3A_66, %mul3A_147 : i32
          %add3A_149 = arith.constant 0 : i32
          %add3A_150 = arith.addi %mul3A_148, %add3A_149 : i32
          %get3A_151 = arith.index_cast %add3A_150 : i32 to index
          %get3A_152 = arith.constant 64 : index
          %get3A_153 = tpu.vector_load %arg10[%get3A_151, %get3A_152] {strides = array<i32>} : memref<128x128xf32, #tpu.memory_space<vmem>>, vector<1x16xf32>,
          %get3A_154 = vector.shape_cast %get3A_153 : vector<1x16xf32> to vector<16xf32>
          %mul3A_155 = vector.broadcast %squeeze3A : f32 to vector<16xf32>
          %mul3A_156 = arith.mulf %get3A_154, %mul3A_155 : vector<16xf32>
          %mul3A_157 = arith.constant 16 : i32
          %mul3A_158 = arith.muli %scan3A_66, %mul3A_157 : i32
          %add3A_159 = arith.constant 0 : i32
          %add3A_160 = arith.addi %mul3A_158, %add3A_159 : i32
          %swap3A_161 = arith.index_cast %add3A_160 : i32 to index
          %swap3A_162 = arith.constant 64 : index
          %swap3A_163 = tpu.vector_load %arg10[%swap3A_161, %swap3A_162] {strides = array<i32>} : memref<128x128xf32, #tpu.memory_space<vmem>>, vector<1x16xf32>,
          %swap3A_164 = vector.shape_cast %swap3A_163 : vector<1x16xf32> to vector<16xf32>
          %swap3A_165 = vector.shape_cast %mul3A_156 : vector<16xf32> to vector<1x16xf32>
          tpu.vector_store %arg10[%swap3A_161, %swap3A_162], %swap3A_165 {strides = array<i32>} : memref<128x128xf32, #tpu.memory_space<vmem>>, vector<1x16xf32>,
          %mul3A_166 = arith.constant 16 : i32
          %mul3A_167 = arith.muli %scan3A_66, %mul3A_166 : i32
          %add3A_168 = arith.constant 0 : i32
          %add3A_169 = arith.addi %mul3A_167, %add3A_168 : i32
          %get3A_170 = arith.index_cast %add3A_169 : i32 to index
          %get3A_171 = arith.constant 80 : index
          %get3A_172 = tpu.vector_load %arg10[%get3A_170, %get3A_171] {strides = array<i32>} : memref<128x128xf32, #tpu.memory_space<vmem>>, vector<1x16xf32>,
          %get3A_173 = vector.shape_cast %get3A_172 : vector<1x16xf32> to vector<16xf32>
          %mul3A_174 = vector.broadcast %squeeze3A : f32 to vector<16xf32>
          %mul3A_175 = arith.mulf %get3A_173, %mul3A_174 : vector<16xf32>
          %mul3A_176 = arith.constant 16 : i32
          %mul3A_177 = arith.muli %scan3A_66, %mul3A_176 : i32
          %add3A_178 = arith.constant 0 : i32
          %add3A_179 = arith.addi %mul3A_177, %add3A_178 : i32
          %swap3A_180 = arith.index_cast %add3A_179 : i32 to index
          %swap3A_181 = arith.constant 80 : index
          %swap3A_182 = tpu.vector_load %arg10[%swap3A_180, %swap3A_181] {strides = array<i32>} : memref<128x128xf32, #tpu.memory_space<vmem>>, vector<1x16xf32>,
          %swap3A_183 = vector.shape_cast %swap3A_182 : vector<1x16xf32> to vector<16xf32>
          %swap3A_184 = vector.shape_cast %mul3A_175 : vector<16xf32> to vector<1x16xf32>
          tpu.vector_store %arg10[%swap3A_180, %swap3A_181], %swap3A_184 {strides = array<i32>} : memref<128x128xf32, #tpu.memory_space<vmem>>, vector<1x16xf32>,
          %mul3A_185 = arith.constant 16 : i32
          %mul3A_186 = arith.muli %scan3A_66, %mul3A_185 : i32
          %add3A_187 = arith.constant 0 : i32
          %add3A_188 = arith.addi %mul3A_186, %add3A_187 : i32
          %get3A_189 = arith.index_cast %add3A_188 : i32 to index
          %get3A_190 = arith.constant 96 : index
          %get3A_191 = tpu.vector_load %arg10[%get3A_189, %get3A_190] {strides = array<i32>} : memref<128x128xf32, #tpu.memory_space<vmem>>, vector<1x16xf32>,
          %get3A_192 = vector.shape_cast %get3A_191 : vector<1x16xf32> to vector<16xf32>
          %mul3A_193 = vector.broadcast %squeeze3A : f32 to vector<16xf32>
          %mul3A_194 = arith.mulf %get3A_192, %mul3A_193 : vector<16xf32>
          %mul3A_195 = arith.constant 16 : i32
          %mul3A_196 = arith.muli %scan3A_66, %mul3A_195 : i32
          %add3A_197 = arith.constant 0 : i32
          %add3A_198 = arith.addi %mul3A_196, %add3A_197 : i32
          %swap3A_199 = arith.index_cast %add3A_198 : i32 to index
          %swap3A_200 = arith.constant 96 : index
          %swap3A_201 = tpu.vector_load %arg10[%swap3A_199, %swap3A_200] {strides = array<i32>} : memref<128x128xf32, #tpu.memory_space<vmem>>, vector<1x16xf32>,
          %swap3A_202 = vector.shape_cast %swap3A_201 : vector<1x16xf32> to vector<16xf32>
          %swap3A_203 = vector.shape_cast %mul3A_194 : vector<16xf32> to vector<1x16xf32>
          tpu.vector_store %arg10[%swap3A_199, %swap3A_200], %swap3A_203 {strides = array<i32>} : memref<128x128xf32, #tpu.memory_space<vmem>>, vector<1x16xf32>,
          %mul3A_204 = arith.constant 16 : i32
          %mul3A_205 = arith.muli %scan3A_66, %mul3A_204 : i32
          %add3A_206 = arith.constant 0 : i32
          %add3A_207 = arith.addi %mul3A_205, %add3A_206 : i32
          %get3A_208 = arith.index_cast %add3A_207 : i32 to index
          %get3A_209 = arith.constant 112 : index
          %get3A_210 = tpu.vector_load %arg10[%get3A_208, %get3A_209] {strides = array<i32>} : memref<128x128xf32, #tpu.memory_space<vmem>>, vector<1x16xf32>,
          %get3A_211 = vector.shape_cast %get3A_210 : vector<1x16xf32> to vector<16xf32>
          %mul3A_212 = vector.broadcast %squeeze3A : f32 to vector<16xf32>
          %mul3A_213 = arith.mulf %get3A_211, %mul3A_212 : vector<16xf32>
          %mul3A_214 = arith.constant 16 : i32
          %mul3A_215 = arith.muli %scan3A_66, %mul3A_214 : i32
          %add3A_216 = arith.constant 0 : i32
          %add3A_217 = arith.addi %mul3A_215, %add3A_216 : i32
          %swap3A_218 = arith.index_cast %add3A_217 : i32 to index
          %swap3A_219 = arith.constant 112 : index
          %swap3A_220 = tpu.vector_load %arg10[%swap3A_218, %swap3A_219] {strides = array<i32>} : memref<128x128xf32, #tpu.memory_space<vmem>>, vector<1x16xf32>,
          %swap3A_221 = vector.shape_cast %swap3A_220 : vector<1x16xf32> to vector<16xf32>
          %swap3A_222 = vector.shape_cast %mul3A_213 : vector<16xf32> to vector<1x16xf32>
          tpu.vector_store %arg10[%swap3A_218, %swap3A_219], %swap3A_222 {strides = array<i32>} : memref<128x128xf32, #tpu.memory_space<vmem>>, vector<1x16xf32>,
          %slice3A_223 = vector.extract_strided_slice %get3A_71 {offsets = [1], sizes = [1], strides = [1]} : vector<16xf32> to vector<1xf32>
          %squeeze3A_224 = vector.extract %slice3A_223[0] : f32 from vector<1xf32>
          %mul3A_225 = arith.constant 16 : i32
          %mul3A_226 = arith.muli %scan3A_66, %mul3A_225 : i32
          %add3A_227 = arith.constant 1 : i32
          %add3A_228 = arith.addi %mul3A_226, %add3A_227 : i32
          %get3A_229 = arith.index_cast %add3A_228 : i32 to index
          %get3A_230 = arith.constant 0 : index
          %get3A_231 = tpu.vector_load %arg10[%get3A_229, %get3A_230] {strides = array<i32>} : memref<128x128xf32, #tpu.memory_space<vmem>>, vector<1x16xf32>,
          %get3A_232 = vector.shape_cast %get3A_231 : vector<1x16xf32> to vector<16xf32>
          %mul3A_233 = vector.broadcast %squeeze3A_224 : f32 to vector<16xf32>
          %mul3A_234 = arith.mulf %get3A_232, %mul3A_233 : vector<16xf32>
          %mul3A_235 = arith.constant 16 : i32
          %mul3A_236 = arith.muli %scan3A_66, %mul3A_235 : i32
          %add3A_237 = arith.constant 1 : i32
          %add3A_238 = arith.addi %mul3A_236, %add3A_237 : i32
          %swap3A_239 = arith.index_cast %add3A_238 : i32 to index
          %swap3A_240 = arith.constant 0 : index
          %swap3A_241 = tpu.vector_load %arg10[%swap3A_239, %swap3A_240] {strides = array<i32>} : memref<128x128xf32, #tpu.memory_space<vmem>>, vector<1x16xf32>,
          %swap3A_242 = vector.shape_cast %swap3A_241 : vector<1x16xf32> to vector<16xf32>
          %swap3A_243 = vector.shape_cast %mul3A_234 : vector<16xf32> to vector<1x16xf32>
          tpu.vector_store %arg10[%swap3A_239, %swap3A_240], %swap3A_243 {strides = array<i32>} : memref<128x128xf32, #tpu.memory_space<vmem>>, vector<1x16xf32>,
          %mul3A_244 = arith.constant 16 : i32
          %mul3A_245 = arith.muli %scan3A_66, %mul3A_244 : i32
          %add3A_246 = arith.constant 1 : i32
          %add3A_247 = arith.addi %mul3A_245, %add3A_246 : i32
          %get3A_248 = arith.index_cast %add3A_247 : i32 to index
          %get3A_249 = arith.constant 16 : index
          %get3A_250 = tpu.vector_load %arg10[%get3A_248, %get3A_249] {strides = array<i32>} : memref<128x128xf32, #tpu.memory_space<vmem>>, vector<1x16xf32>,
          %get3A_251 = vector.shape_cast %get3A_250 : vector<1x16xf32> to vector<16xf32>
          %mul3A_252 = vector.broadcast %squeeze3A_224 : f32 to vector<16xf32>
          %mul3A_253 = arith.mulf %get3A_251, %mul3A_252 : vector<16xf32>
          %mul3A_254 = arith.constant 16 : i32
          %mul3A_255 = arith.muli %scan3A_66, %mul3A_254 : i32
          %add3A_256 = arith.constant 1 : i32
          %add3A_257 = arith.addi %mul3A_255, %add3A_256 : i32
          %swap3A_258 = arith.index_cast %add3A_257 : i32 to index
          %swap3A_259 = arith.constant 16 : index
          %swap3A_260 = tpu.vector_load %arg10[%swap3A_258, %swap3A_259] {strides = array<i32>} : memref<128x128xf32, #tpu.memory_space<vmem>>, vector<1x16xf32>,
          %swap3A_261 = vector.shape_cast %swap3A_260 : vector<1x16xf32> to vector<16xf32>
          %swap3A_262 = vector.shape_cast %mul3A_253 : vector<16xf32> to vector<1x16xf32>
          tpu.vector_store %arg10[%swap3A_258, %swap3A_259], %swap3A_262 {strides = array<i32>} : memref<128x128xf32, #tpu.memory_space<vmem>>, vector<1x16xf32>,
          %mul3A_263 = arith.constant 16 : i32
          %mul3A_264 = arith.muli %scan3A_66, %mul3A_263 : i32
          %add3A_265 = arith.constant 1 : i32
          %add3A_266 = arith.addi %mul3A_264, %add3A_265 : i32
          %get3A_267 = arith.index_cast %add3A_266 : i32 to index
          %get3A_268 = arith.constant 32 : index
          %get3A_269 = tpu.vector_load %arg10[%get3A_267, %get3A_268] {strides = array<i32>} : memref<128x128xf32, #tpu.memory_space<vmem>>, vector<1x16xf32>,
          %get3A_270 = vector.shape_cast %get3A_269 : vector<1x16xf32> to vector<16xf32>
          %mul3A_271 = vector.broadcast %squeeze3A_224 : f32 to vector<16xf32>
          %mul3A_272 = arith.mulf %get3A_270, %mul3A_271 : vector<16xf32>
          %mul3A_273 = arith.constant 16 : i32
          %mul3A_274 = arith.muli %scan3A_66, %mul3A_273 : i32
          %add3A_275 = arith.constant 1 : i32
          %add3A_276 = arith.addi %mul3A_274, %add3A_275 : i32
          %swap3A_277 = arith.index_cast %add3A_276 : i32 to index
          %swap3A_278 = arith.constant 32 : index
          %swap3A_279 = tpu.vector_load %arg10[%swap3A_277, %swap3A_278] {strides = array<i32>} : memref<128x128xf32, #tpu.memory_space<vmem>>, vector<1x16xf32>,
          %swap3A_280 = vector.shape_cast %swap3A_279 : vector<1x16xf32> to vector<16xf32>
          %swap3A_281 = vector.shape_cast %mul3A_272 : vector<16xf32> to vector<1x16xf32>
          tpu.vector_store %arg10[%swap3A_277, %swap3A_278], %swap3A_281 {strides = array<i32>} : memref<128x128xf32, #tpu.memory_space<vmem>>, vector<1x16xf32>,
          %mul3A_282 = arith.constant 16 : i32
          %mul3A_283 = arith.muli %scan3A_66, %mul3A_282 : i32
          %add3A_284 = arith.constant 1 : i32
          %add3A_285 = arith.addi %mul3A_283, %add3A_284 : i32
          %get3A_286 = arith.index_cast %add3A_285 : i32 to index
          %get3A_287 = arith.constant 48 : index
          %get3A_288 = tpu.vector_load %arg10[%get3A_286, %get3A_287] {strides = array<i32>} : memref<128x128xf32, #tpu.memory_space<vmem>>, vector<1x16xf32>,
          %get3A_289 = vector.shape_cast %get3A_288 : vector<1x16xf32> to vector<16xf32>
          %mul3A_290 = vector.broadcast %squeeze3A_224 : f32 to vector<16xf32>
          %mul3A_291 = arith.mulf %get3A_289, %mul3A_290 : vector<16xf32>
          %mul3A_292 = arith.constant 16 : i32
          %mul3A_293 = arith.muli %scan3A_66, %mul3A_292 : i32
          %add3A_294 = arith.constant 1 : i32
          %add3A_295 = arith.addi %mul3A_293, %add3A_294 : i32
          %swap3A_296 = arith.index_cast %add3A_295 : i32 to index
          %swap3A_297 = arith.constant 48 : index
          %swap3A_298 = tpu.vector_load %arg10[%swap3A_296, %swap3A_297] {strides = array<i32>} : memref<128x128xf32, #tpu.memory_space<vmem>>, vector<1x16xf32>,
          %swap3A_299 = vector.shape_cast %swap3A_298 : vector<1x16xf32> to vector<16xf32>
          %swap3A_300 = vector.shape_cast %mul3A_291 : vector<16xf32> to vector<1x16xf32>
          tpu.vector_store %arg10[%swap3A_296, %swap3A_297], %swap3A_300 {strides = array<i32>} : memref<128x128xf32, #tpu.memory_space<vmem>>, vector<1x16xf32>,
          %mul3A_301 = arith.constant 16 : i32
          %mul3A_302 = arith.muli %scan3A_66, %mul3A_301 : i32
          %add3A_303 = arith.constant 1 : i32
          %add3A_304 = arith.addi %mul3A_302, %add3A_303 : i32
          %get3A_305 = arith.index_cast %add3A_304 : i32 to index
          %get3A_306 = arith.constant 64 : index
          %get3A_307 = tpu.vector_load %arg10[%get3A_305, %get3A_306] {strides = array<i32>} : memref<128x128xf32, #tpu.memory_space<vmem>>, vector<1x16xf32>,
          %get3A_308 = vector.shape_cast %get3A_307 : vector<1x16xf32> to vector<16xf32>
          %mul3A_309 = vector.broadcast %squeeze3A_224 : f32 to vector<16xf32>
          %mul3A_310 = arith.mulf %get3A_308, %mul3A_309 : vector<16xf32>
          %mul3A_311 = arith.constant 16 : i32
          %mul3A_312 = arith.muli %scan3A_66, %mul3A_311 : i32
          %add3A_313 = arith.constant 1 : i32
          %add3A_314 = arith.addi %mul3A_312, %add3A_313 : i32
          %swap3A_315 = arith.index_cast %add3A_314 : i32 to index
          %swap3A_316 = arith.constant 64 : index
          %swap3A_317 = tpu.vector_load %arg10[%swap3A_315, %swap3A_316] {strides = array<i32>} : memref<128x128xf32, #tpu.memory_space<vmem>>, vector<1x16xf32>,
          %swap3A_318 = vector.shape_cast %swap3A_317 : vector<1x16xf32> to vector<16xf32>
          %swap3A_319 = vector.shape_cast %mul3A_310 : vector<16xf32> to vector<1x16xf32>
          tpu.vector_store %arg10[%swap3A_315, %swap3A_316], %swap3A_319 {strides = array<i32>} : memref<128x128xf32, #tpu.memory_space<vmem>>, vector<1x16xf32>,
          %mul3A_320 = arith.constant 16 : i32
          %mul3A_321 = arith.muli %scan3A_66, %mul3A_320 : i32
          %add3A_322 = arith.constant 1 : i32
          %add3A_323 = arith.addi %mul3A_321, %add3A_322 : i32
          %get3A_324 = arith.index_cast %add3A_323 : i32 to index
          %get3A_325 = arith.constant 80 : index
          %get3A_326 = tpu.vector_load %arg10[%get3A_324, %get3A_325] {strides = array<i32>} : memref<128x128xf32, #tpu.memory_space<vmem>>, vector<1x16xf32>,
          %get3A_327 = vector.shape_cast %get3A_326 : vector<1x16xf32> to vector<16xf32>
          %mul3A_328 = vector.broadcast %squeeze3A_224 : f32 to vector<16xf32>
          %mul3A_329 = arith.mulf %get3A_327, %mul3A_328 : vector<16xf32>
          %mul3A_330 = arith.constant 16 : i32
          %mul3A_331 = arith.muli %scan3A_66, %mul3A_330 : i32
          %add3A_332 = arith.constant 1 : i32
          %add3A_333 = arith.addi %mul3A_331, %add3A_332 : i32
          %swap3A_334 = arith.index_cast %add3A_333 : i32 to index
          %swap3A_335 = arith.constant 80 : index
          %swap3A_336 = tpu.vector_load %arg10[%swap3A_334, %swap3A_335] {strides = array<i32>} : memref<128x128xf32, #tpu.memory_space<vmem>>, vector<1x16xf32>,
          %swap3A_337 = vector.shape_cast %swap3A_336 : vector<1x16xf32> to vector<16xf32>
          %swap3A_338 = vector.shape_cast %mul3A_329 : vector<16xf32> to vector<1x16xf32>
          tpu.vector_store %arg10[%swap3A_334, %swap3A_335], %swap3A_338 {strides = array<i32>} : memref<128x128xf32, #tpu.memory_space<vmem>>, vector<1x16xf32>,
          %mul3A_339 = arith.constant 16 : i32
          %mul3A_340 = arith.muli %scan3A_66, %mul3A_339 : i32
          %add3A_341 = arith.constant 1 : i32
          %add3A_342 = arith.addi %mul3A_340, %add3A_341 : i32
          %get3A_343 = arith.index_cast %add3A_342 : i32 to index
          %get3A_344 = arith.constant 96 : index
          %get3A_345 = tpu.vector_load %arg10[%get3A_343, %get3A_344] {strides = array<i32>} : memref<128x128xf32, #tpu.memory_space<vmem>>, vector<1x16xf32>,
          %get3A_346 = vector.shape_cast %get3A_345 : vector<1x16xf32> to vector<16xf32>
          %mul3A_347 = vector.broadcast %squeeze3A_224 : f32 to vector<16xf32>
          %mul3A_348 = arith.mulf %get3A_346, %mul3A_347 : vector<16xf32>
          %mul3A_349 = arith.constant 16 : i32
          %mul3A_350 = arith.muli %scan3A_66, %mul3A_349 : i32
          %add3A_351 = arith.constant 1 : i32
          %add3A_352 = arith.addi %mul3A_350, %add3A_351 : i32
          %swap3A_353 = arith.index_cast %add3A_352 : i32 to index
          %swap3A_354 = arith.constant 96 : index
          %swap3A_355 = tpu.vector_load %arg10[%swap3A_353, %swap3A_354] {strides = array<i32>} : memref<128x128xf32, #tpu.memory_space<vmem>>, vector<1x16xf32>,
          %swap3A_356 = vector.shape_cast %swap3A_355 : vector<1x16xf32> to vector<16xf32>
          %swap3A_357 = vector.shape_cast %mul3A_348 : vector<16xf32> to vector<1x16xf32>
          tpu.vector_store %arg10[%swap3A_353, %swap3A_354], %swap3A_357 {strides = array<i32>} : memref<128x128xf32, #tpu.memory_space<vmem>>, vector<1x16xf32>,
          %mul3A_358 = arith.constant 16 : i32
          %mul3A_359 = arith.muli %scan3A_66, %mul3A_358 : i32
          %add3A_360 = arith.constant 1 : i32
          %add3A_361 = arith.addi %mul3A_359, %add3A_360 : i32
          %get3A_362 = arith.index_cast %add3A_361 : i32 to index
          %get3A_363 = arith.constant 112 : index
          %get3A_364 = tpu.vector_load %arg10[%get3A_362, %get3A_363] {strides = array<i32>} : memref<128x128xf32, #tpu.memory_space<vmem>>, vector<1x16xf32>,
          %get3A_365 = vector.shape_cast %get3A_364 : vector<1x16xf32> to vector<16xf32>
          %mul3A_366 = vector.broadcast %squeeze3A_224 : f32 to vector<16xf32>
          %mul3A_367 = arith.mulf %get3A_365, %mul3A_366 : vector<16xf32>
          %mul3A_368 = arith.constant 16 : i32
          %mul3A_369 = arith.muli %scan3A_66, %mul3A_368 : i32
          %add3A_370 = arith.constant 1 : i32
          %add3A_371 = arith.addi %mul3A_369, %add3A_370 : i32
          %swap3A_372 = arith.index_cast %add3A_371 : i32 to index
          %swap3A_373 = arith.constant 112 : index
          %swap3A_374 = tpu.vector_load %arg10[%swap3A_372, %swap3A_373] {strides = array<i32>} : memref<128x128xf32, #tpu.memory_space<vmem>>, vector<1x16xf32>,
          %swap3A_375 = vector.shape_cast %swap3A_374 : vector<1x16xf32> to vector<16xf32>
          %swap3A_376 = vector.shape_cast %mul3A_367 : vector<16xf32> to vector<1x16xf32>
          tpu.vector_store %arg10[%swap3A_372, %swap3A_373], %swap3A_376 {strides = array<i32>} : memref<128x128xf32, #tpu.memory_space<vmem>>, vector<1x16xf32>,
          %slice3A_377 = vector.extract_strided_slice %get3A_71 {offsets = [2], sizes = [1], strides = [1]} : vector<16xf32> to vector<1xf32>
          %squeeze3A_378 = vector.extract %slice3A_377[0] : f32 from vector<1xf32>
          %mul3A_379 = arith.constant 16 : i32
          %mul3A_380 = arith.muli %scan3A_66, %mul3A_379 : i32
          %add3A_381 = arith.constant 2 : i32
          %add3A_382 = arith.addi %mul3A_380, %add3A_381 : i32
          %get3A_383 = arith.index_cast %add3A_382 : i32 to index
          %get3A_384 = arith.constant 0 : index
          %get3A_385 = tpu.vector_load %arg10[%get3A_383, %get3A_384] {strides = array<i32>} : memref<128x128xf32, #tpu.memory_space<vmem>>, vector<1x16xf32>,
          %get3A_386 = vector.shape_cast %get3A_385 : vector<1x16xf32> to vector<16xf32>
          %mul3A_387 = vector.broadcast %squeeze3A_378 : f32 to vector<16xf32>
          %mul3A_388 = arith.mulf %get3A_386, %mul3A_387 : vector<16xf32>
          %mul3A_389 = arith.constant 16 : i32
          %mul3A_390 = arith.muli %scan3A_66, %mul3A_389 : i32
          %add3A_391 = arith.constant 2 : i32
          %add3A_392 = arith.addi %mul3A_390, %add3A_391 : i32
          %swap3A_393 = arith.index_cast %add3A_392 : i32 to index
          %swap3A_394 = arith.constant 0 : index
          %swap3A_395 = tpu.vector_load %arg10[%swap3A_393, %swap3A_394] {strides = array<i32>} : memref<128x128xf32, #tpu.memory_space<vmem>>, vector<1x16xf32>,
          %swap3A_396 = vector.shape_cast %swap3A_395 : vector<1x16xf32> to vector<16xf32>
          %swap3A_397 = vector.shape_cast %mul3A_388 : vector<16xf32> to vector<1x16xf32>
          tpu.vector_store %arg10[%swap3A_393, %swap3A_394], %swap3A_397 {strides = array<i32>} : memref<128x128xf32, #tpu.memory_space<vmem>>, vector<1x16xf32>,
          %mul3A_398 = arith.constant 16 : i32
          %mul3A_399 = arith.muli %scan3A_66, %mul3A_398 : i32
          %add3A_400 = arith.constant 2 : i32
          %add3A_401 = arith.addi %mul3A_399, %add3A_400 : i32
          %get3A_402 = arith.index_cast %add3A_401 : i32 to index
          %get3A_403 = arith.constant 16 : index
          %get3A_404 = tpu.vector_load %arg10[%get3A_402, %get3A_403] {strides = array<i32>} : memref<128x128xf32, #tpu.memory_space<vmem>>, vector<1x16xf32>,
          %get3A_405 = vector.shape_cast %get3A_404 : vector<1x16xf32> to vector<16xf32>
          %mul3A_406 = vector.broadcast %squeeze3A_378 : f32 to vector<16xf32>
          %mul3A_407 = arith.mulf %get3A_405, %mul3A_406 : vector<16xf32>
          %mul3A_408 = arith.constant 16 : i32
          %mul3A_409 = arith.muli %scan3A_66, %mul3A_408 : i32
          %add3A_410 = arith.constant 2 : i32
          %add3A_411 = arith.addi %mul3A_409, %add3A_410 : i32
          %swap3A_412 = arith.index_cast %add3A_411 : i32 to index
          %swap3A_413 = arith.constant 16 : index
          %swap3A_414 = tpu.vector_load %arg10[%swap3A_412, %swap3A_413] {strides = array<i32>} : memref<128x128xf32, #tpu.memory_space<vmem>>, vector<1x16xf32>,
          %swap3A_415 = vector.shape_cast %swap3A_414 : vector<1x16xf32> to vector<16xf32>
          %swap3A_416 = vector.shape_cast %mul3A_407 : vector<16xf32> to vector<1x16xf32>
          tpu.vector_store %arg10[%swap3A_412, %swap3A_413], %swap3A_416 {strides = array<i32>} : memref<128x128xf32, #tpu.memory_space<vmem>>, vector<1x16xf32>,
          %mul3A_417 = arith.constant 16 : i32
          %mul3A_418 = arith.muli %scan3A_66, %mul3A_417 : i32
          %add3A_419 = arith.constant 2 : i32
          %add3A_420 = arith.addi %mul3A_418, %add3A_419 : i32
          %get3A_421 = arith.index_cast %add3A_420 : i32 to index
          %get3A_422 = arith.constant 32 : index
          %get3A_423 = tpu.vector_load %arg10[%get3A_421, %get3A_422] {strides = array<i32>} : memref<128x128xf32, #tpu.memory_space<vmem>>, vector<1x16xf32>,
          %get3A_424 = vector.shape_cast %get3A_423 : vector<1x16xf32> to vector<16xf32>
          %mul3A_425 = vector.broadcast %squeeze3A_378 : f32 to vector<16xf32>
          %mul3A_426 = arith.mulf %get3A_424, %mul3A_425 : vector<16xf32>
          %mul3A_427 = arith.constant 16 : i32
          %mul3A_428 = arith.muli %scan3A_66, %mul3A_427 : i32
          %add3A_429 = arith.constant 2 : i32
          %add3A_430 = arith.addi %mul3A_428, %add3A_429 : i32
          %swap3A_431 = arith.index_cast %add3A_430 : i32 to index
          %swap3A_432 = arith.constant 32 : index
          %swap3A_433 = tpu.vector_load %arg10[%swap3A_431, %swap3A_432] {strides = array<i32>} : memref<128x128xf32, #tpu.memory_space<vmem>>, vector<1x16xf32>,
          %swap3A_434 = vector.shape_cast %swap3A_433 : vector<1x16xf32> to vector<16xf32>
          %swap3A_435 = vector.shape_cast %mul3A_426 : vector<16xf32> to vector<1x16xf32>
          tpu.vector_store %arg10[%swap3A_431, %swap3A_432], %swap3A_435 {strides = array<i32>} : memref<128x128xf32, #tpu.memory_space<vmem>>, vector<1x16xf32>,
          %mul3A_436 = arith.constant 16 : i32
          %mul3A_437 = arith.muli %scan3A_66, %mul3A_436 : i32
          %add3A_438 = arith.constant 2 : i32
          %add3A_439 = arith.addi %mul3A_437, %add3A_438 : i32
          %get3A_440 = arith.index_cast %add3A_439 : i32 to index
          %get3A_441 = arith.constant 48 : index
          %get3A_442 = tpu.vector_load %arg10[%get3A_440, %get3A_441] {strides = array<i32>} : memref<128x128xf32, #tpu.memory_space<vmem>>, vector<1x16xf32>,
          %get3A_443 = vector.shape_cast %get3A_442 : vector<1x16xf32> to vector<16xf32>
          %mul3A_444 = vector.broadcast %squeeze3A_378 : f32 to vector<16xf32>
          %mul3A_445 = arith.mulf %get3A_443, %mul3A_444 : vector<16xf32>
          %mul3A_446 = arith.constant 16 : i32
          %mul3A_447 = arith.muli %scan3A_66, %mul3A_446 : i32
          %add3A_448 = arith.constant 2 : i32
          %add3A_449 = arith.addi %mul3A_447, %add3A_448 : i32
          %swap3A_450 = arith.index_cast %add3A_449 : i32 to index
          %swap3A_451 = arith.constant 48 : index
          %swap3A_452 = tpu.vector_load %arg10[%swap3A_450, %swap3A_451] {strides = array<i32>} : memref<128x128xf32, #tpu.memory_space<vmem>>, vector<1x16xf32>,
          %swap3A_453 = vector.shape_cast %swap3A_452 : vector<1x16xf32> to vector<16xf32>
          %swap3A_454 = vector.shape_cast %mul3A_445 : vector<16xf32> to vector<1x16xf32>
          tpu.vector_store %arg10[%swap3A_450, %swap3A_451], %swap3A_454 {strides = array<i32>} : memref<128x128xf32, #tpu.memory_space<vmem>>, vector<1x16xf32>,
          %mul3A_455 = arith.constant 16 : i32
          %mul3A_456 = arith.muli %scan3A_66, %mul3A_455 : i32
          %add3A_457 = arith.constant 2 : i32
          %add3A_458 = arith.addi %mul3A_456, %add3A_457 : i32
          %get3A_459 = arith.index_cast %add3A_458 : i32 to index
          %get3A_460 = arith.constant 64 : index
          %get3A_461 = tpu.vector_load %arg10[%get3A_459, %get3A_460] {strides = array<i32>} : memref<128x128xf32, #tpu.memory_space<vmem>>, vector<1x16xf32>,
          %get3A_462 = vector.shape_cast %get3A_461 : vector<1x16xf32> to vector<16xf32>
          %mul3A_463 = vector.broadcast %squeeze3A_378 : f32 to vector<16xf32>
          %mul3A_464 = arith.mulf %get3A_462, %mul3A_463 : vector<16xf32>
          %mul3A_465 = arith.constant 16 : i32
          %mul3A_466 = arith.muli %scan3A_66, %mul3A_465 : i32
          %add3A_467 = arith.constant 2 : i32
          %add3A_468 = arith.addi %mul3A_466, %add3A_467 : i32
          %swap3A_469 = arith.index_cast %add3A_468 : i32 to index
          %swap3A_470 = arith.constant 64 : index
          %swap3A_471 = tpu.vector_load %arg10[%swap3A_469, %swap3A_470] {strides = array<i32>} : memref<128x128xf32, #tpu.memory_space<vmem>>, vector<1x16xf32>,
          %swap3A_472 = vector.shape_cast %swap3A_471 : vector<1x16xf32> to vector<16xf32>
          %swap3A_473 = vector.shape_cast %mul3A_464 : vector<16xf32> to vector<1x16xf32>
          tpu.vector_store %arg10[%swap3A_469, %swap3A_470], %swap3A_473 {strides = array<i32>} : memref<128x128xf32, #tpu.memory_space<vmem>>, vector<1x16xf32>,
          %mul3A_474 = arith.constant 16 : i32
          %mul3A_475 = arith.muli %scan3A_66, %mul3A_474 : i32
          %add3A_476 = arith.constant 2 : i32
          %add3A_477 = arith.addi %mul3A_475, %add3A_476 : i32
          %get3A_478 = arith.index_cast %add3A_477 : i32 to index
          %get3A_479 = arith.constant 80 : index
          %get3A_480 = tpu.vector_load %arg10[%get3A_478, %get3A_479] {strides = array<i32>} : memref<128x128xf32, #tpu.memory_space<vmem>>, vector<1x16xf32>,
          %get3A_481 = vector.shape_cast %get3A_480 : vector<1x16xf32> to vector<16xf32>
          %mul3A_482 = vector.broadcast %squeeze3A_378 : f32 to vector<16xf32>
          %mul3A_483 = arith.mulf %get3A_481, %mul3A_482 : vector<16xf32>
          %mul3A_484 = arith.constant 16 : i32
          %mul3A_485 = arith.muli %scan3A_66, %mul3A_484 : i32
          %add3A_486 = arith.constant 2 : i32
          %add3A_487 = arith.addi %mul3A_485, %add3A_486 : i32
          %swap3A_488 = arith.index_cast %add3A_487 : i32 to index
          %swap3A_489 = arith.constant 80 : index
          %swap3A_490 = tpu.vector_load %arg10[%swap3A_488, %swap3A_489] {strides = array<i32>} : memref<128x128xf32, #tpu.memory_space<vmem>>, vector<1x16xf32>,
          %swap3A_491 = vector.shape_cast %swap3A_490 : vector<1x16xf32> to vector<16xf32>
          %swap3A_492 = vector.shape_cast %mul3A_483 : vector<16xf32> to vector<1x16xf32>
          tpu.vector_store %arg10[%swap3A_488, %swap3A_489], %swap3A_492 {strides = array<i32>} : memref<128x128xf32, #tpu.memory_space<vmem>>, vector<1x16xf32>,
          %mul3A_493 = arith.constant 16 : i32
          %mul3A_494 = arith.muli %scan3A_66, %mul3A_493 : i32
          %add3A_495 = arith.constant 2 : i32
          %add3A_496 = arith.addi %mul3A_494, %add3A_495 : i32
          %get3A_497 = arith.index_cast %add3A_496 : i32 to index
          %get3A_498 = arith.constant 96 : index
          %get3A_499 = tpu.vector_load %arg10[%get3A_497, %get3A_498] {strides = array<i32>} : memref<128x128xf32, #tpu.memory_space<vmem>>, vector<1x16xf32>,
          %get3A_500 = vector.shape_cast %get3A_499 : vector<1x16xf32> to vector<16xf32>
          %mul3A_501 = vector.broadcast %squeeze3A_378 : f32 to vector<16xf32>
          %mul3A_502 = arith.mulf %get3A_500, %mul3A_501 : vector<16xf32>
          %mul3A_503 = arith.constant 16 : i32
          %mul3A_504 = arith.muli %scan3A_66, %mul3A_503 : i32
          %add3A_505 = arith.constant 2 : i32
          %add3A_506 = arith.addi %mul3A_504, %add3A_505 : i32
          %swap3A_507 = arith.index_cast %add3A_506 : i32 to index
          %swap3A_508 = arith.constant 96 : index
          %swap3A_509 = tpu.vector_load %arg10[%swap3A_507, %swap3A_508] {strides = array<i32>} : memref<128x128xf32, #tpu.memory_space<vmem>>, vector<1x16xf32>,
          %swap3A_510 = vector.shape_cast %swap3A_509 : vector<1x16xf32> to vector<16xf32>
          %swap3A_511 = vector.shape_cast %mul3A_502 : vector<16xf32> to vector<1x16xf32>
          tpu.vector_store %arg10[%swap3A_507, %swap3A_508], %swap3A_511 {strides = array<i32>} : memref<128x128xf32, #tpu.memory_space<vmem>>, vector<1x16xf32>,
          %mul3A_512 = arith.constant 16 : i32
          %mul3A_513 = arith.muli %scan3A_66, %mul3A_512 : i32
          %add3A_514 = arith.constant 2 : i32
          %add3A_515 = arith.addi %mul3A_513, %add3A_514 : i32
          %get3A_516 = arith.index_cast %add3A_515 : i32 to index
          %get3A_517 = arith.constant 112 : index
          %get3A_518 = tpu.vector_load %arg10[%get3A_516, %get3A_517] {strides = array<i32>} : memref<128x128xf32, #tpu.memory_space<vmem>>, vector<1x16xf32>,
          %get3A_519 = vector.shape_cast %get3A_518 : vector<1x16xf32> to vector<16xf32>
          %mul3A_520 = vector.broadcast %squeeze3A_378 : f32 to vector<16xf32>
          %mul3A_521 = arith.mulf %get3A_519, %mul3A_520 : vector<16xf32>
          %mul3A_522 = arith.constant 16 : i32
          %mul3A_523 = arith.muli %scan3A_66, %mul3A_522 : i32
          %add3A_524 = arith.constant 2 : i32
          %add3A_525 = arith.addi %mul3A_523, %add3A_524 : i32
          %swap3A_526 = arith.index_cast %add3A_525 : i32 to index
          %swap3A_527 = arith.constant 112 : index
          %swap3A_528 = tpu.vector_load %arg10[%swap3A_526, %swap3A_527] {strides = array<i32>} : memref<128x128xf32, #tpu.memory_space<vmem>>, vector<1x16xf32>,
          %swap3A_529 = vector.shape_cast %swap3A_528 : vector<1x16xf32> to vector<16xf32>
          %swap3A_530 = vector.shape_cast %mul3A_521 : vector<16xf32> to vector<1x16xf32>
          tpu.vector_store %arg10[%swap3A_526, %swap3A_527], %swap3A_530 {strides = array<i32>} : memref<128x128xf32, #tpu.memory_space<vmem>>, vector<1x16xf32>,
          %slice3A_531 = vector.extract_strided_slice %get3A_71 {offsets = [3], sizes = [1], strides = [1]} : vector<16xf32> to vector<1xf32>
          %squeeze3A_532 = vector.extract %slice3A_531[0] : f32 from vector<1xf32>
          %mul3A_533 = arith.constant 16 : i32
          %mul3A_534 = arith.muli %scan3A_66, %mul3A_533 : i32
          %add3A_535 = arith.constant 3 : i32
          %add3A_536 = arith.addi %mul3A_534, %add3A_535 : i32
          %get3A_537 = arith.index_cast %add3A_536 : i32 to index
          %get3A_538 = arith.constant 0 : index
          %get3A_539 = tpu.vector_load %arg10[%get3A_537, %get3A_538] {strides = array<i32>} : memref<128x128xf32, #tpu.memory_space<vmem>>, vector<1x16xf32>,
          %get3A_540 = vector.shape_cast %get3A_539 : vector<1x16xf32> to vector<16xf32>
          %mul3A_541 = vector.broadcast %squeeze3A_532 : f32 to vector<16xf32>
          %mul3A_542 = arith.mulf %get3A_540, %mul3A_541 : vector<16xf32>
          %mul3A_543 = arith.constant 16 : i32
          %mul3A_544 = arith.muli %scan3A_66, %mul3A_543 : i32
          %add3A_545 = arith.constant 3 : i32
          %add3A_546 = arith.addi %mul3A_544, %add3A_545 : i32
          %swap3A_547 = arith.index_cast %add3A_546 : i32 to index
          %swap3A_548 = arith.constant 0 : index
          %swap3A_549 = tpu.vector_load %arg10[%swap3A_547, %swap3A_548] {strides = array<i32>} : memref<128x128xf32, #tpu.memory_space<vmem>>, vector<1x16xf32>,
          %swap3A_550 = vector.shape_cast %swap3A_549 : vector<1x16xf32> to vector<16xf32>
          %swap3A_551 = vector.shape_cast %mul3A_542 : vector<16xf32> to vector<1x16xf32>
          tpu.vector_store %arg10[%swap3A_547, %swap3A_548], %swap3A_551 {strides = array<i32>} : memref<128x128xf32, #tpu.memory_space<vmem>>, vector<1x16xf32>,
          %mul3A_552 = arith.constant 16 : i32
          %mul3A_553 = arith.muli %scan3A_66, %mul3A_552 : i32
          %add3A_554 = arith.constant 3 : i32
          %add3A_555 = arith.addi %mul3A_553, %add3A_554 : i32
          %get3A_556 = arith.index_cast %add3A_555 : i32 to index
          %get3A_557 = arith.constant 16 : index
          %get3A_558 = tpu.vector_load %arg10[%get3A_556, %get3A_557] {strides = array<i32>} : memref<128x128xf32, #tpu.memory_space<vmem>>, vector<1x16xf32>,
          %get3A_559 = vector.shape_cast %get3A_558 : vector<1x16xf32> to vector<16xf32>
          %mul3A_560 = vector.broadcast %squeeze3A_532 : f32 to vector<16xf32>
          %mul3A_561 = arith.mulf %get3A_559, %mul3A_560 : vector<16xf32>
          %mul3A_562 = arith.constant 16 : i32
          %mul3A_563 = arith.muli %scan3A_66, %mul3A_562 : i32
          %add3A_564 = arith.constant 3 : i32
          %add3A_565 = arith.addi %mul3A_563, %add3A_564 : i32
          %swap3A_566 = arith.index_cast %add3A_565 : i32 to index
          %swap3A_567 = arith.constant 16 : index
          %swap3A_568 = tpu.vector_load %arg10[%swap3A_566, %swap3A_567] {strides = array<i32>} : memref<128x128xf32, #tpu.memory_space<vmem>>, vector<1x16xf32>,
          %swap3A_569 = vector.shape_cast %swap3A_568 : vector<1x16xf32> to vector<16xf32>
          %swap3A_570 = vector.shape_cast %mul3A_561 : vector<16xf32> to vector<1x16xf32>
          tpu.vector_store %arg10[%swap3A_566, %swap3A_567], %swap3A_570 {strides = array<i32>} : memref<128x128xf32, #tpu.memory_space<vmem>>, vector<1x16xf32>,
          %mul3A_571 = arith.constant 16 : i32
          %mul3A_572 = arith.muli %scan3A_66, %mul3A_571 : i32
          %add3A_573 = arith.constant 3 : i32
          %add3A_574 = arith.addi %mul3A_572, %add3A_573 : i32
          %get3A_575 = arith.index_cast %add3A_574 : i32 to index
          %get3A_576 = arith.constant 32 : index
          %get3A_577 = tpu.vector_load %arg10[%get3A_575, %get3A_576] {strides = array<i32>} : memref<128x128xf32, #tpu.memory_space<vmem>>, vector<1x16xf32>,
          %get3A_578 = vector.shape_cast %get3A_577 : vector<1x16xf32> to vector<16xf32>
          %mul3A_579 = vector.broadcast %squeeze3A_532 : f32 to vector<16xf32>
          %mul3A_580 = arith.mulf %get3A_578, %mul3A_579 : vector<16xf32>
          %mul3A_581 = arith.constant 16 : i32
          %mul3A_582 = arith.muli %scan3A_66, %mul3A_581 : i32
          %add3A_583 = arith.constant 3 : i32
          %add3A_584 = arith.addi %mul3A_582, %add3A_583 : i32
          %swap3A_585 = arith.index_cast %add3A_584 : i32 to index
          %swap3A_586 = arith.constant 32 : index
          %swap3A_587 = tpu.vector_load %arg10[%swap3A_585, %swap3A_586] {strides = array<i32>} : memref<128x128xf32, #tpu.memory_space<vmem>>, vector<1x16xf32>,
          %swap3A_588 = vector.shape_cast %swap3A_587 : vector<1x16xf32> to vector<16xf32>
          %swap3A_589 = vector.shape_cast %mul3A_580 : vector<16xf32> to vector<1x16xf32>
          tpu.vector_store %arg10[%swap3A_585, %swap3A_586], %swap3A_589 {strides = array<i32>} : memref<128x128xf32, #tpu.memory_space<vmem>>, vector<1x16xf32>,
          %mul3A_590 = arith.constant 16 : i32
          %mul3A_591 = arith.muli %scan3A_66, %mul3A_590 : i32
          %add3A_592 = arith.constant 3 : i32
          %add3A_593 = arith.addi %mul3A_591, %add3A_592 : i32
          %get3A_594 = arith.index_cast %add3A_593 : i32 to index
          %get3A_595 = arith.constant 48 : index
          %get3A_596 = tpu.vector_load %arg10[%get3A_594, %get3A_595] {strides = array<i32>} : memref<128x128xf32, #tpu.memory_space<vmem>>, vector<1x16xf32>,
          %get3A_597 = vector.shape_cast %get3A_596 : vector<1x16xf32> to vector<16xf32>
          %mul3A_598 = vector.broadcast %squeeze3A_532 : f32 to vector<16xf32>
          %mul3A_599 = arith.mulf %get3A_597, %mul3A_598 : vector<16xf32>
          %mul3A_600 = arith.constant 16 : i32
          %mul3A_601 = arith.muli %scan3A_66, %mul3A_600 : i32
          %add3A_602 = arith.constant 3 : i32
          %add3A_603 = arith.addi %mul3A_601, %add3A_602 : i32
          %swap3A_604 = arith.index_cast %add3A_603 : i32 to index
          %swap3A_605 = arith.constant 48 : index
          %swap3A_606 = tpu.vector_load %arg10[%swap3A_604, %swap3A_605] {strides = array<i32>} : memref<128x128xf32, #tpu.memory_space<vmem>>, vector<1x16xf32>,
          %swap3A_607 = vector.shape_cast %swap3A_606 : vector<1x16xf32> to vector<16xf32>
          %swap3A_608 = vector.shape_cast %mul3A_599 : vector<16xf32> to vector<1x16xf32>
          tpu.vector_store %arg10[%swap3A_604, %swap3A_605], %swap3A_608 {strides = array<i32>} : memref<128x128xf32, #tpu.memory_space<vmem>>, vector<1x16xf32>,
          %mul3A_609 = arith.constant 16 : i32
          %mul3A_610 = arith.muli %scan3A_66, %mul3A_609 : i32
          %add3A_611 = arith.constant 3 : i32
          %add3A_612 = arith.addi %mul3A_610, %add3A_611 : i32
          %get3A_613 = arith.index_cast %add3A_612 : i32 to index
          %get3A_614 = arith.constant 64 : index
          %get3A_615 = tpu.vector_load %arg10[%get3A_613, %get3A_614] {strides = array<i32>} : memref<128x128xf32, #tpu.memory_space<vmem>>, vector<1x16xf32>,
          %get3A_616 = vector.shape_cast %get3A_615 : vector<1x16xf32> to vector<16xf32>
          %mul3A_617 = vector.broadcast %squeeze3A_532 : f32 to vector<16xf32>
          %mul3A_618 = arith.mulf %get3A_616, %mul3A_617 : vector<16xf32>
          %mul3A_619 = arith.constant 16 : i32
          %mul3A_620 = arith.muli %scan3A_66, %mul3A_619 : i32
          %add3A_621 = arith.constant 3 : i32
          %add3A_622 = arith.addi %mul3A_620, %add3A_621 : i32
          %swap3A_623 = arith.index_cast %add3A_622 : i32 to index
          %swap3A_624 = arith.constant 64 : index
          %swap3A_625 = tpu.vector_load %arg10[%swap3A_623, %swap3A_624] {strides = array<i32>} : memref<128x128xf32, #tpu.memory_space<vmem>>, vector<1x16xf32>,
          %swap3A_626 = vector.shape_cast %swap3A_625 : vector<1x16xf32> to vector<16xf32>
          %swap3A_627 = vector.shape_cast %mul3A_618 : vector<16xf32> to vector<1x16xf32>
          tpu.vector_store %arg10[%swap3A_623, %swap3A_624], %swap3A_627 {strides = array<i32>} : memref<128x128xf32, #tpu.memory_space<vmem>>, vector<1x16xf32>,
          %mul3A_628 = arith.constant 16 : i32
          %mul3A_629 = arith.muli %scan3A_66, %mul3A_628 : i32
          %add3A_630 = arith.constant 3 : i32
          %add3A_631 = arith.addi %mul3A_629, %add3A_630 : i32
          %get3A_632 = arith.index_cast %add3A_631 : i32 to index
          %get3A_633 = arith.constant 80 : index
          %get3A_634 = tpu.vector_load %arg10[%get3A_632, %get3A_633] {strides = array<i32>} : memref<128x128xf32, #tpu.memory_space<vmem>>, vector<1x16xf32>,
          %get3A_635 = vector.shape_cast %get3A_634 : vector<1x16xf32> to vector<16xf32>
          %mul3A_636 = vector.broadcast %squeeze3A_532 : f32 to vector<16xf32>
          %mul3A_637 = arith.mulf %get3A_635, %mul3A_636 : vector<16xf32>
          %mul3A_638 = arith.constant 16 : i32
          %mul3A_639 = arith.muli %scan3A_66, %mul3A_638 : i32
          %add3A_640 = arith.constant 3 : i32
          %add3A_641 = arith.addi %mul3A_639, %add3A_640 : i32
          %swap3A_642 = arith.index_cast %add3A_641 : i32 to index
          %swap3A_643 = arith.constant 80 : index
          %swap3A_644 = tpu.vector_load %arg10[%swap3A_642, %swap3A_643] {strides = array<i32>} : memref<128x128xf32, #tpu.memory_space<vmem>>, vector<1x16xf32>,
          %swap3A_645 = vector.shape_cast %swap3A_644 : vector<1x16xf32> to vector<16xf32>
          %swap3A_646 = vector.shape_cast %mul3A_637 : vector<16xf32> to vector<1x16xf32>
          tpu.vector_store %arg10[%swap3A_642, %swap3A_643], %swap3A_646 {strides = array<i32>} : memref<128x128xf32, #tpu.memory_space<vmem>>, vector<1x16xf32>,
          %mul3A_647 = arith.constant 16 : i32
          %mul3A_648 = arith.muli %scan3A_66, %mul3A_647 : i32
          %add3A_649 = arith.constant 3 : i32
          %add3A_650 = arith.addi %mul3A_648, %add3A_649 : i32
          %get3A_651 = arith.index_cast %add3A_650 : i32 to index
          %get3A_652 = arith.constant 96 : index
          %get3A_653 = tpu.vector_load %arg10[%get3A_651, %get3A_652] {strides = array<i32>} : memref<128x128xf32, #tpu.memory_space<vmem>>, vector<1x16xf32>,
          %get3A_654 = vector.shape_cast %get3A_653 : vector<1x16xf32> to vector<16xf32>
          %mul3A_655 = vector.broadcast %squeeze3A_532 : f32 to vector<16xf32>
          %mul3A_656 = arith.mulf %get3A_654, %mul3A_655 : vector<16xf32>
          %mul3A_657 = arith.constant 16 : i32
          %mul3A_658 = arith.muli %scan3A_66, %mul3A_657 : i32
          %add3A_659 = arith.constant 3 : i32
          %add3A_660 = arith.addi %mul3A_658, %add3A_659 : i32
          %swap3A_661 = arith.index_cast %add3A_660 : i32 to index
          %swap3A_662 = arith.constant 96 : index
          %swap3A_663 = tpu.vector_load %arg10[%swap3A_661, %swap3A_662] {strides = array<i32>} : memref<128x128xf32, #tpu.memory_space<vmem>>, vector<1x16xf32>,
          %swap3A_664 = vector.shape_cast %swap3A_663 : vector<1x16xf32> to vector<16xf32>
          %swap3A_665 = vector.shape_cast %mul3A_656 : vector<16xf32> to vector<1x16xf32>
          tpu.vector_store %arg10[%swap3A_661, %swap3A_662], %swap3A_665 {strides = array<i32>} : memref<128x128xf32, #tpu.memory_space<vmem>>, vector<1x16xf32>,
          %mul3A_666 = arith.constant 16 : i32
          %mul3A_667 = arith.muli %scan3A_66, %mul3A_666 : i32
          %add3A_668 = arith.constant 3 : i32
          %add3A_669 = arith.addi %mul3A_667, %add3A_668 : i32
          %get3A_670 = arith.index_cast %add3A_669 : i32 to index
          %get3A_671 = arith.constant 112 : index
          %get3A_672 = tpu.vector_load %arg10[%get3A_670, %get3A_671] {strides = array<i32>} : memref<128x128xf32, #tpu.memory_space<vmem>>, vector<1x16xf32>,
          %get3A_673 = vector.shape_cast %get3A_672 : vector<1x16xf32> to vector<16xf32>
          %mul3A_674 = vector.broadcast %squeeze3A_532 : f32 to vector<16xf32>
          %mul3A_675 = arith.mulf %get3A_673, %mul3A_674 : vector<16xf32>
          %mul3A_676 = arith.constant 16 : i32
          %mul3A_677 = arith.muli %scan3A_66, %mul3A_676 : i32
          %add3A_678 = arith.constant 3 : i32
          %add3A_679 = arith.addi %mul3A_677, %add3A_678 : i32
          %swap3A_680 = arith.index_cast %add3A_679 : i32 to index
          %swap3A_681 = arith.constant 112 : index
          %swap3A_682 = tpu.vector_load %arg10[%swap3A_680, %swap3A_681] {strides = array<i32>} : memref<128x128xf32, #tpu.memory_space<vmem>>, vector<1x16xf32>,
          %swap3A_683 = vector.shape_cast %swap3A_682 : vector<1x16xf32> to vector<16xf32>
          %swap3A_684 = vector.shape_cast %mul3A_675 : vector<16xf32> to vector<1x16xf32>
          tpu.vector_store %arg10[%swap3A_680, %swap3A_681], %swap3A_684 {strides = array<i32>} : memref<128x128xf32, #tpu.memory_space<vmem>>, vector<1x16xf32>,
          %slice3A_685 = vector.extract_strided_slice %get3A_71 {offsets = [4], sizes = [1], strides = [1]} : vector<16xf32> to vector<1xf32>
          %squeeze3A_686 = vector.extract %slice3A_685[0] : f32 from vector<1xf32>
          %mul3A_687 = arith.constant 16 : i32
          %mul3A_688 = arith.muli %scan3A_66, %mul3A_687 : i32
          %add3A_689 = arith.constant 4 : i32
          %add3A_690 = arith.addi %mul3A_688, %add3A_689 : i32
          %get3A_691 = arith.index_cast %add3A_690 : i32 to index
          %get3A_692 = arith.constant 0 : index
          %get3A_693 = tpu.vector_load %arg10[%get3A_691, %get3A_692] {strides = array<i32>} : memref<128x128xf32, #tpu.memory_space<vmem>>, vector<1x16xf32>,
          %get3A_694 = vector.shape_cast %get3A_693 : vector<1x16xf32> to vector<16xf32>
          %mul3A_695 = vector.broadcast %squeeze3A_686 : f32 to vector<16xf32>
          %mul3A_696 = arith.mulf %get3A_694, %mul3A_695 : vector<16xf32>
          %mul3A_697 = arith.constant 16 : i32
          %mul3A_698 = arith.muli %scan3A_66, %mul3A_697 : i32
          %add3A_699 = arith.constant 4 : i32
          %add3A_700 = arith.addi %mul3A_698, %add3A_699 : i32
          %swap3A_701 = arith.index_cast %add3A_700 : i32 to index
          %swap3A_702 = arith.constant 0 : index
          %swap3A_703 = tpu.vector_load %arg10[%swap3A_701, %swap3A_702] {strides = array<i32>} : memref<128x128xf32, #tpu.memory_space<vmem>>, vector<1x16xf32>,
          %swap3A_704 = vector.shape_cast %swap3A_703 : vector<1x16xf32> to vector<16xf32>
          %swap3A_705 = vector.shape_cast %mul3A_696 : vector<16xf32> to vector<1x16xf32>
          tpu.vector_store %arg10[%swap3A_701, %swap3A_702], %swap3A_705 {strides = array<i32>} : memref<128x128xf32, #tpu.memory_space<vmem>>, vector<1x16xf32>,
          %mul3A_706 = arith.constant 16 : i32
          %mul3A_707 = arith.muli %scan3A_66, %mul3A_706 : i32
          %add3A_708 = arith.constant 4 : i32
          %add3A_709 = arith.addi %mul3A_707, %add3A_708 : i32
          %get3A_710 = arith.index_cast %add3A_709 : i32 to index
          %get3A_711 = arith.constant 16 : index
          %get3A_712 = tpu.vector_load %arg10[%get3A_710, %get3A_711] {strides = array<i32>} : memref<128x128xf32, #tpu.memory_space<vmem>>, vector<1x16xf32>,
          %get3A_713 = vector.shape_cast %get3A_712 : vector<1x16xf32> to vector<16xf32>
          %mul3A_714 = vector.broadcast %squeeze3A_686 : f32 to vector<16xf32>
          %mul3A_715 = arith.mulf %get3A_713, %mul3A_714 : vector<16xf32>
          %mul3A_716 = arith.constant 16 : i32
          %mul3A_717 = arith.muli %scan3A_66, %mul3A_716 : i32
          %add3A_718 = arith.constant 4 : i32
          %add3A_719 = arith.addi %mul3A_717, %add3A_718 : i32
          %swap3A_720 = arith.index_cast %add3A_719 : i32 to index
          %swap3A_721 = arith.constant 16 : index
          %swap3A_722 = tpu.vector_load %arg10[%swap3A_720, %swap3A_721] {strides = array<i32>} : memref<128x128xf32, #tpu.memory_space<vmem>>, vector<1x16xf32>,
          %swap3A_723 = vector.shape_cast %swap3A_722 : vector<1x16xf32> to vector<16xf32>
          %swap3A_724 = vector.shape_cast %mul3A_715 : vector<16xf32> to vector<1x16xf32>
          tpu.vector_store %arg10[%swap3A_720, %swap3A_721], %swap3A_724 {strides = array<i32>} : memref<128x128xf32, #tpu.memory_space<vmem>>, vector<1x16xf32>,
          %mul3A_725 = arith.constant 16 : i32
          %mul3A_726 = arith.muli %scan3A_66, %mul3A_725 : i32
          %add3A_727 = arith.constant 4 : i32
          %add3A_728 = arith.addi %mul3A_726, %add3A_727 : i32
          %get3A_729 = arith.index_cast %add3A_728 : i32 to index
          %get3A_730 = arith.constant 32 : index
          %get3A_731 = tpu.vector_load %arg10[%get3A_729, %get3A_730] {strides = array<i32>} : memref<128x128xf32, #tpu.memory_space<vmem>>, vector<1x16xf32>,
          %get3A_732 = vector.shape_cast %get3A_731 : vector<1x16xf32> to vector<16xf32>
          %mul3A_733 = vector.broadcast %squeeze3A_686 : f32 to vector<16xf32>
          %mul3A_734 = arith.mulf %get3A_732, %mul3A_733 : vector<16xf32>
          %mul3A_735 = arith.constant 16 : i32
          %mul3A_736 = arith.muli %scan3A_66, %mul3A_735 : i32
          %add3A_737 = arith.constant 4 : i32
          %add3A_738 = arith.addi %mul3A_736, %add3A_737 : i32
          %swap3A_739 = arith.index_cast %add3A_738 : i32 to index
          %swap3A_740 = arith.constant 32 : index
          %swap3A_741 = tpu.vector_load %arg10[%swap3A_739, %swap3A_740] {strides = array<i32>} : memref<128x128xf32, #tpu.memory_space<vmem>>, vector<1x16xf32>,
          %swap3A_742 = vector.shape_cast %swap3A_741 : vector<1x16xf32> to vector<16xf32>
          %swap3A_743 = vector.shape_cast %mul3A_734 : vector<16xf32> to vector<1x16xf32>
          tpu.vector_store %arg10[%swap3A_739, %swap3A_740], %swap3A_743 {strides = array<i32>} : memref<128x128xf32, #tpu.memory_space<vmem>>, vector<1x16xf32>,
          %mul3A_744 = arith.constant 16 : i32
          %mul3A_745 = arith.muli %scan3A_66, %mul3A_744 : i32
          %add3A_746 = arith.constant 4 : i32
          %add3A_747 = arith.addi %mul3A_745, %add3A_746 : i32
          %get3A_748 = arith.index_cast %add3A_747 : i32 to index
          %get3A_749 = arith.constant 48 : index
          %get3A_750 = tpu.vector_load %arg10[%get3A_748, %get3A_749] {strides = array<i32>} : memref<128x128xf32, #tpu.memory_space<vmem>>, vector<1x16xf32>,
          %get3A_751 = vector.shape_cast %get3A_750 : vector<1x16xf32> to vector<16xf32>
          %mul3A_752 = vector.broadcast %squeeze3A_686 : f32 to vector<16xf32>
          %mul3A_753 = arith.mulf %get3A_751, %mul3A_752 : vector<16xf32>
          %mul3A_754 = arith.constant 16 : i32
          %mul3A_755 = arith.muli %scan3A_66, %mul3A_754 : i32
          %add3A_756 = arith.constant 4 : i32
          %add3A_757 = arith.addi %mul3A_755, %add3A_756 : i32
          %swap3A_758 = arith.index_cast %add3A_757 : i32 to index
          %swap3A_759 = arith.constant 48 : index
          %swap3A_760 = tpu.vector_load %arg10[%swap3A_758, %swap3A_759] {strides = array<i32>} : memref<128x128xf32, #tpu.memory_space<vmem>>, vector<1x16xf32>,
          %swap3A_761 = vector.shape_cast %swap3A_760 : vector<1x16xf32> to vector<16xf32>
          %swap3A_762 = vector.shape_cast %mul3A_753 : vector<16xf32> to vector<1x16xf32>
          tpu.vector_store %arg10[%swap3A_758, %swap3A_759], %swap3A_762 {strides = array<i32>} : memref<128x128xf32, #tpu.memory_space<vmem>>, vector<1x16xf32>,
          %mul3A_763 = arith.constant 16 : i32
          %mul3A_764 = arith.muli %scan3A_66, %mul3A_763 : i32
          %add3A_765 = arith.constant 4 : i32
          %add3A_766 = arith.addi %mul3A_764, %add3A_765 : i32
          %get3A_767 = arith.index_cast %add3A_766 : i32 to index
          %get3A_768 = arith.constant 64 : index
          %get3A_769 = tpu.vector_load %arg10[%get3A_767, %get3A_768] {strides = array<i32>} : memref<128x128xf32, #tpu.memory_space<vmem>>, vector<1x16xf32>,
          %get3A_770 = vector.shape_cast %get3A_769 : vector<1x16xf32> to vector<16xf32>
          %mul3A_771 = vector.broadcast %squeeze3A_686 : f32 to vector<16xf32>
          %mul3A_772 = arith.mulf %get3A_770, %mul3A_771 : vector<16xf32>
          %mul3A_773 = arith.constant 16 : i32
          %mul3A_774 = arith.muli %scan3A_66, %mul3A_773 : i32
          %add3A_775 = arith.constant 4 : i32
          %add3A_776 = arith.addi %mul3A_774, %add3A_775 : i32
          %swap3A_777 = arith.index_cast %add3A_776 : i32 to index
          %swap3A_778 = arith.constant 64 : index
          %swap3A_779 = tpu.vector_load %arg10[%swap3A_777, %swap3A_778] {strides = array<i32>} : memref<128x128xf32, #tpu.memory_space<vmem>>, vector<1x16xf32>,
          %swap3A_780 = vector.shape_cast %swap3A_779 : vector<1x16xf32> to vector<16xf32>
          %swap3A_781 = vector.shape_cast %mul3A_772 : vector<16xf32> to vector<1x16xf32>
          tpu.vector_store %arg10[%swap3A_777, %swap3A_778], %swap3A_781 {strides = array<i32>} : memref<128x128xf32, #tpu.memory_space<vmem>>, vector<1x16xf32>,
          %mul3A_782 = arith.constant 16 : i32
          %mul3A_783 = arith.muli %scan3A_66, %mul3A_782 : i32
          %add3A_784 = arith.constant 4 : i32
          %add3A_785 = arith.addi %mul3A_783, %add3A_784 : i32
          %get3A_786 = arith.index_cast %add3A_785 : i32 to index
          %get3A_787 = arith.constant 80 : index
          %get3A_788 = tpu.vector_load %arg10[%get3A_786, %get3A_787] {strides = array<i32>} : memref<128x128xf32, #tpu.memory_space<vmem>>, vector<1x16xf32>,
          %get3A_789 = vector.shape_cast %get3A_788 : vector<1x16xf32> to vector<16xf32>
          %mul3A_790 = vector.broadcast %squeeze3A_686 : f32 to vector<16xf32>
          %mul3A_791 = arith.mulf %get3A_789, %mul3A_790 : vector<16xf32>
          %mul3A_792 = arith.constant 16 : i32
          %mul3A_793 = arith.muli %scan3A_66, %mul3A_792 : i32
          %add3A_794 = arith.constant 4 : i32
          %add3A_795 = arith.addi %mul3A_793, %add3A_794 : i32
          %swap3A_796 = arith.index_cast %add3A_795 : i32 to index
          %swap3A_797 = arith.constant 80 : index
          %swap3A_798 = tpu.vector_load %arg10[%swap3A_796, %swap3A_797] {strides = array<i32>} : memref<128x128xf32, #tpu.memory_space<vmem>>, vector<1x16xf32>,
          %swap3A_799 = vector.shape_cast %swap3A_798 : vector<1x16xf32> to vector<16xf32>
          %swap3A_800 = vector.shape_cast %mul3A_791 : vector<16xf32> to vector<1x16xf32>
          tpu.vector_store %arg10[%swap3A_796, %swap3A_797], %swap3A_800 {strides = array<i32>} : memref<128x128xf32, #tpu.memory_space<vmem>>, vector<1x16xf32>,
          %mul3A_801 = arith.constant 16 : i32
          %mul3A_802 = arith.muli %scan3A_66, %mul3A_801 : i32
          %add3A_803 = arith.constant 4 : i32
          %add3A_804 = arith.addi %mul3A_802, %add3A_803 : i32
          %get3A_805 = arith.index_cast %add3A_804 : i32 to index
          %get3A_806 = arith.constant 96 : index
          %get3A_807 = tpu.vector_load %arg10[%get3A_805, %get3A_806] {strides = array<i32>} : memref<128x128xf32, #tpu.memory_space<vmem>>, vector<1x16xf32>,
          %get3A_808 = vector.shape_cast %get3A_807 : vector<1x16xf32> to vector<16xf32>
          %mul3A_809 = vector.broadcast %squeeze3A_686 : f32 to vector<16xf32>
          %mul3A_810 = arith.mulf %get3A_808, %mul3A_809 : vector<16xf32>
          %mul3A_811 = arith.constant 16 : i32
          %mul3A_812 = arith.muli %scan3A_66, %mul3A_811 : i32
          %add3A_813 = arith.constant 4 : i32
          %add3A_814 = arith.addi %mul3A_812, %add3A_813 : i32
          %swap3A_815 = arith.index_cast %add3A_814 : i32 to index
          %swap3A_816 = arith.constant 96 : index
          %swap3A_817 = tpu.vector_load %arg10[%swap3A_815, %swap3A_816] {strides = array<i32>} : memref<128x128xf32, #tpu.memory_space<vmem>>, vector<1x16xf32>,
          %swap3A_818 = vector.shape_cast %swap3A_817 : vector<1x16xf32> to vector<16xf32>
          %swap3A_819 = vector.shape_cast %mul3A_810 : vector<16xf32> to vector<1x16xf32>
          tpu.vector_store %arg10[%swap3A_815, %swap3A_816], %swap3A_819 {strides = array<i32>} : memref<128x128xf32, #tpu.memory_space<vmem>>, vector<1x16xf32>,
          %mul3A_820 = arith.constant 16 : i32
          %mul3A_821 = arith.muli %scan3A_66, %mul3A_820 : i32
          %add3A_822 = arith.constant 4 : i32
          %add3A_823 = arith.addi %mul3A_821, %add3A_822 : i32
          %get3A_824 = arith.index_cast %add3A_823 : i32 to index
          %get3A_825 = arith.constant 112 : index
          %get3A_826 = tpu.vector_load %arg10[%get3A_824, %get3A_825] {strides = array<i32>} : memref<128x128xf32, #tpu.memory_space<vmem>>, vector<1x16xf32>,
          %get3A_827 = vector.shape_cast %get3A_826 : vector<1x16xf32> to vector<16xf32>
          %mul3A_828 = vector.broadcast %squeeze3A_686 : f32 to vector<16xf32>
          %mul3A_829 = arith.mulf %get3A_827, %mul3A_828 : vector<16xf32>
          %mul3A_830 = arith.constant 16 : i32
          %mul3A_831 = arith.muli %scan3A_66, %mul3A_830 : i32
          %add3A_832 = arith.constant 4 : i32
          %add3A_833 = arith.addi %mul3A_831, %add3A_832 : i32
          %swap3A_834 = arith.index_cast %add3A_833 : i32 to index
          %swap3A_835 = arith.constant 112 : index
          %swap3A_836 = tpu.vector_load %arg10[%swap3A_834, %swap3A_835] {strides = array<i32>} : memref<128x128xf32, #tpu.memory_space<vmem>>, vector<1x16xf32>,
          %swap3A_837 = vector.shape_cast %swap3A_836 : vector<1x16xf32> to vector<16xf32>
          %swap3A_838 = vector.shape_cast %mul3A_829 : vector<16xf32> to vector<1x16xf32>
          tpu.vector_store %arg10[%swap3A_834, %swap3A_835], %swap3A_838 {strides = array<i32>} : memref<128x128xf32, #tpu.memory_space<vmem>>, vector<1x16xf32>,
          %slice3A_839 = vector.extract_strided_slice %get3A_71 {offsets = [5], sizes = [1], strides = [1]} : vector<16xf32> to vector<1xf32>
          %squeeze3A_840 = vector.extract %slice3A_839[0] : f32 from vector<1xf32>
          %mul3A_841 = arith.constant 16 : i32
          %mul3A_842 = arith.muli %scan3A_66, %mul3A_841 : i32
          %add3A_843 = arith.constant 5 : i32
          %add3A_844 = arith.addi %mul3A_842, %add3A_843 : i32
          %get3A_845 = arith.index_cast %add3A_844 : i32 to index
          %get3A_846 = arith.constant 0 : index
          %get3A_847 = tpu.vector_load %arg10[%get3A_845, %get3A_846] {strides = array<i32>} : memref<128x128xf32, #tpu.memory_space<vmem>>, vector<1x16xf32>,
          %get3A_848 = vector.shape_cast %get3A_847 : vector<1x16xf32> to vector<16xf32>
          %mul3A_849 = vector.broadcast %squeeze3A_840 : f32 to vector<16xf32>
          %mul3A_850 = arith.mulf %get3A_848, %mul3A_849 : vector<16xf32>
          %mul3A_851 = arith.constant 16 : i32
          %mul3A_852 = arith.muli %scan3A_66, %mul3A_851 : i32
          %add3A_853 = arith.constant 5 : i32
          %add3A_854 = arith.addi %mul3A_852, %add3A_853 : i32
          %swap3A_855 = arith.index_cast %add3A_854 : i32 to index
          %swap3A_856 = arith.constant 0 : index
          %swap3A_857 = tpu.vector_load %arg10[%swap3A_855, %swap3A_856] {strides = array<i32>} : memref<128x128xf32, #tpu.memory_space<vmem>>, vector<1x16xf32>,
          %swap3A_858 = vector.shape_cast %swap3A_857 : vector<1x16xf32> to vector<16xf32>
          %swap3A_859 = vector.shape_cast %mul3A_850 : vector<16xf32> to vector<1x16xf32>
          tpu.vector_store %arg10[%swap3A_855, %swap3A_856], %swap3A_859 {strides = array<i32>} : memref<128x128xf32, #tpu.memory_space<vmem>>, vector<1x16xf32>,
          %mul3A_860 = arith.constant 16 : i32
          %mul3A_861 = arith.muli %scan3A_66, %mul3A_860 : i32
          %add3A_862 = arith.constant 5 : i32
          %add3A_863 = arith.addi %mul3A_861, %add3A_862 : i32
          %get3A_864 = arith.index_cast %add3A_863 : i32 to index
          %get3A_865 = arith.constant 16 : index
          %get3A_866 = tpu.vector_load %arg10[%get3A_864, %get3A_865] {strides = array<i32>} : memref<128x128xf32, #tpu.memory_space<vmem>>, vector<1x16xf32>,
          %get3A_867 = vector.shape_cast %get3A_866 : vector<1x16xf32> to vector<16xf32>
          %mul3A_868 = vector.broadcast %squeeze3A_840 : f32 to vector<16xf32>
          %mul3A_869 = arith.mulf %get3A_867, %mul3A_868 : vector<16xf32>
          %mul3A_870 = arith.constant 16 : i32
          %mul3A_871 = arith.muli %scan3A_66, %mul3A_870 : i32
          %add3A_872 = arith.constant 5 : i32
          %add3A_873 = arith.addi %mul3A_871, %add3A_872 : i32
          %swap3A_874 = arith.index_cast %add3A_873 : i32 to index
          %swap3A_875 = arith.constant 16 : index
          %swap3A_876 = tpu.vector_load %arg10[%swap3A_874, %swap3A_875] {strides = array<i32>} : memref<128x128xf32, #tpu.memory_space<vmem>>, vector<1x16xf32>,
          %swap3A_877 = vector.shape_cast %swap3A_876 : vector<1x16xf32> to vector<16xf32>
          %swap3A_878 = vector.shape_cast %mul3A_869 : vector<16xf32> to vector<1x16xf32>
          tpu.vector_store %arg10[%swap3A_874, %swap3A_875], %swap3A_878 {strides = array<i32>} : memref<128x128xf32, #tpu.memory_space<vmem>>, vector<1x16xf32>,
          %mul3A_879 = arith.constant 16 : i32
          %mul3A_880 = arith.muli %scan3A_66, %mul3A_879 : i32
          %add3A_881 = arith.constant 5 : i32
          %add3A_882 = arith.addi %mul3A_880, %add3A_881 : i32
          %get3A_883 = arith.index_cast %add3A_882 : i32 to index
          %get3A_884 = arith.constant 32 : index
          %get3A_885 = tpu.vector_load %arg10[%get3A_883, %get3A_884] {strides = array<i32>} : memref<128x128xf32, #tpu.memory_space<vmem>>, vector<1x16xf32>,
          %get3A_886 = vector.shape_cast %get3A_885 : vector<1x16xf32> to vector<16xf32>
          %mul3A_887 = vector.broadcast %squeeze3A_840 : f32 to vector<16xf32>
          %mul3A_888 = arith.mulf %get3A_886, %mul3A_887 : vector<16xf32>
          %mul3A_889 = arith.constant 16 : i32
          %mul3A_890 = arith.muli %scan3A_66, %mul3A_889 : i32
          %add3A_891 = arith.constant 5 : i32
          %add3A_892 = arith.addi %mul3A_890, %add3A_891 : i32
          %swap3A_893 = arith.index_cast %add3A_892 : i32 to index
          %swap3A_894 = arith.constant 32 : index
          %swap3A_895 = tpu.vector_load %arg10[%swap3A_893, %swap3A_894] {strides = array<i32>} : memref<128x128xf32, #tpu.memory_space<vmem>>, vector<1x16xf32>,
          %swap3A_896 = vector.shape_cast %swap3A_895 : vector<1x16xf32> to vector<16xf32>
          %swap3A_897 = vector.shape_cast %mul3A_888 : vector<16xf32> to vector<1x16xf32>
          tpu.vector_store %arg10[%swap3A_893, %swap3A_894], %swap3A_897 {strides = array<i32>} : memref<128x128xf32, #tpu.memory_space<vmem>>, vector<1x16xf32>,
          %mul3A_898 = arith.constant 16 : i32
          %mul3A_899 = arith.muli %scan3A_66, %mul3A_898 : i32
          %add3A_900 = arith.constant 5 : i32
          %add3A_901 = arith.addi %mul3A_899, %add3A_900 : i32
          %get3A_902 = arith.index_cast %add3A_901 : i32 to index
          %get3A_903 = arith.constant 48 : index
          %get3A_904 = tpu.vector_load %arg10[%get3A_902, %get3A_903] {strides = array<i32>} : memref<128x128xf32, #tpu.memory_space<vmem>>, vector<1x16xf32>,
          %get3A_905 = vector.shape_cast %get3A_904 : vector<1x16xf32> to vector<16xf32>
          %mul3A_906 = vector.broadcast %squeeze3A_840 : f32 to vector<16xf32>
          %mul3A_907 = arith.mulf %get3A_905, %mul3A_906 : vector<16xf32>
          %mul3A_908 = arith.constant 16 : i32
          %mul3A_909 = arith.muli %scan3A_66, %mul3A_908 : i32
          %add3A_910 = arith.constant 5 : i32
          %add3A_911 = arith.addi %mul3A_909, %add3A_910 : i32
          %swap3A_912 = arith.index_cast %add3A_911 : i32 to index
          %swap3A_913 = arith.constant 48 : index
          %swap3A_914 = tpu.vector_load %arg10[%swap3A_912, %swap3A_913] {strides = array<i32>} : memref<128x128xf32, #tpu.memory_space<vmem>>, vector<1x16xf32>,
          %swap3A_915 = vector.shape_cast %swap3A_914 : vector<1x16xf32> to vector<16xf32>
          %swap3A_916 = vector.shape_cast %mul3A_907 : vector<16xf32> to vector<1x16xf32>
          tpu.vector_store %arg10[%swap3A_912, %swap3A_913], %swap3A_916 {strides = array<i32>} : memref<128x128xf32, #tpu.memory_space<vmem>>, vector<1x16xf32>,
          %mul3A_917 = arith.constant 16 : i32
          %mul3A_918 = arith.muli %scan3A_66, %mul3A_917 : i32
          %add3A_919 = arith.constant 5 : i32
          %add3A_920 = arith.addi %mul3A_918, %add3A_919 : i32
          %get3A_921 = arith.index_cast %add3A_920 : i32 to index
          %get3A_922 = arith.constant 64 : index
          %get3A_923 = tpu.vector_load %arg10[%get3A_921, %get3A_922] {strides = array<i32>} : memref<128x128xf32, #tpu.memory_space<vmem>>, vector<1x16xf32>,
          %get3A_924 = vector.shape_cast %get3A_923 : vector<1x16xf32> to vector<16xf32>
          %mul3A_925 = vector.broadcast %squeeze3A_840 : f32 to vector<16xf32>
          %mul3A_926 = arith.mulf %get3A_924, %mul3A_925 : vector<16xf32>
          %mul3A_927 = arith.constant 16 : i32
          %mul3A_928 = arith.muli %scan3A_66, %mul3A_927 : i32
          %add3A_929 = arith.constant 5 : i32
          %add3A_930 = arith.addi %mul3A_928, %add3A_929 : i32
          %swap3A_931 = arith.index_cast %add3A_930 : i32 to index
          %swap3A_932 = arith.constant 64 : index
          %swap3A_933 = tpu.vector_load %arg10[%swap3A_931, %swap3A_932] {strides = array<i32>} : memref<128x128xf32, #tpu.memory_space<vmem>>, vector<1x16xf32>,
          %swap3A_934 = vector.shape_cast %swap3A_933 : vector<1x16xf32> to vector<16xf32>
          %swap3A_935 = vector.shape_cast %mul3A_926 : vector<16xf32> to vector<1x16xf32>
          tpu.vector_store %arg10[%swap3A_931, %swap3A_932], %swap3A_935 {strides = array<i32>} : memref<128x128xf32, #tpu.memory_space<vmem>>, vector<1x16xf32>,
          %mul3A_936 = arith.constant 16 : i32
          %mul3A_937 = arith.muli %scan3A_66, %mul3A_936 : i32
          %add3A_938 = arith.constant 5 : i32
          %add3A_939 = arith.addi %mul3A_937, %add3A_938 : i32
          %get3A_940 = arith.index_cast %add3A_939 : i32 to index
          %get3A_941 = arith.constant 80 : index
          %get3A_942 = tpu.vector_load %arg10[%get3A_940, %get3A_941] {strides = array<i32>} : memref<128x128xf32, #tpu.memory_space<vmem>>, vector<1x16xf32>,
          %get3A_943 = vector.shape_cast %get3A_942 : vector<1x16xf32> to vector<16xf32>
          %mul3A_944 = vector.broadcast %squeeze3A_840 : f32 to vector<16xf32>
          %mul3A_945 = arith.mulf %get3A_943, %mul3A_944 : vector<16xf32>
          %mul3A_946 = arith.constant 16 : i32
          %mul3A_947 = arith.muli %scan3A_66, %mul3A_946 : i32
          %add3A_948 = arith.constant 5 : i32
          %add3A_949 = arith.addi %mul3A_947, %add3A_948 : i32
          %swap3A_950 = arith.index_cast %add3A_949 : i32 to index
          %swap3A_951 = arith.constant 80 : index
          %swap3A_952 = tpu.vector_load %arg10[%swap3A_950, %swap3A_951] {strides = array<i32>} : memref<128x128xf32, #tpu.memory_space<vmem>>, vector<1x16xf32>,
          %swap3A_953 = vector.shape_cast %swap3A_952 : vector<1x16xf32> to vector<16xf32>
          %swap3A_954 = vector.shape_cast %mul3A_945 : vector<16xf32> to vector<1x16xf32>
          tpu.vector_store %arg10[%swap3A_950, %swap3A_951], %swap3A_954 {strides = array<i32>} : memref<128x128xf32, #tpu.memory_space<vmem>>, vector<1x16xf32>,
          %mul3A_955 = arith.constant 16 : i32
          %mul3A_956 = arith.muli %scan3A_66, %mul3A_955 : i32
          %add3A_957 = arith.constant 5 : i32
          %add3A_958 = arith.addi %mul3A_956, %add3A_957 : i32
          %get3A_959 = arith.index_cast %add3A_958 : i32 to index
          %get3A_960 = arith.constant 96 : index
          %get3A_961 = tpu.vector_load %arg10[%get3A_959, %get3A_960] {strides = array<i32>} : memref<128x128xf32, #tpu.memory_space<vmem>>, vector<1x16xf32>,
          %get3A_962 = vector.shape_cast %get3A_961 : vector<1x16xf32> to vector<16xf32>
          %mul3A_963 = vector.broadcast %squeeze3A_840 : f32 to vector<16xf32>
          %mul3A_964 = arith.mulf %get3A_962, %mul3A_963 : vector<16xf32>
          %mul3A_965 = arith.constant 16 : i32
          %mul3A_966 = arith.muli %scan3A_66, %mul3A_965 : i32
          %add3A_967 = arith.constant 5 : i32
          %add3A_968 = arith.addi %mul3A_966, %add3A_967 : i32
          %swap3A_969 = arith.index_cast %add3A_968 : i32 to index
          %swap3A_970 = arith.constant 96 : index
          %swap3A_971 = tpu.vector_load %arg10[%swap3A_969, %swap3A_970] {strides = array<i32>} : memref<128x128xf32, #tpu.memory_space<vmem>>, vector<1x16xf32>,
          %swap3A_972 = vector.shape_cast %swap3A_971 : vector<1x16xf32> to vector<16xf32>
          %swap3A_973 = vector.shape_cast %mul3A_964 : vector<16xf32> to vector<1x16xf32>
          tpu.vector_store %arg10[%swap3A_969, %swap3A_970], %swap3A_973 {strides = array<i32>} : memref<128x128xf32, #tpu.memory_space<vmem>>, vector<1x16xf32>,
          %mul3A_974 = arith.constant 16 : i32
          %mul3A_975 = arith.muli %scan3A_66, %mul3A_974 : i32
          %add3A_976 = arith.constant 5 : i32
          %add3A_977 = arith.addi %mul3A_975, %add3A_976 : i32
          %get3A_978 = arith.index_cast %add3A_977 : i32 to index
          %get3A_979 = arith.constant 112 : index
          %get3A_980 = tpu.vector_load %arg10[%get3A_978, %get3A_979] {strides = array<i32>} : memref<128x128xf32, #tpu.memory_space<vmem>>, vector<1x16xf32>,
          %get3A_981 = vector.shape_cast %get3A_980 : vector<1x16xf32> to vector<16xf32>
          %mul3A_982 = vector.broadcast %squeeze3A_840 : f32 to vector<16xf32>
          %mul3A_983 = arith.mulf %get3A_981, %mul3A_982 : vector<16xf32>
          %mul3A_984 = arith.constant 16 : i32
          %mul3A_985 = arith.muli %scan3A_66, %mul3A_984 : i32
          %add3A_986 = arith.constant 5 : i32
          %add3A_987 = arith.addi %mul3A_985, %add3A_986 : i32
          %swap3A_988 = arith.index_cast %add3A_987 : i32 to index
          %swap3A_989 = arith.constant 112 : index
          %swap3A_990 = tpu.vector_load %arg10[%swap3A_988, %swap3A_989] {strides = array<i32>} : memref<128x128xf32, #tpu.memory_space<vmem>>, vector<1x16xf32>,
          %swap3A_991 = vector.shape_cast %swap3A_990 : vector<1x16xf32> to vector<16xf32>
          %swap3A_992 = vector.shape_cast %mul3A_983 : vector<16xf32> to vector<1x16xf32>
          tpu.vector_store %arg10[%swap3A_988, %swap3A_989], %swap3A_992 {strides = array<i32>} : memref<128x128xf32, #tpu.memory_space<vmem>>, vector<1x16xf32>,
          %slice3A_993 = vector.extract_strided_slice %get3A_71 {offsets = [6], sizes = [1], strides = [1]} : vector<16xf32> to vector<1xf32>
          %squeeze3A_994 = vector.extract %slice3A_993[0] : f32 from vector<1xf32>
          %mul3A_995 = arith.constant 16 : i32
          %mul3A_996 = arith.muli %scan3A_66, %mul3A_995 : i32
          %add3A_997 = arith.constant 6 : i32
          %add3A_998 = arith.addi %mul3A_996, %add3A_997 : i32
          %get3A_999 = arith.index_cast %add3A_998 : i32 to index
          %get3A_1000 = arith.constant 0 : index
          %get3A_1001 = tpu.vector_load %arg10[%get3A_999, %get3A_1000] {strides = array<i32>} : memref<128x128xf32, #tpu.memory_space<vmem>>, vector<1x16xf32>,
          %get3A_1002 = vector.shape_cast %get3A_1001 : vector<1x16xf32> to vector<16xf32>
          %mul3A_1003 = vector.broadcast %squeeze3A_994 : f32 to vector<16xf32>
          %mul3A_1004 = arith.mulf %get3A_1002, %mul3A_1003 : vector<16xf32>
          %mul3A_1005 = arith.constant 16 : i32
          %mul3A_1006 = arith.muli %scan3A_66, %mul3A_1005 : i32
          %add3A_1007 = arith.constant 6 : i32
          %add3A_1008 = arith.addi %mul3A_1006, %add3A_1007 : i32
          %swap3A_1009 = arith.index_cast %add3A_1008 : i32 to index
          %swap3A_1010 = arith.constant 0 : index
          %swap3A_1011 = tpu.vector_load %arg10[%swap3A_1009, %swap3A_1010] {strides = array<i32>} : memref<128x128xf32, #tpu.memory_space<vmem>>, vector<1x16xf32>,
          %swap3A_1012 = vector.shape_cast %swap3A_1011 : vector<1x16xf32> to vector<16xf32>
          %swap3A_1013 = vector.shape_cast %mul3A_1004 : vector<16xf32> to vector<1x16xf32>
          tpu.vector_store %arg10[%swap3A_1009, %swap3A_1010], %swap3A_1013 {strides = array<i32>} : memref<128x128xf32, #tpu.memory_space<vmem>>, vector<1x16xf32>,
          %mul3A_1014 = arith.constant 16 : i32
          %mul3A_1015 = arith.muli %scan3A_66, %mul3A_1014 : i32
          %add3A_1016 = arith.constant 6 : i32
          %add3A_1017 = arith.addi %mul3A_1015, %add3A_1016 : i32
          %get3A_1018 = arith.index_cast %add3A_1017 : i32 to index
          %get3A_1019 = arith.constant 16 : index
          %get3A_1020 = tpu.vector_load %arg10[%get3A_1018, %get3A_1019] {strides = array<i32>} : memref<128x128xf32, #tpu.memory_space<vmem>>, vector<1x16xf32>,
          %get3A_1021 = vector.shape_cast %get3A_1020 : vector<1x16xf32> to vector<16xf32>
          %mul3A_1022 = vector.broadcast %squeeze3A_994 : f32 to vector<16xf32>
          %mul3A_1023 = arith.mulf %get3A_1021, %mul3A_1022 : vector<16xf32>
          %mul3A_1024 = arith.constant 16 : i32
          %mul3A_1025 = arith.muli %scan3A_66, %mul3A_1024 : i32
          %add3A_1026 = arith.constant 6 : i32
          %add3A_1027 = arith.addi %mul3A_1025, %add3A_1026 : i32
          %swap3A_1028 = arith.index_cast %add3A_1027 : i32 to index
          %swap3A_1029 = arith.constant 16 : index
          %swap3A_1030 = tpu.vector_load %arg10[%swap3A_1028, %swap3A_1029] {strides = array<i32>} : memref<128x128xf32, #tpu.memory_space<vmem>>, vector<1x16xf32>,
          %swap3A_1031 = vector.shape_cast %swap3A_1030 : vector<1x16xf32> to vector<16xf32>
          %swap3A_1032 = vector.shape_cast %mul3A_1023 : vector<16xf32> to vector<1x16xf32>
          tpu.vector_store %arg10[%swap3A_1028, %swap3A_1029], %swap3A_1032 {strides = array<i32>} : memref<128x128xf32, #tpu.memory_space<vmem>>, vector<1x16xf32>,
          %mul3A_1033 = arith.constant 16 : i32
          %mul3A_1034 = arith.muli %scan3A_66, %mul3A_1033 : i32
          %add3A_1035 = arith.constant 6 : i32
          %add3A_1036 = arith.addi %mul3A_1034, %add3A_1035 : i32
          %get3A_1037 = arith.index_cast %add3A_1036 : i32 to index
          %get3A_1038 = arith.constant 32 : index
          %get3A_1039 = tpu.vector_load %arg10[%get3A_1037, %get3A_1038] {strides = array<i32>} : memref<128x128xf32, #tpu.memory_space<vmem>>, vector<1x16xf32>,
          %get3A_1040 = vector.shape_cast %get3A_1039 : vector<1x16xf32> to vector<16xf32>
          %mul3A_1041 = vector.broadcast %squeeze3A_994 : f32 to vector<16xf32>
          %mul3A_1042 = arith.mulf %get3A_1040, %mul3A_1041 : vector<16xf32>
          %mul3A_1043 = arith.constant 16 : i32
          %mul3A_1044 = arith.muli %scan3A_66, %mul3A_1043 : i32
          %add3A_1045 = arith.constant 6 : i32
          %add3A_1046 = arith.addi %mul3A_1044, %add3A_1045 : i32
          %swap3A_1047 = arith.index_cast %add3A_1046 : i32 to index
          %swap3A_1048 = arith.constant 32 : index
          %swap3A_1049 = tpu.vector_load %arg10[%swap3A_1047, %swap3A_1048] {strides = array<i32>} : memref<128x128xf32, #tpu.memory_space<vmem>>, vector<1x16xf32>,
          %swap3A_1050 = vector.shape_cast %swap3A_1049 : vector<1x16xf32> to vector<16xf32>
          %swap3A_1051 = vector.shape_cast %mul3A_1042 : vector<16xf32> to vector<1x16xf32>
          tpu.vector_store %arg10[%swap3A_1047, %swap3A_1048], %swap3A_1051 {strides = array<i32>} : memref<128x128xf32, #tpu.memory_space<vmem>>, vector<1x16xf32>,
          %mul3A_1052 = arith.constant 16 : i32
          %mul3A_1053 = arith.muli %scan3A_66, %mul3A_1052 : i32
          %add3A_1054 = arith.constant 6 : i32
          %add3A_1055 = arith.addi %mul3A_1053, %add3A_1054 : i32
          %get3A_1056 = arith.index_cast %add3A_1055 : i32 to index
          %get3A_1057 = arith.constant 48 : index
          %get3A_1058 = tpu.vector_load %arg10[%get3A_1056, %get3A_1057] {strides = array<i32>} : memref<128x128xf32, #tpu.memory_space<vmem>>, vector<1x16xf32>,
          %get3A_1059 = vector.shape_cast %get3A_1058 : vector<1x16xf32> to vector<16xf32>
          %mul3A_1060 = vector.broadcast %squeeze3A_994 : f32 to vector<16xf32>
          %mul3A_1061 = arith.mulf %get3A_1059, %mul3A_1060 : vector<16xf32>
          %mul3A_1062 = arith.constant 16 : i32
          %mul3A_1063 = arith.muli %scan3A_66, %mul3A_1062 : i32
          %add3A_1064 = arith.constant 6 : i32
          %add3A_1065 = arith.addi %mul3A_1063, %add3A_1064 : i32
          %swap3A_1066 = arith.index_cast %add3A_1065 : i32 to index
          %swap3A_1067 = arith.constant 48 : index
          %swap3A_1068 = tpu.vector_load %arg10[%swap3A_1066, %swap3A_1067] {strides = array<i32>} : memref<128x128xf32, #tpu.memory_space<vmem>>, vector<1x16xf32>,
          %swap3A_1069 = vector.shape_cast %swap3A_1068 : vector<1x16xf32> to vector<16xf32>
          %swap3A_1070 = vector.shape_cast %mul3A_1061 : vector<16xf32> to vector<1x16xf32>
          tpu.vector_store %arg10[%swap3A_1066, %swap3A_1067], %swap3A_1070 {strides = array<i32>} : memref<128x128xf32, #tpu.memory_space<vmem>>, vector<1x16xf32>,
          %mul3A_1071 = arith.constant 16 : i32
          %mul3A_1072 = arith.muli %scan3A_66, %mul3A_1071 : i32
          %add3A_1073 = arith.constant 6 : i32
          %add3A_1074 = arith.addi %mul3A_1072, %add3A_1073 : i32
          %get3A_1075 = arith.index_cast %add3A_1074 : i32 to index
          %get3A_1076 = arith.constant 64 : index
          %get3A_1077 = tpu.vector_load %arg10[%get3A_1075, %get3A_1076] {strides = array<i32>} : memref<128x128xf32, #tpu.memory_space<vmem>>, vector<1x16xf32>,
          %get3A_1078 = vector.shape_cast %get3A_1077 : vector<1x16xf32> to vector<16xf32>
          %mul3A_1079 = vector.broadcast %squeeze3A_994 : f32 to vector<16xf32>
          %mul3A_1080 = arith.mulf %get3A_1078, %mul3A_1079 : vector<16xf32>
          %mul3A_1081 = arith.constant 16 : i32
          %mul3A_1082 = arith.muli %scan3A_66, %mul3A_1081 : i32
          %add3A_1083 = arith.constant 6 : i32
          %add3A_1084 = arith.addi %mul3A_1082, %add3A_1083 : i32
          %swap3A_1085 = arith.index_cast %add3A_1084 : i32 to index
          %swap3A_1086 = arith.constant 64 : index
          %swap3A_1087 = tpu.vector_load %arg10[%swap3A_1085, %swap3A_1086] {strides = array<i32>} : memref<128x128xf32, #tpu.memory_space<vmem>>, vector<1x16xf32>,
          %swap3A_1088 = vector.shape_cast %swap3A_1087 : vector<1x16xf32> to vector<16xf32>
          %swap3A_1089 = vector.shape_cast %mul3A_1080 : vector<16xf32> to vector<1x16xf32>
          tpu.vector_store %arg10[%swap3A_1085, %swap3A_1086], %swap3A_1089 {strides = array<i32>} : memref<128x128xf32, #tpu.memory_space<vmem>>, vector<1x16xf32>,
          %mul3A_1090 = arith.constant 16 : i32
          %mul3A_1091 = arith.muli %scan3A_66, %mul3A_1090 : i32
          %add3A_1092 = arith.constant 6 : i32
          %add3A_1093 = arith.addi %mul3A_1091, %add3A_1092 : i32
          %get3A_1094 = arith.index_cast %add3A_1093 : i32 to index
          %get3A_1095 = arith.constant 80 : index
          %get3A_1096 = tpu.vector_load %arg10[%get3A_1094, %get3A_1095] {strides = array<i32>} : memref<128x128xf32, #tpu.memory_space<vmem>>, vector<1x16xf32>,
          %get3A_1097 = vector.shape_cast %get3A_1096 : vector<1x16xf32> to vector<16xf32>
          %mul3A_1098 = vector.broadcast %squeeze3A_994 : f32 to vector<16xf32>
          %mul3A_1099 = arith.mulf %get3A_1097, %mul3A_1098 : vector<16xf32>
          %mul3A_1100 = arith.constant 16 : i32
          %mul3A_1101 = arith.muli %scan3A_66, %mul3A_1100 : i32
          %add3A_1102 = arith.constant 6 : i32
          %add3A_1103 = arith.addi %mul3A_1101, %add3A_1102 : i32
          %swap3A_1104 = arith.index_cast %add3A_1103 : i32 to index
          %swap3A_1105 = arith.constant 80 : index
          %swap3A_1106 = tpu.vector_load %arg10[%swap3A_1104, %swap3A_1105] {strides = array<i32>} : memref<128x128xf32, #tpu.memory_space<vmem>>, vector<1x16xf32>,
          %swap3A_1107 = vector.shape_cast %swap3A_1106 : vector<1x16xf32> to vector<16xf32>
          %swap3A_1108 = vector.shape_cast %mul3A_1099 : vector<16xf32> to vector<1x16xf32>
          tpu.vector_store %arg10[%swap3A_1104, %swap3A_1105], %swap3A_1108 {strides = array<i32>} : memref<128x128xf32, #tpu.memory_space<vmem>>, vector<1x16xf32>,
          %mul3A_1109 = arith.constant 16 : i32
          %mul3A_1110 = arith.muli %scan3A_66, %mul3A_1109 : i32
          %add3A_1111 = arith.constant 6 : i32
          %add3A_1112 = arith.addi %mul3A_1110, %add3A_1111 : i32
          %get3A_1113 = arith.index_cast %add3A_1112 : i32 to index
          %get3A_1114 = arith.constant 96 : index
          %get3A_1115 = tpu.vector_load %arg10[%get3A_1113, %get3A_1114] {strides = array<i32>} : memref<128x128xf32, #tpu.memory_space<vmem>>, vector<1x16xf32>,
          %get3A_1116 = vector.shape_cast %get3A_1115 : vector<1x16xf32> to vector<16xf32>
          %mul3A_1117 = vector.broadcast %squeeze3A_994 : f32 to vector<16xf32>
          %mul3A_1118 = arith.mulf %get3A_1116, %mul3A_1117 : vector<16xf32>
          %mul3A_1119 = arith.constant 16 : i32
          %mul3A_1120 = arith.muli %scan3A_66, %mul3A_1119 : i32
          %add3A_1121 = arith.constant 6 : i32
          %add3A_1122 = arith.addi %mul3A_1120, %add3A_1121 : i32
          %swap3A_1123 = arith.index_cast %add3A_1122 : i32 to index
          %swap3A_1124 = arith.constant 96 : index
          %swap3A_1125 = tpu.vector_load %arg10[%swap3A_1123, %swap3A_1124] {strides = array<i32>} : memref<128x128xf32, #tpu.memory_space<vmem>>, vector<1x16xf32>,
          %swap3A_1126 = vector.shape_cast %swap3A_1125 : vector<1x16xf32> to vector<16xf32>
          %swap3A_1127 = vector.shape_cast %mul3A_1118 : vector<16xf32> to vector<1x16xf32>
          tpu.vector_store %arg10[%swap3A_1123, %swap3A_1124], %swap3A_1127 {strides = array<i32>} : memref<128x128xf32, #tpu.memory_space<vmem>>, vector<1x16xf32>,
          %mul3A_1128 = arith.constant 16 : i32
          %mul3A_1129 = arith.muli %scan3A_66, %mul3A_1128 : i32
          %add3A_1130 = arith.constant 6 : i32
          %add3A_1131 = arith.addi %mul3A_1129, %add3A_1130 : i32
          %get3A_1132 = arith.index_cast %add3A_1131 : i32 to index
          %get3A_1133 = arith.constant 112 : index
          %get3A_1134 = tpu.vector_load %arg10[%get3A_1132, %get3A_1133] {strides = array<i32>} : memref<128x128xf32, #tpu.memory_space<vmem>>, vector<1x16xf32>,
          %get3A_1135 = vector.shape_cast %get3A_1134 : vector<1x16xf32> to vector<16xf32>
          %mul3A_1136 = vector.broadcast %squeeze3A_994 : f32 to vector<16xf32>
          %mul3A_1137 = arith.mulf %get3A_1135, %mul3A_1136 : vector<16xf32>
          %mul3A_1138 = arith.constant 16 : i32
          %mul3A_1139 = arith.muli %scan3A_66, %mul3A_1138 : i32
          %add3A_1140 = arith.constant 6 : i32
          %add3A_1141 = arith.addi %mul3A_1139, %add3A_1140 : i32
          %swap3A_1142 = arith.index_cast %add3A_1141 : i32 to index
          %swap3A_1143 = arith.constant 112 : index
          %swap3A_1144 = tpu.vector_load %arg10[%swap3A_1142, %swap3A_1143] {strides = array<i32>} : memref<128x128xf32, #tpu.memory_space<vmem>>, vector<1x16xf32>,
          %swap3A_1145 = vector.shape_cast %swap3A_1144 : vector<1x16xf32> to vector<16xf32>
          %swap3A_1146 = vector.shape_cast %mul3A_1137 : vector<16xf32> to vector<1x16xf32>
          tpu.vector_store %arg10[%swap3A_1142, %swap3A_1143], %swap3A_1146 {strides = array<i32>} : memref<128x128xf32, #tpu.memory_space<vmem>>, vector<1x16xf32>,
          %slice3A_1147 = vector.extract_strided_slice %get3A_71 {offsets = [7], sizes = [1], strides = [1]} : vector<16xf32> to vector<1xf32>
          %squeeze3A_1148 = vector.extract %slice3A_1147[0] : f32 from vector<1xf32>
          %mul3A_1149 = arith.constant 16 : i32
          %mul3A_1150 = arith.muli %scan3A_66, %mul3A_1149 : i32
          %add3A_1151 = arith.constant 7 : i32
          %add3A_1152 = arith.addi %mul3A_1150, %add3A_1151 : i32
          %get3A_1153 = arith.index_cast %add3A_1152 : i32 to index
          %get3A_1154 = arith.constant 0 : index
          %get3A_1155 = tpu.vector_load %arg10[%get3A_1153, %get3A_1154] {strides = array<i32>} : memref<128x128xf32, #tpu.memory_space<vmem>>, vector<1x16xf32>,
          %get3A_1156 = vector.shape_cast %get3A_1155 : vector<1x16xf32> to vector<16xf32>
          %mul3A_1157 = vector.broadcast %squeeze3A_1148 : f32 to vector<16xf32>
          %mul3A_1158 = arith.mulf %get3A_1156, %mul3A_1157 : vector<16xf32>
          %mul3A_1159 = arith.constant 16 : i32
          %mul3A_1160 = arith.muli %scan3A_66, %mul3A_1159 : i32
          %add3A_1161 = arith.constant 7 : i32
          %add3A_1162 = arith.addi %mul3A_1160, %add3A_1161 : i32
          %swap3A_1163 = arith.index_cast %add3A_1162 : i32 to index
          %swap3A_1164 = arith.constant 0 : index
          %swap3A_1165 = tpu.vector_load %arg10[%swap3A_1163, %swap3A_1164] {strides = array<i32>} : memref<128x128xf32, #tpu.memory_space<vmem>>, vector<1x16xf32>,
          %swap3A_1166 = vector.shape_cast %swap3A_1165 : vector<1x16xf32> to vector<16xf32>
          %swap3A_1167 = vector.shape_cast %mul3A_1158 : vector<16xf32> to vector<1x16xf32>
          tpu.vector_store %arg10[%swap3A_1163, %swap3A_1164], %swap3A_1167 {strides = array<i32>} : memref<128x128xf32, #tpu.memory_space<vmem>>, vector<1x16xf32>,
          %mul3A_1168 = arith.constant 16 : i32
          %mul3A_1169 = arith.muli %scan3A_66, %mul3A_1168 : i32
          %add3A_1170 = arith.constant 7 : i32
          %add3A_1171 = arith.addi %mul3A_1169, %add3A_1170 : i32
          %get3A_1172 = arith.index_cast %add3A_1171 : i32 to index
          %get3A_1173 = arith.constant 16 : index
          %get3A_1174 = tpu.vector_load %arg10[%get3A_1172, %get3A_1173] {strides = array<i32>} : memref<128x128xf32, #tpu.memory_space<vmem>>, vector<1x16xf32>,
          %get3A_1175 = vector.shape_cast %get3A_1174 : vector<1x16xf32> to vector<16xf32>
          %mul3A_1176 = vector.broadcast %squeeze3A_1148 : f32 to vector<16xf32>
          %mul3A_1177 = arith.mulf %get3A_1175, %mul3A_1176 : vector<16xf32>
          %mul3A_1178 = arith.constant 16 : i32
          %mul3A_1179 = arith.muli %scan3A_66, %mul3A_1178 : i32
          %add3A_1180 = arith.constant 7 : i32
          %add3A_1181 = arith.addi %mul3A_1179, %add3A_1180 : i32
          %swap3A_1182 = arith.index_cast %add3A_1181 : i32 to index
          %swap3A_1183 = arith.constant 16 : index
          %swap3A_1184 = tpu.vector_load %arg10[%swap3A_1182, %swap3A_1183] {strides = array<i32>} : memref<128x128xf32, #tpu.memory_space<vmem>>, vector<1x16xf32>,
          %swap3A_1185 = vector.shape_cast %swap3A_1184 : vector<1x16xf32> to vector<16xf32>
          %swap3A_1186 = vector.shape_cast %mul3A_1177 : vector<16xf32> to vector<1x16xf32>
          tpu.vector_store %arg10[%swap3A_1182, %swap3A_1183], %swap3A_1186 {strides = array<i32>} : memref<128x128xf32, #tpu.memory_space<vmem>>, vector<1x16xf32>,
          %mul3A_1187 = arith.constant 16 : i32
          %mul3A_1188 = arith.muli %scan3A_66, %mul3A_1187 : i32
          %add3A_1189 = arith.constant 7 : i32
          %add3A_1190 = arith.addi %mul3A_1188, %add3A_1189 : i32
          %get3A_1191 = arith.index_cast %add3A_1190 : i32 to index
          %get3A_1192 = arith.constant 32 : index
          %get3A_1193 = tpu.vector_load %arg10[%get3A_1191, %get3A_1192] {strides = array<i32>} : memref<128x128xf32, #tpu.memory_space<vmem>>, vector<1x16xf32>,
          %get3A_1194 = vector.shape_cast %get3A_1193 : vector<1x16xf32> to vector<16xf32>
          %mul3A_1195 = vector.broadcast %squeeze3A_1148 : f32 to vector<16xf32>
          %mul3A_1196 = arith.mulf %get3A_1194, %mul3A_1195 : vector<16xf32>
          %mul3A_1197 = arith.constant 16 : i32
          %mul3A_1198 = arith.muli %scan3A_66, %mul3A_1197 : i32
          %add3A_1199 = arith.constant 7 : i32
          %add3A_1200 = arith.addi %mul3A_1198, %add3A_1199 : i32
          %swap3A_1201 = arith.index_cast %add3A_1200 : i32 to index
          %swap3A_1202 = arith.constant 32 : index
          %swap3A_1203 = tpu.vector_load %arg10[%swap3A_1201, %swap3A_1202] {strides = array<i32>} : memref<128x128xf32, #tpu.memory_space<vmem>>, vector<1x16xf32>,
          %swap3A_1204 = vector.shape_cast %swap3A_1203 : vector<1x16xf32> to vector<16xf32>
          %swap3A_1205 = vector.shape_cast %mul3A_1196 : vector<16xf32> to vector<1x16xf32>
          tpu.vector_store %arg10[%swap3A_1201, %swap3A_1202], %swap3A_1205 {strides = array<i32>} : memref<128x128xf32, #tpu.memory_space<vmem>>, vector<1x16xf32>,
          %mul3A_1206 = arith.constant 16 : i32
          %mul3A_1207 = arith.muli %scan3A_66, %mul3A_1206 : i32
          %add3A_1208 = arith.constant 7 : i32
          %add3A_1209 = arith.addi %mul3A_1207, %add3A_1208 : i32
          %get3A_1210 = arith.index_cast %add3A_1209 : i32 to index
          %get3A_1211 = arith.constant 48 : index
          %get3A_1212 = tpu.vector_load %arg10[%get3A_1210, %get3A_1211] {strides = array<i32>} : memref<128x128xf32, #tpu.memory_space<vmem>>, vector<1x16xf32>,
          %get3A_1213 = vector.shape_cast %get3A_1212 : vector<1x16xf32> to vector<16xf32>
          %mul3A_1214 = vector.broadcast %squeeze3A_1148 : f32 to vector<16xf32>
          %mul3A_1215 = arith.mulf %get3A_1213, %mul3A_1214 : vector<16xf32>
          %mul3A_1216 = arith.constant 16 : i32
          %mul3A_1217 = arith.muli %scan3A_66, %mul3A_1216 : i32
          %add3A_1218 = arith.constant 7 : i32
          %add3A_1219 = arith.addi %mul3A_1217, %add3A_1218 : i32
          %swap3A_1220 = arith.index_cast %add3A_1219 : i32 to index
          %swap3A_1221 = arith.constant 48 : index
          %swap3A_1222 = tpu.vector_load %arg10[%swap3A_1220, %swap3A_1221] {strides = array<i32>} : memref<128x128xf32, #tpu.memory_space<vmem>>, vector<1x16xf32>,
          %swap3A_1223 = vector.shape_cast %swap3A_1222 : vector<1x16xf32> to vector<16xf32>
          %swap3A_1224 = vector.shape_cast %mul3A_1215 : vector<16xf32> to vector<1x16xf32>
          tpu.vector_store %arg10[%swap3A_1220, %swap3A_1221], %swap3A_1224 {strides = array<i32>} : memref<128x128xf32, #tpu.memory_space<vmem>>, vector<1x16xf32>,
          %mul3A_1225 = arith.constant 16 : i32
          %mul3A_1226 = arith.muli %scan3A_66, %mul3A_1225 : i32
          %add3A_1227 = arith.constant 7 : i32
          %add3A_1228 = arith.addi %mul3A_1226, %add3A_1227 : i32
          %get3A_1229 = arith.index_cast %add3A_1228 : i32 to index
          %get3A_1230 = arith.constant 64 : index
          %get3A_1231 = tpu.vector_load %arg10[%get3A_1229, %get3A_1230] {strides = array<i32>} : memref<128x128xf32, #tpu.memory_space<vmem>>, vector<1x16xf32>,
          %get3A_1232 = vector.shape_cast %get3A_1231 : vector<1x16xf32> to vector<16xf32>
          %mul3A_1233 = vector.broadcast %squeeze3A_1148 : f32 to vector<16xf32>
          %mul3A_1234 = arith.mulf %get3A_1232, %mul3A_1233 : vector<16xf32>
          %mul3A_1235 = arith.constant 16 : i32
          %mul3A_1236 = arith.muli %scan3A_66, %mul3A_1235 : i32
          %add3A_1237 = arith.constant 7 : i32
          %add3A_1238 = arith.addi %mul3A_1236, %add3A_1237 : i32
          %swap3A_1239 = arith.index_cast %add3A_1238 : i32 to index
          %swap3A_1240 = arith.constant 64 : index
          %swap3A_1241 = tpu.vector_load %arg10[%swap3A_1239, %swap3A_1240] {strides = array<i32>} : memref<128x128xf32, #tpu.memory_space<vmem>>, vector<1x16xf32>,
          %swap3A_1242 = vector.shape_cast %swap3A_1241 : vector<1x16xf32> to vector<16xf32>
          %swap3A_1243 = vector.shape_cast %mul3A_1234 : vector<16xf32> to vector<1x16xf32>
          tpu.vector_store %arg10[%swap3A_1239, %swap3A_1240], %swap3A_1243 {strides = array<i32>} : memref<128x128xf32, #tpu.memory_space<vmem>>, vector<1x16xf32>,
          %mul3A_1244 = arith.constant 16 : i32
          %mul3A_1245 = arith.muli %scan3A_66, %mul3A_1244 : i32
          %add3A_1246 = arith.constant 7 : i32
          %add3A_1247 = arith.addi %mul3A_1245, %add3A_1246 : i32
          %get3A_1248 = arith.index_cast %add3A_1247 : i32 to index
          %get3A_1249 = arith.constant 80 : index
          %get3A_1250 = tpu.vector_load %arg10[%get3A_1248, %get3A_1249] {strides = array<i32>} : memref<128x128xf32, #tpu.memory_space<vmem>>, vector<1x16xf32>,
          %get3A_1251 = vector.shape_cast %get3A_1250 : vector<1x16xf32> to vector<16xf32>
          %mul3A_1252 = vector.broadcast %squeeze3A_1148 : f32 to vector<16xf32>
          %mul3A_1253 = arith.mulf %get3A_1251, %mul3A_1252 : vector<16xf32>
          %mul3A_1254 = arith.constant 16 : i32
          %mul3A_1255 = arith.muli %scan3A_66, %mul3A_1254 : i32
          %add3A_1256 = arith.constant 7 : i32
          %add3A_1257 = arith.addi %mul3A_1255, %add3A_1256 : i32
          %swap3A_1258 = arith.index_cast %add3A_1257 : i32 to index
          %swap3A_1259 = arith.constant 80 : index
          %swap3A_1260 = tpu.vector_load %arg10[%swap3A_1258, %swap3A_1259] {strides = array<i32>} : memref<128x128xf32, #tpu.memory_space<vmem>>, vector<1x16xf32>,
          %swap3A_1261 = vector.shape_cast %swap3A_1260 : vector<1x16xf32> to vector<16xf32>
          %swap3A_1262 = vector.shape_cast %mul3A_1253 : vector<16xf32> to vector<1x16xf32>
          tpu.vector_store %arg10[%swap3A_1258, %swap3A_1259], %swap3A_1262 {strides = array<i32>} : memref<128x128xf32, #tpu.memory_space<vmem>>, vector<1x16xf32>,
          %mul3A_1263 = arith.constant 16 : i32
          %mul3A_1264 = arith.muli %scan3A_66, %mul3A_1263 : i32
          %add3A_1265 = arith.constant 7 : i32
          %add3A_1266 = arith.addi %mul3A_1264, %add3A_1265 : i32
          %get3A_1267 = arith.index_cast %add3A_1266 : i32 to index
          %get3A_1268 = arith.constant 96 : index
          %get3A_1269 = tpu.vector_load %arg10[%get3A_1267, %get3A_1268] {strides = array<i32>} : memref<128x128xf32, #tpu.memory_space<vmem>>, vector<1x16xf32>,
          %get3A_1270 = vector.shape_cast %get3A_1269 : vector<1x16xf32> to vector<16xf32>
          %mul3A_1271 = vector.broadcast %squeeze3A_1148 : f32 to vector<16xf32>
          %mul3A_1272 = arith.mulf %get3A_1270, %mul3A_1271 : vector<16xf32>
          %mul3A_1273 = arith.constant 16 : i32
          %mul3A_1274 = arith.muli %scan3A_66, %mul3A_1273 : i32
          %add3A_1275 = arith.constant 7 : i32
          %add3A_1276 = arith.addi %mul3A_1274, %add3A_1275 : i32
          %swap3A_1277 = arith.index_cast %add3A_1276 : i32 to index
          %swap3A_1278 = arith.constant 96 : index
          %swap3A_1279 = tpu.vector_load %arg10[%swap3A_1277, %swap3A_1278] {strides = array<i32>} : memref<128x128xf32, #tpu.memory_space<vmem>>, vector<1x16xf32>,
          %swap3A_1280 = vector.shape_cast %swap3A_1279 : vector<1x16xf32> to vector<16xf32>
          %swap3A_1281 = vector.shape_cast %mul3A_1272 : vector<16xf32> to vector<1x16xf32>
          tpu.vector_store %arg10[%swap3A_1277, %swap3A_1278], %swap3A_1281 {strides = array<i32>} : memref<128x128xf32, #tpu.memory_space<vmem>>, vector<1x16xf32>,
          %mul3A_1282 = arith.constant 16 : i32
          %mul3A_1283 = arith.muli %scan3A_66, %mul3A_1282 : i32
          %add3A_1284 = arith.constant 7 : i32
          %add3A_1285 = arith.addi %mul3A_1283, %add3A_1284 : i32
          %get3A_1286 = arith.index_cast %add3A_1285 : i32 to index
          %get3A_1287 = arith.constant 112 : index
          %get3A_1288 = tpu.vector_load %arg10[%get3A_1286, %get3A_1287] {strides = array<i32>} : memref<128x128xf32, #tpu.memory_space<vmem>>, vector<1x16xf32>,
          %get3A_1289 = vector.shape_cast %get3A_1288 : vector<1x16xf32> to vector<16xf32>
          %mul3A_1290 = vector.broadcast %squeeze3A_1148 : f32 to vector<16xf32>
          %mul3A_1291 = arith.mulf %get3A_1289, %mul3A_1290 : vector<16xf32>
          %mul3A_1292 = arith.constant 16 : i32
          %mul3A_1293 = arith.muli %scan3A_66, %mul3A_1292 : i32
          %add3A_1294 = arith.constant 7 : i32
          %add3A_1295 = arith.addi %mul3A_1293, %add3A_1294 : i32
          %swap3A_1296 = arith.index_cast %add3A_1295 : i32 to index
          %swap3A_1297 = arith.constant 112 : index
          %swap3A_1298 = tpu.vector_load %arg10[%swap3A_1296, %swap3A_1297] {strides = array<i32>} : memref<128x128xf32, #tpu.memory_space<vmem>>, vector<1x16xf32>,
          %swap3A_1299 = vector.shape_cast %swap3A_1298 : vector<1x16xf32> to vector<16xf32>
          %swap3A_1300 = vector.shape_cast %mul3A_1291 : vector<16xf32> to vector<1x16xf32>
          tpu.vector_store %arg10[%swap3A_1296, %swap3A_1297], %swap3A_1300 {strides = array<i32>} : memref<128x128xf32, #tpu.memory_space<vmem>>, vector<1x16xf32>,
          %slice3A_1301 = vector.extract_strided_slice %get3A_71 {offsets = [8], sizes = [1], strides = [1]} : vector<16xf32> to vector<1xf32>
          %squeeze3A_1302 = vector.extract %slice3A_1301[0] : f32 from vector<1xf32>
          %mul3A_1303 = arith.constant 16 : i32
          %mul3A_1304 = arith.muli %scan3A_66, %mul3A_1303 : i32
          %add3A_1305 = arith.constant 8 : i32
          %add3A_1306 = arith.addi %mul3A_1304, %add3A_1305 : i32
          %get3A_1307 = arith.index_cast %add3A_1306 : i32 to index
          %get3A_1308 = arith.constant 0 : index
          %get3A_1309 = tpu.vector_load %arg10[%get3A_1307, %get3A_1308] {strides = array<i32>} : memref<128x128xf32, #tpu.memory_space<vmem>>, vector<1x16xf32>,
          %get3A_1310 = vector.shape_cast %get3A_1309 : vector<1x16xf32> to vector<16xf32>
          %mul3A_1311 = vector.broadcast %squeeze3A_1302 : f32 to vector<16xf32>
          %mul3A_1312 = arith.mulf %get3A_1310, %mul3A_1311 : vector<16xf32>
          %mul3A_1313 = arith.constant 16 : i32
          %mul3A_1314 = arith.muli %scan3A_66, %mul3A_1313 : i32
          %add3A_1315 = arith.constant 8 : i32
          %add3A_1316 = arith.addi %mul3A_1314, %add3A_1315 : i32
          %swap3A_1317 = arith.index_cast %add3A_1316 : i32 to index
          %swap3A_1318 = arith.constant 0 : index
          %swap3A_1319 = tpu.vector_load %arg10[%swap3A_1317, %swap3A_1318] {strides = array<i32>} : memref<128x128xf32, #tpu.memory_space<vmem>>, vector<1x16xf32>,
          %swap3A_1320 = vector.shape_cast %swap3A_1319 : vector<1x16xf32> to vector<16xf32>
          %swap3A_1321 = vector.shape_cast %mul3A_1312 : vector<16xf32> to vector<1x16xf32>
          tpu.vector_store %arg10[%swap3A_1317, %swap3A_1318], %swap3A_1321 {strides = array<i32>} : memref<128x128xf32, #tpu.memory_space<vmem>>, vector<1x16xf32>,
          %mul3A_1322 = arith.constant 16 : i32
          %mul3A_1323 = arith.muli %scan3A_66, %mul3A_1322 : i32
          %add3A_1324 = arith.constant 8 : i32
          %add3A_1325 = arith.addi %mul3A_1323, %add3A_1324 : i32
          %get3A_1326 = arith.index_cast %add3A_1325 : i32 to index
          %get3A_1327 = arith.constant 16 : index
          %get3A_1328 = tpu.vector_load %arg10[%get3A_1326, %get3A_1327] {strides = array<i32>} : memref<128x128xf32, #tpu.memory_space<vmem>>, vector<1x16xf32>,
          %get3A_1329 = vector.shape_cast %get3A_1328 : vector<1x16xf32> to vector<16xf32>
          %mul3A_1330 = vector.broadcast %squeeze3A_1302 : f32 to vector<16xf32>
          %mul3A_1331 = arith.mulf %get3A_1329, %mul3A_1330 : vector<16xf32>
          %mul3A_1332 = arith.constant 16 : i32
          %mul3A_1333 = arith.muli %scan3A_66, %mul3A_1332 : i32
          %add3A_1334 = arith.constant 8 : i32
          %add3A_1335 = arith.addi %mul3A_1333, %add3A_1334 : i32
          %swap3A_1336 = arith.index_cast %add3A_1335 : i32 to index
          %swap3A_1337 = arith.constant 16 : index
          %swap3A_1338 = tpu.vector_load %arg10[%swap3A_1336, %swap3A_1337] {strides = array<i32>} : memref<128x128xf32, #tpu.memory_space<vmem>>, vector<1x16xf32>,
          %swap3A_1339 = vector.shape_cast %swap3A_1338 : vector<1x16xf32> to vector<16xf32>
          %swap3A_1340 = vector.shape_cast %mul3A_1331 : vector<16xf32> to vector<1x16xf32>
          tpu.vector_store %arg10[%swap3A_1336, %swap3A_1337], %swap3A_1340 {strides = array<i32>} : memref<128x128xf32, #tpu.memory_space<vmem>>, vector<1x16xf32>,
          %mul3A_1341 = arith.constant 16 : i32
          %mul3A_1342 = arith.muli %scan3A_66, %mul3A_1341 : i32
          %add3A_1343 = arith.constant 8 : i32
          %add3A_1344 = arith.addi %mul3A_1342, %add3A_1343 : i32
          %get3A_1345 = arith.index_cast %add3A_1344 : i32 to index
          %get3A_1346 = arith.constant 32 : index
          %get3A_1347 = tpu.vector_load %arg10[%get3A_1345, %get3A_1346] {strides = array<i32>} : memref<128x128xf32, #tpu.memory_space<vmem>>, vector<1x16xf32>,
          %get3A_1348 = vector.shape_cast %get3A_1347 : vector<1x16xf32> to vector<16xf32>
          %mul3A_1349 = vector.broadcast %squeeze3A_1302 : f32 to vector<16xf32>
          %mul3A_1350 = arith.mulf %get3A_1348, %mul3A_1349 : vector<16xf32>
          %mul3A_1351 = arith.constant 16 : i32
          %mul3A_1352 = arith.muli %scan3A_66, %mul3A_1351 : i32
          %add3A_1353 = arith.constant 8 : i32
          %add3A_1354 = arith.addi %mul3A_1352, %add3A_1353 : i32
          %swap3A_1355 = arith.index_cast %add3A_1354 : i32 to index
          %swap3A_1356 = arith.constant 32 : index
          %swap3A_1357 = tpu.vector_load %arg10[%swap3A_1355, %swap3A_1356] {strides = array<i32>} : memref<128x128xf32, #tpu.memory_space<vmem>>, vector<1x16xf32>,
          %swap3A_1358 = vector.shape_cast %swap3A_1357 : vector<1x16xf32> to vector<16xf32>
          %swap3A_1359 = vector.shape_cast %mul3A_1350 : vector<16xf32> to vector<1x16xf32>
          tpu.vector_store %arg10[%swap3A_1355, %swap3A_1356], %swap3A_1359 {strides = array<i32>} : memref<128x128xf32, #tpu.memory_space<vmem>>, vector<1x16xf32>,
          %mul3A_1360 = arith.constant 16 : i32
          %mul3A_1361 = arith.muli %scan3A_66, %mul3A_1360 : i32
          %add3A_1362 = arith.constant 8 : i32
          %add3A_1363 = arith.addi %mul3A_1361, %add3A_1362 : i32
          %get3A_1364 = arith.index_cast %add3A_1363 : i32 to index
          %get3A_1365 = arith.constant 48 : index
          %get3A_1366 = tpu.vector_load %arg10[%get3A_1364, %get3A_1365] {strides = array<i32>} : memref<128x128xf32, #tpu.memory_space<vmem>>, vector<1x16xf32>,
          %get3A_1367 = vector.shape_cast %get3A_1366 : vector<1x16xf32> to vector<16xf32>
          %mul3A_1368 = vector.broadcast %squeeze3A_1302 : f32 to vector<16xf32>
          %mul3A_1369 = arith.mulf %get3A_1367, %mul3A_1368 : vector<16xf32>
          %mul3A_1370 = arith.constant 16 : i32
          %mul3A_1371 = arith.muli %scan3A_66, %mul3A_1370 : i32
          %add3A_1372 = arith.constant 8 : i32
          %add3A_1373 = arith.addi %mul3A_1371, %add3A_1372 : i32
          %swap3A_1374 = arith.index_cast %add3A_1373 : i32 to index
          %swap3A_1375 = arith.constant 48 : index
          %swap3A_1376 = tpu.vector_load %arg10[%swap3A_1374, %swap3A_1375] {strides = array<i32>} : memref<128x128xf32, #tpu.memory_space<vmem>>, vector<1x16xf32>,
          %swap3A_1377 = vector.shape_cast %swap3A_1376 : vector<1x16xf32> to vector<16xf32>
          %swap3A_1378 = vector.shape_cast %mul3A_1369 : vector<16xf32> to vector<1x16xf32>
          tpu.vector_store %arg10[%swap3A_1374, %swap3A_1375], %swap3A_1378 {strides = array<i32>} : memref<128x128xf32, #tpu.memory_space<vmem>>, vector<1x16xf32>,
          %mul3A_1379 = arith.constant 16 : i32
          %mul3A_1380 = arith.muli %scan3A_66, %mul3A_1379 : i32
          %add3A_1381 = arith.constant 8 : i32
          %add3A_1382 = arith.addi %mul3A_1380, %add3A_1381 : i32
          %get3A_1383 = arith.index_cast %add3A_1382 : i32 to index
          %get3A_1384 = arith.constant 64 : index
          %get3A_1385 = tpu.vector_load %arg10[%get3A_1383, %get3A_1384] {strides = array<i32>} : memref<128x128xf32, #tpu.memory_space<vmem>>, vector<1x16xf32>,
          %get3A_1386 = vector.shape_cast %get3A_1385 : vector<1x16xf32> to vector<16xf32>
          %mul3A_1387 = vector.broadcast %squeeze3A_1302 : f32 to vector<16xf32>
          %mul3A_1388 = arith.mulf %get3A_1386, %mul3A_1387 : vector<16xf32>
          %mul3A_1389 = arith.constant 16 : i32
          %mul3A_1390 = arith.muli %scan3A_66, %mul3A_1389 : i32
          %add3A_1391 = arith.constant 8 : i32
          %add3A_1392 = arith.addi %mul3A_1390, %add3A_1391 : i32
          %swap3A_1393 = arith.index_cast %add3A_1392 : i32 to index
          %swap3A_1394 = arith.constant 64 : index
          %swap3A_1395 = tpu.vector_load %arg10[%swap3A_1393, %swap3A_1394] {strides = array<i32>} : memref<128x128xf32, #tpu.memory_space<vmem>>, vector<1x16xf32>,
          %swap3A_1396 = vector.shape_cast %swap3A_1395 : vector<1x16xf32> to vector<16xf32>
          %swap3A_1397 = vector.shape_cast %mul3A_1388 : vector<16xf32> to vector<1x16xf32>
          tpu.vector_store %arg10[%swap3A_1393, %swap3A_1394], %swap3A_1397 {strides = array<i32>} : memref<128x128xf32, #tpu.memory_space<vmem>>, vector<1x16xf32>,
          %mul3A_1398 = arith.constant 16 : i32
          %mul3A_1399 = arith.muli %scan3A_66, %mul3A_1398 : i32
          %add3A_1400 = arith.constant 8 : i32
          %add3A_1401 = arith.addi %mul3A_1399, %add3A_1400 : i32
          %get3A_1402 = arith.index_cast %add3A_1401 : i32 to index
          %get3A_1403 = arith.constant 80 : index
          %get3A_1404 = tpu.vector_load %arg10[%get3A_1402, %get3A_1403] {strides = array<i32>} : memref<128x128xf32, #tpu.memory_space<vmem>>, vector<1x16xf32>,
          %get3A_1405 = vector.shape_cast %get3A_1404 : vector<1x16xf32> to vector<16xf32>
          %mul3A_1406 = vector.broadcast %squeeze3A_1302 : f32 to vector<16xf32>
          %mul3A_1407 = arith.mulf %get3A_1405, %mul3A_1406 : vector<16xf32>
          %mul3A_1408 = arith.constant 16 : i32
          %mul3A_1409 = arith.muli %scan3A_66, %mul3A_1408 : i32
          %add3A_1410 = arith.constant 8 : i32
          %add3A_1411 = arith.addi %mul3A_1409, %add3A_1410 : i32
          %swap3A_1412 = arith.index_cast %add3A_1411 : i32 to index
          %swap3A_1413 = arith.constant 80 : index
          %swap3A_1414 = tpu.vector_load %arg10[%swap3A_1412, %swap3A_1413] {strides = array<i32>} : memref<128x128xf32, #tpu.memory_space<vmem>>, vector<1x16xf32>,
          %swap3A_1415 = vector.shape_cast %swap3A_1414 : vector<1x16xf32> to vector<16xf32>
          %swap3A_1416 = vector.shape_cast %mul3A_1407 : vector<16xf32> to vector<1x16xf32>
          tpu.vector_store %arg10[%swap3A_1412, %swap3A_1413], %swap3A_1416 {strides = array<i32>} : memref<128x128xf32, #tpu.memory_space<vmem>>, vector<1x16xf32>,
          %mul3A_1417 = arith.constant 16 : i32
          %mul3A_1418 = arith.muli %scan3A_66, %mul3A_1417 : i32
          %add3A_1419 = arith.constant 8 : i32
          %add3A_1420 = arith.addi %mul3A_1418, %add3A_1419 : i32
          %get3A_1421 = arith.index_cast %add3A_1420 : i32 to index
          %get3A_1422 = arith.constant 96 : index
          %get3A_1423 = tpu.vector_load %arg10[%get3A_1421, %get3A_1422] {strides = array<i32>} : memref<128x128xf32, #tpu.memory_space<vmem>>, vector<1x16xf32>,
          %get3A_1424 = vector.shape_cast %get3A_1423 : vector<1x16xf32> to vector<16xf32>
          %mul3A_1425 = vector.broadcast %squeeze3A_1302 : f32 to vector<16xf32>
          %mul3A_1426 = arith.mulf %get3A_1424, %mul3A_1425 : vector<16xf32>
          %mul3A_1427 = arith.constant 16 : i32
          %mul3A_1428 = arith.muli %scan3A_66, %mul3A_1427 : i32
          %add3A_1429 = arith.constant 8 : i32
          %add3A_1430 = arith.addi %mul3A_1428, %add3A_1429 : i32
          %swap3A_1431 = arith.index_cast %add3A_1430 : i32 to index
          %swap3A_1432 = arith.constant 96 : index
          %swap3A_1433 = tpu.vector_load %arg10[%swap3A_1431, %swap3A_1432] {strides = array<i32>} : memref<128x128xf32, #tpu.memory_space<vmem>>, vector<1x16xf32>,
          %swap3A_1434 = vector.shape_cast %swap3A_1433 : vector<1x16xf32> to vector<16xf32>
          %swap3A_1435 = vector.shape_cast %mul3A_1426 : vector<16xf32> to vector<1x16xf32>
          tpu.vector_store %arg10[%swap3A_1431, %swap3A_1432], %swap3A_1435 {strides = array<i32>} : memref<128x128xf32, #tpu.memory_space<vmem>>, vector<1x16xf32>,
          %mul3A_1436 = arith.constant 16 : i32
          %mul3A_1437 = arith.muli %scan3A_66, %mul3A_1436 : i32
          %add3A_1438 = arith.constant 8 : i32
          %add3A_1439 = arith.addi %mul3A_1437, %add3A_1438 : i32
          %get3A_1440 = arith.index_cast %add3A_1439 : i32 to index
          %get3A_1441 = arith.constant 112 : index
          %get3A_1442 = tpu.vector_load %arg10[%get3A_1440, %get3A_1441] {strides = array<i32>} : memref<128x128xf32, #tpu.memory_space<vmem>>, vector<1x16xf32>,
          %get3A_1443 = vector.shape_cast %get3A_1442 : vector<1x16xf32> to vector<16xf32>
          %mul3A_1444 = vector.broadcast %squeeze3A_1302 : f32 to vector<16xf32>
          %mul3A_1445 = arith.mulf %get3A_1443, %mul3A_1444 : vector<16xf32>
          %mul3A_1446 = arith.constant 16 : i32
          %mul3A_1447 = arith.muli %scan3A_66, %mul3A_1446 : i32
          %add3A_1448 = arith.constant 8 : i32
          %add3A_1449 = arith.addi %mul3A_1447, %add3A_1448 : i32
          %swap3A_1450 = arith.index_cast %add3A_1449 : i32 to index
          %swap3A_1451 = arith.constant 112 : index
          %swap3A_1452 = tpu.vector_load %arg10[%swap3A_1450, %swap3A_1451] {strides = array<i32>} : memref<128x128xf32, #tpu.memory_space<vmem>>, vector<1x16xf32>,
          %swap3A_1453 = vector.shape_cast %swap3A_1452 : vector<1x16xf32> to vector<16xf32>
          %swap3A_1454 = vector.shape_cast %mul3A_1445 : vector<16xf32> to vector<1x16xf32>
          tpu.vector_store %arg10[%swap3A_1450, %swap3A_1451], %swap3A_1454 {strides = array<i32>} : memref<128x128xf32, #tpu.memory_space<vmem>>, vector<1x16xf32>,
          %slice3A_1455 = vector.extract_strided_slice %get3A_71 {offsets = [9], sizes = [1], strides = [1]} : vector<16xf32> to vector<1xf32>
          %squeeze3A_1456 = vector.extract %slice3A_1455[0] : f32 from vector<1xf32>
          %mul3A_1457 = arith.constant 16 : i32
          %mul3A_1458 = arith.muli %scan3A_66, %mul3A_1457 : i32
          %add3A_1459 = arith.constant 9 : i32
          %add3A_1460 = arith.addi %mul3A_1458, %add3A_1459 : i32
          %get3A_1461 = arith.index_cast %add3A_1460 : i32 to index
          %get3A_1462 = arith.constant 0 : index
          %get3A_1463 = tpu.vector_load %arg10[%get3A_1461, %get3A_1462] {strides = array<i32>} : memref<128x128xf32, #tpu.memory_space<vmem>>, vector<1x16xf32>,
          %get3A_1464 = vector.shape_cast %get3A_1463 : vector<1x16xf32> to vector<16xf32>
          %mul3A_1465 = vector.broadcast %squeeze3A_1456 : f32 to vector<16xf32>
          %mul3A_1466 = arith.mulf %get3A_1464, %mul3A_1465 : vector<16xf32>
          %mul3A_1467 = arith.constant 16 : i32
          %mul3A_1468 = arith.muli %scan3A_66, %mul3A_1467 : i32
          %add3A_1469 = arith.constant 9 : i32
          %add3A_1470 = arith.addi %mul3A_1468, %add3A_1469 : i32
          %swap3A_1471 = arith.index_cast %add3A_1470 : i32 to index
          %swap3A_1472 = arith.constant 0 : index
          %swap3A_1473 = tpu.vector_load %arg10[%swap3A_1471, %swap3A_1472] {strides = array<i32>} : memref<128x128xf32, #tpu.memory_space<vmem>>, vector<1x16xf32>,
          %swap3A_1474 = vector.shape_cast %swap3A_1473 : vector<1x16xf32> to vector<16xf32>
          %swap3A_1475 = vector.shape_cast %mul3A_1466 : vector<16xf32> to vector<1x16xf32>
          tpu.vector_store %arg10[%swap3A_1471, %swap3A_1472], %swap3A_1475 {strides = array<i32>} : memref<128x128xf32, #tpu.memory_space<vmem>>, vector<1x16xf32>,
          %mul3A_1476 = arith.constant 16 : i32
          %mul3A_1477 = arith.muli %scan3A_66, %mul3A_1476 : i32
          %add3A_1478 = arith.constant 9 : i32
          %add3A_1479 = arith.addi %mul3A_1477, %add3A_1478 : i32
          %get3A_1480 = arith.index_cast %add3A_1479 : i32 to index
          %get3A_1481 = arith.constant 16 : index
          %get3A_1482 = tpu.vector_load %arg10[%get3A_1480, %get3A_1481] {strides = array<i32>} : memref<128x128xf32, #tpu.memory_space<vmem>>, vector<1x16xf32>,
          %get3A_1483 = vector.shape_cast %get3A_1482 : vector<1x16xf32> to vector<16xf32>
          %mul3A_1484 = vector.broadcast %squeeze3A_1456 : f32 to vector<16xf32>
          %mul3A_1485 = arith.mulf %get3A_1483, %mul3A_1484 : vector<16xf32>
          %mul3A_1486 = arith.constant 16 : i32
          %mul3A_1487 = arith.muli %scan3A_66, %mul3A_1486 : i32
          %add3A_1488 = arith.constant 9 : i32
          %add3A_1489 = arith.addi %mul3A_1487, %add3A_1488 : i32
          %swap3A_1490 = arith.index_cast %add3A_1489 : i32 to index
          %swap3A_1491 = arith.constant 16 : index
          %swap3A_1492 = tpu.vector_load %arg10[%swap3A_1490, %swap3A_1491] {strides = array<i32>} : memref<128x128xf32, #tpu.memory_space<vmem>>, vector<1x16xf32>,
          %swap3A_1493 = vector.shape_cast %swap3A_1492 : vector<1x16xf32> to vector<16xf32>
          %swap3A_1494 = vector.shape_cast %mul3A_1485 : vector<16xf32> to vector<1x16xf32>
          tpu.vector_store %arg10[%swap3A_1490, %swap3A_1491], %swap3A_1494 {strides = array<i32>} : memref<128x128xf32, #tpu.memory_space<vmem>>, vector<1x16xf32>,
          %mul3A_1495 = arith.constant 16 : i32
          %mul3A_1496 = arith.muli %scan3A_66, %mul3A_1495 : i32
          %add3A_1497 = arith.constant 9 : i32
          %add3A_1498 = arith.addi %mul3A_1496, %add3A_1497 : i32
          %get3A_1499 = arith.index_cast %add3A_1498 : i32 to index
          %get3A_1500 = arith.constant 32 : index
          %get3A_1501 = tpu.vector_load %arg10[%get3A_1499, %get3A_1500] {strides = array<i32>} : memref<128x128xf32, #tpu.memory_space<vmem>>, vector<1x16xf32>,
          %get3A_1502 = vector.shape_cast %get3A_1501 : vector<1x16xf32> to vector<16xf32>
          %mul3A_1503 = vector.broadcast %squeeze3A_1456 : f32 to vector<16xf32>
          %mul3A_1504 = arith.mulf %get3A_1502, %mul3A_1503 : vector<16xf32>
          %mul3A_1505 = arith.constant 16 : i32
          %mul3A_1506 = arith.muli %scan3A_66, %mul3A_1505 : i32
          %add3A_1507 = arith.constant 9 : i32
          %add3A_1508 = arith.addi %mul3A_1506, %add3A_1507 : i32
          %swap3A_1509 = arith.index_cast %add3A_1508 : i32 to index
          %swap3A_1510 = arith.constant 32 : index
          %swap3A_1511 = tpu.vector_load %arg10[%swap3A_1509, %swap3A_1510] {strides = array<i32>} : memref<128x128xf32, #tpu.memory_space<vmem>>, vector<1x16xf32>,
          %swap3A_1512 = vector.shape_cast %swap3A_1511 : vector<1x16xf32> to vector<16xf32>
          %swap3A_1513 = vector.shape_cast %mul3A_1504 : vector<16xf32> to vector<1x16xf32>
          tpu.vector_store %arg10[%swap3A_1509, %swap3A_1510], %swap3A_1513 {strides = array<i32>} : memref<128x128xf32, #tpu.memory_space<vmem>>, vector<1x16xf32>,
          %mul3A_1514 = arith.constant 16 : i32
          %mul3A_1515 = arith.muli %scan3A_66, %mul3A_1514 : i32
          %add3A_1516 = arith.constant 9 : i32
          %add3A_1517 = arith.addi %mul3A_1515, %add3A_1516 : i32
          %get3A_1518 = arith.index_cast %add3A_1517 : i32 to index
          %get3A_1519 = arith.constant 48 : index
          %get3A_1520 = tpu.vector_load %arg10[%get3A_1518, %get3A_1519] {strides = array<i32>} : memref<128x128xf32, #tpu.memory_space<vmem>>, vector<1x16xf32>,
          %get3A_1521 = vector.shape_cast %get3A_1520 : vector<1x16xf32> to vector<16xf32>
          %mul3A_1522 = vector.broadcast %squeeze3A_1456 : f32 to vector<16xf32>
          %mul3A_1523 = arith.mulf %get3A_1521, %mul3A_1522 : vector<16xf32>
          %mul3A_1524 = arith.constant 16 : i32
          %mul3A_1525 = arith.muli %scan3A_66, %mul3A_1524 : i32
          %add3A_1526 = arith.constant 9 : i32
          %add3A_1527 = arith.addi %mul3A_1525, %add3A_1526 : i32
          %swap3A_1528 = arith.index_cast %add3A_1527 : i32 to index
          %swap3A_1529 = arith.constant 48 : index
          %swap3A_1530 = tpu.vector_load %arg10[%swap3A_1528, %swap3A_1529] {strides = array<i32>} : memref<128x128xf32, #tpu.memory_space<vmem>>, vector<1x16xf32>,
          %swap3A_1531 = vector.shape_cast %swap3A_1530 : vector<1x16xf32> to vector<16xf32>
          %swap3A_1532 = vector.shape_cast %mul3A_1523 : vector<16xf32> to vector<1x16xf32>
          tpu.vector_store %arg10[%swap3A_1528, %swap3A_1529], %swap3A_1532 {strides = array<i32>} : memref<128x128xf32, #tpu.memory_space<vmem>>, vector<1x16xf32>,
          %mul3A_1533 = arith.constant 16 : i32
          %mul3A_1534 = arith.muli %scan3A_66, %mul3A_1533 : i32
          %add3A_1535 = arith.constant 9 : i32
          %add3A_1536 = arith.addi %mul3A_1534, %add3A_1535 : i32
          %get3A_1537 = arith.index_cast %add3A_1536 : i32 to index
          %get3A_1538 = arith.constant 64 : index
          %get3A_1539 = tpu.vector_load %arg10[%get3A_1537, %get3A_1538] {strides = array<i32>} : memref<128x128xf32, #tpu.memory_space<vmem>>, vector<1x16xf32>,
          %get3A_1540 = vector.shape_cast %get3A_1539 : vector<1x16xf32> to vector<16xf32>
          %mul3A_1541 = vector.broadcast %squeeze3A_1456 : f32 to vector<16xf32>
          %mul3A_1542 = arith.mulf %get3A_1540, %mul3A_1541 : vector<16xf32>
          %mul3A_1543 = arith.constant 16 : i32
          %mul3A_1544 = arith.muli %scan3A_66, %mul3A_1543 : i32
          %add3A_1545 = arith.constant 9 : i32
          %add3A_1546 = arith.addi %mul3A_1544, %add3A_1545 : i32
          %swap3A_1547 = arith.index_cast %add3A_1546 : i32 to index
          %swap3A_1548 = arith.constant 64 : index
          %swap3A_1549 = tpu.vector_load %arg10[%swap3A_1547, %swap3A_1548] {strides = array<i32>} : memref<128x128xf32, #tpu.memory_space<vmem>>, vector<1x16xf32>,
          %swap3A_1550 = vector.shape_cast %swap3A_1549 : vector<1x16xf32> to vector<16xf32>
          %swap3A_1551 = vector.shape_cast %mul3A_1542 : vector<16xf32> to vector<1x16xf32>
          tpu.vector_store %arg10[%swap3A_1547, %swap3A_1548], %swap3A_1551 {strides = array<i32>} : memref<128x128xf32, #tpu.memory_space<vmem>>, vector<1x16xf32>,
          %mul3A_1552 = arith.constant 16 : i32
          %mul3A_1553 = arith.muli %scan3A_66, %mul3A_1552 : i32
          %add3A_1554 = arith.constant 9 : i32
          %add3A_1555 = arith.addi %mul3A_1553, %add3A_1554 : i32
          %get3A_1556 = arith.index_cast %add3A_1555 : i32 to index
          %get3A_1557 = arith.constant 80 : index
          %get3A_1558 = tpu.vector_load %arg10[%get3A_1556, %get3A_1557] {strides = array<i32>} : memref<128x128xf32, #tpu.memory_space<vmem>>, vector<1x16xf32>,
          %get3A_1559 = vector.shape_cast %get3A_1558 : vector<1x16xf32> to vector<16xf32>
          %mul3A_1560 = vector.broadcast %squeeze3A_1456 : f32 to vector<16xf32>
          %mul3A_1561 = arith.mulf %get3A_1559, %mul3A_1560 : vector<16xf32>
          %mul3A_1562 = arith.constant 16 : i32
          %mul3A_1563 = arith.muli %scan3A_66, %mul3A_1562 : i32
          %add3A_1564 = arith.constant 9 : i32
          %add3A_1565 = arith.addi %mul3A_1563, %add3A_1564 : i32
          %swap3A_1566 = arith.index_cast %add3A_1565 : i32 to index
          %swap3A_1567 = arith.constant 80 : index
          %swap3A_1568 = tpu.vector_load %arg10[%swap3A_1566, %swap3A_1567] {strides = array<i32>} : memref<128x128xf32, #tpu.memory_space<vmem>>, vector<1x16xf32>,
          %swap3A_1569 = vector.shape_cast %swap3A_1568 : vector<1x16xf32> to vector<16xf32>
          %swap3A_1570 = vector.shape_cast %mul3A_1561 : vector<16xf32> to vector<1x16xf32>
          tpu.vector_store %arg10[%swap3A_1566, %swap3A_1567], %swap3A_1570 {strides = array<i32>} : memref<128x128xf32, #tpu.memory_space<vmem>>, vector<1x16xf32>,
          %mul3A_1571 = arith.constant 16 : i32
          %mul3A_1572 = arith.muli %scan3A_66, %mul3A_1571 : i32
          %add3A_1573 = arith.constant 9 : i32
          %add3A_1574 = arith.addi %mul3A_1572, %add3A_1573 : i32
          %get3A_1575 = arith.index_cast %add3A_1574 : i32 to index
          %get3A_1576 = arith.constant 96 : index
          %get3A_1577 = tpu.vector_load %arg10[%get3A_1575, %get3A_1576] {strides = array<i32>} : memref<128x128xf32, #tpu.memory_space<vmem>>, vector<1x16xf32>,
          %get3A_1578 = vector.shape_cast %get3A_1577 : vector<1x16xf32> to vector<16xf32>
          %mul3A_1579 = vector.broadcast %squeeze3A_1456 : f32 to vector<16xf32>
          %mul3A_1580 = arith.mulf %get3A_1578, %mul3A_1579 : vector<16xf32>
          %mul3A_1581 = arith.constant 16 : i32
          %mul3A_1582 = arith.muli %scan3A_66, %mul3A_1581 : i32
          %add3A_1583 = arith.constant 9 : i32
          %add3A_1584 = arith.addi %mul3A_1582, %add3A_1583 : i32
          %swap3A_1585 = arith.index_cast %add3A_1584 : i32 to index
          %swap3A_1586 = arith.constant 96 : index
          %swap3A_1587 = tpu.vector_load %arg10[%swap3A_1585, %swap3A_1586] {strides = array<i32>} : memref<128x128xf32, #tpu.memory_space<vmem>>, vector<1x16xf32>,
          %swap3A_1588 = vector.shape_cast %swap3A_1587 : vector<1x16xf32> to vector<16xf32>
          %swap3A_1589 = vector.shape_cast %mul3A_1580 : vector<16xf32> to vector<1x16xf32>
          tpu.vector_store %arg10[%swap3A_1585, %swap3A_1586], %swap3A_1589 {strides = array<i32>} : memref<128x128xf32, #tpu.memory_space<vmem>>, vector<1x16xf32>,
          %mul3A_1590 = arith.constant 16 : i32
          %mul3A_1591 = arith.muli %scan3A_66, %mul3A_1590 : i32
          %add3A_1592 = arith.constant 9 : i32
          %add3A_1593 = arith.addi %mul3A_1591, %add3A_1592 : i32
          %get3A_1594 = arith.index_cast %add3A_1593 : i32 to index
          %get3A_1595 = arith.constant 112 : index
          %get3A_1596 = tpu.vector_load %arg10[%get3A_1594, %get3A_1595] {strides = array<i32>} : memref<128x128xf32, #tpu.memory_space<vmem>>, vector<1x16xf32>,
          %get3A_1597 = vector.shape_cast %get3A_1596 : vector<1x16xf32> to vector<16xf32>
          %mul3A_1598 = vector.broadcast %squeeze3A_1456 : f32 to vector<16xf32>
          %mul3A_1599 = arith.mulf %get3A_1597, %mul3A_1598 : vector<16xf32>
          %mul3A_1600 = arith.constant 16 : i32
          %mul3A_1601 = arith.muli %scan3A_66, %mul3A_1600 : i32
          %add3A_1602 = arith.constant 9 : i32
          %add3A_1603 = arith.addi %mul3A_1601, %add3A_1602 : i32
          %swap3A_1604 = arith.index_cast %add3A_1603 : i32 to index
          %swap3A_1605 = arith.constant 112 : index
          %swap3A_1606 = tpu.vector_load %arg10[%swap3A_1604, %swap3A_1605] {strides = array<i32>} : memref<128x128xf32, #tpu.memory_space<vmem>>, vector<1x16xf32>,
          %swap3A_1607 = vector.shape_cast %swap3A_1606 : vector<1x16xf32> to vector<16xf32>
          %swap3A_1608 = vector.shape_cast %mul3A_1599 : vector<16xf32> to vector<1x16xf32>
          tpu.vector_store %arg10[%swap3A_1604, %swap3A_1605], %swap3A_1608 {strides = array<i32>} : memref<128x128xf32, #tpu.memory_space<vmem>>, vector<1x16xf32>,
          %slice3A_1609 = vector.extract_strided_slice %get3A_71 {offsets = [10], sizes = [1], strides = [1]} : vector<16xf32> to vector<1xf32>
          %squeeze3A_1610 = vector.extract %slice3A_1609[0] : f32 from vector<1xf32>
          %mul3A_1611 = arith.constant 16 : i32
          %mul3A_1612 = arith.muli %scan3A_66, %mul3A_1611 : i32
          %add3A_1613 = arith.constant 10 : i32
          %add3A_1614 = arith.addi %mul3A_1612, %add3A_1613 : i32
          %get3A_1615 = arith.index_cast %add3A_1614 : i32 to index
          %get3A_1616 = arith.constant 0 : index
          %get3A_1617 = tpu.vector_load %arg10[%get3A_1615, %get3A_1616] {strides = array<i32>} : memref<128x128xf32, #tpu.memory_space<vmem>>, vector<1x16xf32>,
          %get3A_1618 = vector.shape_cast %get3A_1617 : vector<1x16xf32> to vector<16xf32>
          %mul3A_1619 = vector.broadcast %squeeze3A_1610 : f32 to vector<16xf32>
          %mul3A_1620 = arith.mulf %get3A_1618, %mul3A_1619 : vector<16xf32>
          %mul3A_1621 = arith.constant 16 : i32
          %mul3A_1622 = arith.muli %scan3A_66, %mul3A_1621 : i32
          %add3A_1623 = arith.constant 10 : i32
          %add3A_1624 = arith.addi %mul3A_1622, %add3A_1623 : i32
          %swap3A_1625 = arith.index_cast %add3A_1624 : i32 to index
          %swap3A_1626 = arith.constant 0 : index
          %swap3A_1627 = tpu.vector_load %arg10[%swap3A_1625, %swap3A_1626] {strides = array<i32>} : memref<128x128xf32, #tpu.memory_space<vmem>>, vector<1x16xf32>,
          %swap3A_1628 = vector.shape_cast %swap3A_1627 : vector<1x16xf32> to vector<16xf32>
          %swap3A_1629 = vector.shape_cast %mul3A_1620 : vector<16xf32> to vector<1x16xf32>
          tpu.vector_store %arg10[%swap3A_1625, %swap3A_1626], %swap3A_1629 {strides = array<i32>} : memref<128x128xf32, #tpu.memory_space<vmem>>, vector<1x16xf32>,
          %mul3A_1630 = arith.constant 16 : i32
          %mul3A_1631 = arith.muli %scan3A_66, %mul3A_1630 : i32
          %add3A_1632 = arith.constant 10 : i32
          %add3A_1633 = arith.addi %mul3A_1631, %add3A_1632 : i32
          %get3A_1634 = arith.index_cast %add3A_1633 : i32 to index
          %get3A_1635 = arith.constant 16 : index
          %get3A_1636 = tpu.vector_load %arg10[%get3A_1634, %get3A_1635] {strides = array<i32>} : memref<128x128xf32, #tpu.memory_space<vmem>>, vector<1x16xf32>,
          %get3A_1637 = vector.shape_cast %get3A_1636 : vector<1x16xf32> to vector<16xf32>
          %mul3A_1638 = vector.broadcast %squeeze3A_1610 : f32 to vector<16xf32>
          %mul3A_1639 = arith.mulf %get3A_1637, %mul3A_1638 : vector<16xf32>
          %mul3A_1640 = arith.constant 16 : i32
          %mul3A_1641 = arith.muli %scan3A_66, %mul3A_1640 : i32
          %add3A_1642 = arith.constant 10 : i32
          %add3A_1643 = arith.addi %mul3A_1641, %add3A_1642 : i32
          %swap3A_1644 = arith.index_cast %add3A_1643 : i32 to index
          %swap3A_1645 = arith.constant 16 : index
          %swap3A_1646 = tpu.vector_load %arg10[%swap3A_1644, %swap3A_1645] {strides = array<i32>} : memref<128x128xf32, #tpu.memory_space<vmem>>, vector<1x16xf32>,
          %swap3A_1647 = vector.shape_cast %swap3A_1646 : vector<1x16xf32> to vector<16xf32>
          %swap3A_1648 = vector.shape_cast %mul3A_1639 : vector<16xf32> to vector<1x16xf32>
          tpu.vector_store %arg10[%swap3A_1644, %swap3A_1645], %swap3A_1648 {strides = array<i32>} : memref<128x128xf32, #tpu.memory_space<vmem>>, vector<1x16xf32>,
          %mul3A_1649 = arith.constant 16 : i32
          %mul3A_1650 = arith.muli %scan3A_66, %mul3A_1649 : i32
          %add3A_1651 = arith.constant 10 : i32
          %add3A_1652 = arith.addi %mul3A_1650, %add3A_1651 : i32
          %get3A_1653 = arith.index_cast %add3A_1652 : i32 to index
          %get3A_1654 = arith.constant 32 : index
          %get3A_1655 = tpu.vector_load %arg10[%get3A_1653, %get3A_1654] {strides = array<i32>} : memref<128x128xf32, #tpu.memory_space<vmem>>, vector<1x16xf32>,
          %get3A_1656 = vector.shape_cast %get3A_1655 : vector<1x16xf32> to vector<16xf32>
          %mul3A_1657 = vector.broadcast %squeeze3A_1610 : f32 to vector<16xf32>
          %mul3A_1658 = arith.mulf %get3A_1656, %mul3A_1657 : vector<16xf32>
          %mul3A_1659 = arith.constant 16 : i32
          %mul3A_1660 = arith.muli %scan3A_66, %mul3A_1659 : i32
          %add3A_1661 = arith.constant 10 : i32
          %add3A_1662 = arith.addi %mul3A_1660, %add3A_1661 : i32
          %swap3A_1663 = arith.index_cast %add3A_1662 : i32 to index
          %swap3A_1664 = arith.constant 32 : index
          %swap3A_1665 = tpu.vector_load %arg10[%swap3A_1663, %swap3A_1664] {strides = array<i32>} : memref<128x128xf32, #tpu.memory_space<vmem>>, vector<1x16xf32>,
          %swap3A_1666 = vector.shape_cast %swap3A_1665 : vector<1x16xf32> to vector<16xf32>
          %swap3A_1667 = vector.shape_cast %mul3A_1658 : vector<16xf32> to vector<1x16xf32>
          tpu.vector_store %arg10[%swap3A_1663, %swap3A_1664], %swap3A_1667 {strides = array<i32>} : memref<128x128xf32, #tpu.memory_space<vmem>>, vector<1x16xf32>,
          %mul3A_1668 = arith.constant 16 : i32
          %mul3A_1669 = arith.muli %scan3A_66, %mul3A_1668 : i32
          %add3A_1670 = arith.constant 10 : i32
          %add3A_1671 = arith.addi %mul3A_1669, %add3A_1670 : i32
          %get3A_1672 = arith.index_cast %add3A_1671 : i32 to index
          %get3A_1673 = arith.constant 48 : index
          %get3A_1674 = tpu.vector_load %arg10[%get3A_1672, %get3A_1673] {strides = array<i32>} : memref<128x128xf32, #tpu.memory_space<vmem>>, vector<1x16xf32>,
          %get3A_1675 = vector.shape_cast %get3A_1674 : vector<1x16xf32> to vector<16xf32>
          %mul3A_1676 = vector.broadcast %squeeze3A_1610 : f32 to vector<16xf32>
          %mul3A_1677 = arith.mulf %get3A_1675, %mul3A_1676 : vector<16xf32>
          %mul3A_1678 = arith.constant 16 : i32
          %mul3A_1679 = arith.muli %scan3A_66, %mul3A_1678 : i32
          %add3A_1680 = arith.constant 10 : i32
          %add3A_1681 = arith.addi %mul3A_1679, %add3A_1680 : i32
          %swap3A_1682 = arith.index_cast %add3A_1681 : i32 to index
          %swap3A_1683 = arith.constant 48 : index
          %swap3A_1684 = tpu.vector_load %arg10[%swap3A_1682, %swap3A_1683] {strides = array<i32>} : memref<128x128xf32, #tpu.memory_space<vmem>>, vector<1x16xf32>,
          %swap3A_1685 = vector.shape_cast %swap3A_1684 : vector<1x16xf32> to vector<16xf32>
          %swap3A_1686 = vector.shape_cast %mul3A_1677 : vector<16xf32> to vector<1x16xf32>
          tpu.vector_store %arg10[%swap3A_1682, %swap3A_1683], %swap3A_1686 {strides = array<i32>} : memref<128x128xf32, #tpu.memory_space<vmem>>, vector<1x16xf32>,
          %mul3A_1687 = arith.constant 16 : i32
          %mul3A_1688 = arith.muli %scan3A_66, %mul3A_1687 : i32
          %add3A_1689 = arith.constant 10 : i32
          %add3A_1690 = arith.addi %mul3A_1688, %add3A_1689 : i32
          %get3A_1691 = arith.index_cast %add3A_1690 : i32 to index
          %get3A_1692 = arith.constant 64 : index
          %get3A_1693 = tpu.vector_load %arg10[%get3A_1691, %get3A_1692] {strides = array<i32>} : memref<128x128xf32, #tpu.memory_space<vmem>>, vector<1x16xf32>,
          %get3A_1694 = vector.shape_cast %get3A_1693 : vector<1x16xf32> to vector<16xf32>
          %mul3A_1695 = vector.broadcast %squeeze3A_1610 : f32 to vector<16xf32>
          %mul3A_1696 = arith.mulf %get3A_1694, %mul3A_1695 : vector<16xf32>
          %mul3A_1697 = arith.constant 16 : i32
          %mul3A_1698 = arith.muli %scan3A_66, %mul3A_1697 : i32
          %add3A_1699 = arith.constant 10 : i32
          %add3A_1700 = arith.addi %mul3A_1698, %add3A_1699 : i32
          %swap3A_1701 = arith.index_cast %add3A_1700 : i32 to index
          %swap3A_1702 = arith.constant 64 : index
          %swap3A_1703 = tpu.vector_load %arg10[%swap3A_1701, %swap3A_1702] {strides = array<i32>} : memref<128x128xf32, #tpu.memory_space<vmem>>, vector<1x16xf32>,
          %swap3A_1704 = vector.shape_cast %swap3A_1703 : vector<1x16xf32> to vector<16xf32>
          %swap3A_1705 = vector.shape_cast %mul3A_1696 : vector<16xf32> to vector<1x16xf32>
          tpu.vector_store %arg10[%swap3A_1701, %swap3A_1702], %swap3A_1705 {strides = array<i32>} : memref<128x128xf32, #tpu.memory_space<vmem>>, vector<1x16xf32>,
          %mul3A_1706 = arith.constant 16 : i32
          %mul3A_1707 = arith.muli %scan3A_66, %mul3A_1706 : i32
          %add3A_1708 = arith.constant 10 : i32
          %add3A_1709 = arith.addi %mul3A_1707, %add3A_1708 : i32
          %get3A_1710 = arith.index_cast %add3A_1709 : i32 to index
          %get3A_1711 = arith.constant 80 : index
          %get3A_1712 = tpu.vector_load %arg10[%get3A_1710, %get3A_1711] {strides = array<i32>} : memref<128x128xf32, #tpu.memory_space<vmem>>, vector<1x16xf32>,
          %get3A_1713 = vector.shape_cast %get3A_1712 : vector<1x16xf32> to vector<16xf32>
          %mul3A_1714 = vector.broadcast %squeeze3A_1610 : f32 to vector<16xf32>
          %mul3A_1715 = arith.mulf %get3A_1713, %mul3A_1714 : vector<16xf32>
          %mul3A_1716 = arith.constant 16 : i32
          %mul3A_1717 = arith.muli %scan3A_66, %mul3A_1716 : i32
          %add3A_1718 = arith.constant 10 : i32
          %add3A_1719 = arith.addi %mul3A_1717, %add3A_1718 : i32
          %swap3A_1720 = arith.index_cast %add3A_1719 : i32 to index
          %swap3A_1721 = arith.constant 80 : index
          %swap3A_1722 = tpu.vector_load %arg10[%swap3A_1720, %swap3A_1721] {strides = array<i32>} : memref<128x128xf32, #tpu.memory_space<vmem>>, vector<1x16xf32>,
          %swap3A_1723 = vector.shape_cast %swap3A_1722 : vector<1x16xf32> to vector<16xf32>
          %swap3A_1724 = vector.shape_cast %mul3A_1715 : vector<16xf32> to vector<1x16xf32>
          tpu.vector_store %arg10[%swap3A_1720, %swap3A_1721], %swap3A_1724 {strides = array<i32>} : memref<128x128xf32, #tpu.memory_space<vmem>>, vector<1x16xf32>,
          %mul3A_1725 = arith.constant 16 : i32
          %mul3A_1726 = arith.muli %scan3A_66, %mul3A_1725 : i32
          %add3A_1727 = arith.constant 10 : i32
          %add3A_1728 = arith.addi %mul3A_1726, %add3A_1727 : i32
          %get3A_1729 = arith.index_cast %add3A_1728 : i32 to index
          %get3A_1730 = arith.constant 96 : index
          %get3A_1731 = tpu.vector_load %arg10[%get3A_1729, %get3A_1730] {strides = array<i32>} : memref<128x128xf32, #tpu.memory_space<vmem>>, vector<1x16xf32>,
          %get3A_1732 = vector.shape_cast %get3A_1731 : vector<1x16xf32> to vector<16xf32>
          %mul3A_1733 = vector.broadcast %squeeze3A_1610 : f32 to vector<16xf32>
          %mul3A_1734 = arith.mulf %get3A_1732, %mul3A_1733 : vector<16xf32>
          %mul3A_1735 = arith.constant 16 : i32
          %mul3A_1736 = arith.muli %scan3A_66, %mul3A_1735 : i32
          %add3A_1737 = arith.constant 10 : i32
          %add3A_1738 = arith.addi %mul3A_1736, %add3A_1737 : i32
          %swap3A_1739 = arith.index_cast %add3A_1738 : i32 to index
          %swap3A_1740 = arith.constant 96 : index
          %swap3A_1741 = tpu.vector_load %arg10[%swap3A_1739, %swap3A_1740] {strides = array<i32>} : memref<128x128xf32, #tpu.memory_space<vmem>>, vector<1x16xf32>,
          %swap3A_1742 = vector.shape_cast %swap3A_1741 : vector<1x16xf32> to vector<16xf32>
          %swap3A_1743 = vector.shape_cast %mul3A_1734 : vector<16xf32> to vector<1x16xf32>
          tpu.vector_store %arg10[%swap3A_1739, %swap3A_1740], %swap3A_1743 {strides = array<i32>} : memref<128x128xf32, #tpu.memory_space<vmem>>, vector<1x16xf32>,
          %mul3A_1744 = arith.constant 16 : i32
          %mul3A_1745 = arith.muli %scan3A_66, %mul3A_1744 : i32
          %add3A_1746 = arith.constant 10 : i32
          %add3A_1747 = arith.addi %mul3A_1745, %add3A_1746 : i32
          %get3A_1748 = arith.index_cast %add3A_1747 : i32 to index
          %get3A_1749 = arith.constant 112 : index
          %get3A_1750 = tpu.vector_load %arg10[%get3A_1748, %get3A_1749] {strides = array<i32>} : memref<128x128xf32, #tpu.memory_space<vmem>>, vector<1x16xf32>,
          %get3A_1751 = vector.shape_cast %get3A_1750 : vector<1x16xf32> to vector<16xf32>
          %mul3A_1752 = vector.broadcast %squeeze3A_1610 : f32 to vector<16xf32>
          %mul3A_1753 = arith.mulf %get3A_1751, %mul3A_1752 : vector<16xf32>
          %mul3A_1754 = arith.constant 16 : i32
          %mul3A_1755 = arith.muli %scan3A_66, %mul3A_1754 : i32
          %add3A_1756 = arith.constant 10 : i32
          %add3A_1757 = arith.addi %mul3A_1755, %add3A_1756 : i32
          %swap3A_1758 = arith.index_cast %add3A_1757 : i32 to index
          %swap3A_1759 = arith.constant 112 : index
          %swap3A_1760 = tpu.vector_load %arg10[%swap3A_1758, %swap3A_1759] {strides = array<i32>} : memref<128x128xf32, #tpu.memory_space<vmem>>, vector<1x16xf32>,
          %swap3A_1761 = vector.shape_cast %swap3A_1760 : vector<1x16xf32> to vector<16xf32>
          %swap3A_1762 = vector.shape_cast %mul3A_1753 : vector<16xf32> to vector<1x16xf32>
          tpu.vector_store %arg10[%swap3A_1758, %swap3A_1759], %swap3A_1762 {strides = array<i32>} : memref<128x128xf32, #tpu.memory_space<vmem>>, vector<1x16xf32>,
          %slice3A_1763 = vector.extract_strided_slice %get3A_71 {offsets = [11], sizes = [1], strides = [1]} : vector<16xf32> to vector<1xf32>
          %squeeze3A_1764 = vector.extract %slice3A_1763[0] : f32 from vector<1xf32>
          %mul3A_1765 = arith.constant 16 : i32
          %mul3A_1766 = arith.muli %scan3A_66, %mul3A_1765 : i32
          %add3A_1767 = arith.constant 11 : i32
          %add3A_1768 = arith.addi %mul3A_1766, %add3A_1767 : i32
          %get3A_1769 = arith.index_cast %add3A_1768 : i32 to index
          %get3A_1770 = arith.constant 0 : index
          %get3A_1771 = tpu.vector_load %arg10[%get3A_1769, %get3A_1770] {strides = array<i32>} : memref<128x128xf32, #tpu.memory_space<vmem>>, vector<1x16xf32>,
          %get3A_1772 = vector.shape_cast %get3A_1771 : vector<1x16xf32> to vector<16xf32>
          %mul3A_1773 = vector.broadcast %squeeze3A_1764 : f32 to vector<16xf32>
          %mul3A_1774 = arith.mulf %get3A_1772, %mul3A_1773 : vector<16xf32>
          %mul3A_1775 = arith.constant 16 : i32
          %mul3A_1776 = arith.muli %scan3A_66, %mul3A_1775 : i32
          %add3A_1777 = arith.constant 11 : i32
          %add3A_1778 = arith.addi %mul3A_1776, %add3A_1777 : i32
          %swap3A_1779 = arith.index_cast %add3A_1778 : i32 to index
          %swap3A_1780 = arith.constant 0 : index
          %swap3A_1781 = tpu.vector_load %arg10[%swap3A_1779, %swap3A_1780] {strides = array<i32>} : memref<128x128xf32, #tpu.memory_space<vmem>>, vector<1x16xf32>,
          %swap3A_1782 = vector.shape_cast %swap3A_1781 : vector<1x16xf32> to vector<16xf32>
          %swap3A_1783 = vector.shape_cast %mul3A_1774 : vector<16xf32> to vector<1x16xf32>
          tpu.vector_store %arg10[%swap3A_1779, %swap3A_1780], %swap3A_1783 {strides = array<i32>} : memref<128x128xf32, #tpu.memory_space<vmem>>, vector<1x16xf32>,
          %mul3A_1784 = arith.constant 16 : i32
          %mul3A_1785 = arith.muli %scan3A_66, %mul3A_1784 : i32
          %add3A_1786 = arith.constant 11 : i32
          %add3A_1787 = arith.addi %mul3A_1785, %add3A_1786 : i32
          %get3A_1788 = arith.index_cast %add3A_1787 : i32 to index
          %get3A_1789 = arith.constant 16 : index
          %get3A_1790 = tpu.vector_load %arg10[%get3A_1788, %get3A_1789] {strides = array<i32>} : memref<128x128xf32, #tpu.memory_space<vmem>>, vector<1x16xf32>,
          %get3A_1791 = vector.shape_cast %get3A_1790 : vector<1x16xf32> to vector<16xf32>
          %mul3A_1792 = vector.broadcast %squeeze3A_1764 : f32 to vector<16xf32>
          %mul3A_1793 = arith.mulf %get3A_1791, %mul3A_1792 : vector<16xf32>
          %mul3A_1794 = arith.constant 16 : i32
          %mul3A_1795 = arith.muli %scan3A_66, %mul3A_1794 : i32
          %add3A_1796 = arith.constant 11 : i32
          %add3A_1797 = arith.addi %mul3A_1795, %add3A_1796 : i32
          %swap3A_1798 = arith.index_cast %add3A_1797 : i32 to index
          %swap3A_1799 = arith.constant 16 : index
          %swap3A_1800 = tpu.vector_load %arg10[%swap3A_1798, %swap3A_1799] {strides = array<i32>} : memref<128x128xf32, #tpu.memory_space<vmem>>, vector<1x16xf32>,
          %swap3A_1801 = vector.shape_cast %swap3A_1800 : vector<1x16xf32> to vector<16xf32>
          %swap3A_1802 = vector.shape_cast %mul3A_1793 : vector<16xf32> to vector<1x16xf32>
          tpu.vector_store %arg10[%swap3A_1798, %swap3A_1799], %swap3A_1802 {strides = array<i32>} : memref<128x128xf32, #tpu.memory_space<vmem>>, vector<1x16xf32>,
          %mul3A_1803 = arith.constant 16 : i32
          %mul3A_1804 = arith.muli %scan3A_66, %mul3A_1803 : i32
          %add3A_1805 = arith.constant 11 : i32
          %add3A_1806 = arith.addi %mul3A_1804, %add3A_1805 : i32
          %get3A_1807 = arith.index_cast %add3A_1806 : i32 to index
          %get3A_1808 = arith.constant 32 : index
          %get3A_1809 = tpu.vector_load %arg10[%get3A_1807, %get3A_1808] {strides = array<i32>} : memref<128x128xf32, #tpu.memory_space<vmem>>, vector<1x16xf32>,
          %get3A_1810 = vector.shape_cast %get3A_1809 : vector<1x16xf32> to vector<16xf32>
          %mul3A_1811 = vector.broadcast %squeeze3A_1764 : f32 to vector<16xf32>
          %mul3A_1812 = arith.mulf %get3A_1810, %mul3A_1811 : vector<16xf32>
          %mul3A_1813 = arith.constant 16 : i32
          %mul3A_1814 = arith.muli %scan3A_66, %mul3A_1813 : i32
          %add3A_1815 = arith.constant 11 : i32
          %add3A_1816 = arith.addi %mul3A_1814, %add3A_1815 : i32
          %swap3A_1817 = arith.index_cast %add3A_1816 : i32 to index
          %swap3A_1818 = arith.constant 32 : index
          %swap3A_1819 = tpu.vector_load %arg10[%swap3A_1817, %swap3A_1818] {strides = array<i32>} : memref<128x128xf32, #tpu.memory_space<vmem>>, vector<1x16xf32>,
          %swap3A_1820 = vector.shape_cast %swap3A_1819 : vector<1x16xf32> to vector<16xf32>
          %swap3A_1821 = vector.shape_cast %mul3A_1812 : vector<16xf32> to vector<1x16xf32>
          tpu.vector_store %arg10[%swap3A_1817, %swap3A_1818], %swap3A_1821 {strides = array<i32>} : memref<128x128xf32, #tpu.memory_space<vmem>>, vector<1x16xf32>,
          %mul3A_1822 = arith.constant 16 : i32
          %mul3A_1823 = arith.muli %scan3A_66, %mul3A_1822 : i32
          %add3A_1824 = arith.constant 11 : i32
          %add3A_1825 = arith.addi %mul3A_1823, %add3A_1824 : i32
          %get3A_1826 = arith.index_cast %add3A_1825 : i32 to index
          %get3A_1827 = arith.constant 48 : index
          %get3A_1828 = tpu.vector_load %arg10[%get3A_1826, %get3A_1827] {strides = array<i32>} : memref<128x128xf32, #tpu.memory_space<vmem>>, vector<1x16xf32>,
          %get3A_1829 = vector.shape_cast %get3A_1828 : vector<1x16xf32> to vector<16xf32>
          %mul3A_1830 = vector.broadcast %squeeze3A_1764 : f32 to vector<16xf32>
          %mul3A_1831 = arith.mulf %get3A_1829, %mul3A_1830 : vector<16xf32>
          %mul3A_1832 = arith.constant 16 : i32
          %mul3A_1833 = arith.muli %scan3A_66, %mul3A_1832 : i32
          %add3A_1834 = arith.constant 11 : i32
          %add3A_1835 = arith.addi %mul3A_1833, %add3A_1834 : i32
          %swap3A_1836 = arith.index_cast %add3A_1835 : i32 to index
          %swap3A_1837 = arith.constant 48 : index
          %swap3A_1838 = tpu.vector_load %arg10[%swap3A_1836, %swap3A_1837] {strides = array<i32>} : memref<128x128xf32, #tpu.memory_space<vmem>>, vector<1x16xf32>,
          %swap3A_1839 = vector.shape_cast %swap3A_1838 : vector<1x16xf32> to vector<16xf32>
          %swap3A_1840 = vector.shape_cast %mul3A_1831 : vector<16xf32> to vector<1x16xf32>
          tpu.vector_store %arg10[%swap3A_1836, %swap3A_1837], %swap3A_1840 {strides = array<i32>} : memref<128x128xf32, #tpu.memory_space<vmem>>, vector<1x16xf32>,
          %mul3A_1841 = arith.constant 16 : i32
          %mul3A_1842 = arith.muli %scan3A_66, %mul3A_1841 : i32
          %add3A_1843 = arith.constant 11 : i32
          %add3A_1844 = arith.addi %mul3A_1842, %add3A_1843 : i32
          %get3A_1845 = arith.index_cast %add3A_1844 : i32 to index
          %get3A_1846 = arith.constant 64 : index
          %get3A_1847 = tpu.vector_load %arg10[%get3A_1845, %get3A_1846] {strides = array<i32>} : memref<128x128xf32, #tpu.memory_space<vmem>>, vector<1x16xf32>,
          %get3A_1848 = vector.shape_cast %get3A_1847 : vector<1x16xf32> to vector<16xf32>
          %mul3A_1849 = vector.broadcast %squeeze3A_1764 : f32 to vector<16xf32>
          %mul3A_1850 = arith.mulf %get3A_1848, %mul3A_1849 : vector<16xf32>
          %mul3A_1851 = arith.constant 16 : i32
          %mul3A_1852 = arith.muli %scan3A_66, %mul3A_1851 : i32
          %add3A_1853 = arith.constant 11 : i32
          %add3A_1854 = arith.addi %mul3A_1852, %add3A_1853 : i32
          %swap3A_1855 = arith.index_cast %add3A_1854 : i32 to index
          %swap3A_1856 = arith.constant 64 : index
          %swap3A_1857 = tpu.vector_load %arg10[%swap3A_1855, %swap3A_1856] {strides = array<i32>} : memref<128x128xf32, #tpu.memory_space<vmem>>, vector<1x16xf32>,
          %swap3A_1858 = vector.shape_cast %swap3A_1857 : vector<1x16xf32> to vector<16xf32>
          %swap3A_1859 = vector.shape_cast %mul3A_1850 : vector<16xf32> to vector<1x16xf32>
          tpu.vector_store %arg10[%swap3A_1855, %swap3A_1856], %swap3A_1859 {strides = array<i32>} : memref<128x128xf32, #tpu.memory_space<vmem>>, vector<1x16xf32>,
          %mul3A_1860 = arith.constant 16 : i32
          %mul3A_1861 = arith.muli %scan3A_66, %mul3A_1860 : i32
          %add3A_1862 = arith.constant 11 : i32
          %add3A_1863 = arith.addi %mul3A_1861, %add3A_1862 : i32
          %get3A_1864 = arith.index_cast %add3A_1863 : i32 to index
          %get3A_1865 = arith.constant 80 : index
          %get3A_1866 = tpu.vector_load %arg10[%get3A_1864, %get3A_1865] {strides = array<i32>} : memref<128x128xf32, #tpu.memory_space<vmem>>, vector<1x16xf32>,
          %get3A_1867 = vector.shape_cast %get3A_1866 : vector<1x16xf32> to vector<16xf32>
          %mul3A_1868 = vector.broadcast %squeeze3A_1764 : f32 to vector<16xf32>
          %mul3A_1869 = arith.mulf %get3A_1867, %mul3A_1868 : vector<16xf32>
          %mul3A_1870 = arith.constant 16 : i32
          %mul3A_1871 = arith.muli %scan3A_66, %mul3A_1870 : i32
          %add3A_1872 = arith.constant 11 : i32
          %add3A_1873 = arith.addi %mul3A_1871, %add3A_1872 : i32
          %swap3A_1874 = arith.index_cast %add3A_1873 : i32 to index
          %swap3A_1875 = arith.constant 80 : index
          %swap3A_1876 = tpu.vector_load %arg10[%swap3A_1874, %swap3A_1875] {strides = array<i32>} : memref<128x128xf32, #tpu.memory_space<vmem>>, vector<1x16xf32>,
          %swap3A_1877 = vector.shape_cast %swap3A_1876 : vector<1x16xf32> to vector<16xf32>
          %swap3A_1878 = vector.shape_cast %mul3A_1869 : vector<16xf32> to vector<1x16xf32>
          tpu.vector_store %arg10[%swap3A_1874, %swap3A_1875], %swap3A_1878 {strides = array<i32>} : memref<128x128xf32, #tpu.memory_space<vmem>>, vector<1x16xf32>,
          %mul3A_1879 = arith.constant 16 : i32
          %mul3A_1880 = arith.muli %scan3A_66, %mul3A_1879 : i32
          %add3A_1881 = arith.constant 11 : i32
          %add3A_1882 = arith.addi %mul3A_1880, %add3A_1881 : i32
          %get3A_1883 = arith.index_cast %add3A_1882 : i32 to index
          %get3A_1884 = arith.constant 96 : index
          %get3A_1885 = tpu.vector_load %arg10[%get3A_1883, %get3A_1884] {strides = array<i32>} : memref<128x128xf32, #tpu.memory_space<vmem>>, vector<1x16xf32>,
          %get3A_1886 = vector.shape_cast %get3A_1885 : vector<1x16xf32> to vector<16xf32>
          %mul3A_1887 = vector.broadcast %squeeze3A_1764 : f32 to vector<16xf32>
          %mul3A_1888 = arith.mulf %get3A_1886, %mul3A_1887 : vector<16xf32>
          %mul3A_1889 = arith.constant 16 : i32
          %mul3A_1890 = arith.muli %scan3A_66, %mul3A_1889 : i32
          %add3A_1891 = arith.constant 11 : i32
          %add3A_1892 = arith.addi %mul3A_1890, %add3A_1891 : i32
          %swap3A_1893 = arith.index_cast %add3A_1892 : i32 to index
          %swap3A_1894 = arith.constant 96 : index
          %swap3A_1895 = tpu.vector_load %arg10[%swap3A_1893, %swap3A_1894] {strides = array<i32>} : memref<128x128xf32, #tpu.memory_space<vmem>>, vector<1x16xf32>,
          %swap3A_1896 = vector.shape_cast %swap3A_1895 : vector<1x16xf32> to vector<16xf32>
          %swap3A_1897 = vector.shape_cast %mul3A_1888 : vector<16xf32> to vector<1x16xf32>
          tpu.vector_store %arg10[%swap3A_1893, %swap3A_1894], %swap3A_1897 {strides = array<i32>} : memref<128x128xf32, #tpu.memory_space<vmem>>, vector<1x16xf32>,
          %mul3A_1898 = arith.constant 16 : i32
          %mul3A_1899 = arith.muli %scan3A_66, %mul3A_1898 : i32
          %add3A_1900 = arith.constant 11 : i32
          %add3A_1901 = arith.addi %mul3A_1899, %add3A_1900 : i32
          %get3A_1902 = arith.index_cast %add3A_1901 : i32 to index
          %get3A_1903 = arith.constant 112 : index
          %get3A_1904 = tpu.vector_load %arg10[%get3A_1902, %get3A_1903] {strides = array<i32>} : memref<128x128xf32, #tpu.memory_space<vmem>>, vector<1x16xf32>,
          %get3A_1905 = vector.shape_cast %get3A_1904 : vector<1x16xf32> to vector<16xf32>
          %mul3A_1906 = vector.broadcast %squeeze3A_1764 : f32 to vector<16xf32>
          %mul3A_1907 = arith.mulf %get3A_1905, %mul3A_1906 : vector<16xf32>
          %mul3A_1908 = arith.constant 16 : i32
          %mul3A_1909 = arith.muli %scan3A_66, %mul3A_1908 : i32
          %add3A_1910 = arith.constant 11 : i32
          %add3A_1911 = arith.addi %mul3A_1909, %add3A_1910 : i32
          %swap3A_1912 = arith.index_cast %add3A_1911 : i32 to index
          %swap3A_1913 = arith.constant 112 : index
          %swap3A_1914 = tpu.vector_load %arg10[%swap3A_1912, %swap3A_1913] {strides = array<i32>} : memref<128x128xf32, #tpu.memory_space<vmem>>, vector<1x16xf32>,
          %swap3A_1915 = vector.shape_cast %swap3A_1914 : vector<1x16xf32> to vector<16xf32>
          %swap3A_1916 = vector.shape_cast %mul3A_1907 : vector<16xf32> to vector<1x16xf32>
          tpu.vector_store %arg10[%swap3A_1912, %swap3A_1913], %swap3A_1916 {strides = array<i32>} : memref<128x128xf32, #tpu.memory_space<vmem>>, vector<1x16xf32>,
          %slice3A_1917 = vector.extract_strided_slice %get3A_71 {offsets = [12], sizes = [1], strides = [1]} : vector<16xf32> to vector<1xf32>
          %squeeze3A_1918 = vector.extract %slice3A_1917[0] : f32 from vector<1xf32>
          %mul3A_1919 = arith.constant 16 : i32
          %mul3A_1920 = arith.muli %scan3A_66, %mul3A_1919 : i32
          %add3A_1921 = arith.constant 12 : i32
          %add3A_1922 = arith.addi %mul3A_1920, %add3A_1921 : i32
          %get3A_1923 = arith.index_cast %add3A_1922 : i32 to index
          %get3A_1924 = arith.constant 0 : index
          %get3A_1925 = tpu.vector_load %arg10[%get3A_1923, %get3A_1924] {strides = array<i32>} : memref<128x128xf32, #tpu.memory_space<vmem>>, vector<1x16xf32>,
          %get3A_1926 = vector.shape_cast %get3A_1925 : vector<1x16xf32> to vector<16xf32>
          %mul3A_1927 = vector.broadcast %squeeze3A_1918 : f32 to vector<16xf32>
          %mul3A_1928 = arith.mulf %get3A_1926, %mul3A_1927 : vector<16xf32>
          %mul3A_1929 = arith.constant 16 : i32
          %mul3A_1930 = arith.muli %scan3A_66, %mul3A_1929 : i32
          %add3A_1931 = arith.constant 12 : i32
          %add3A_1932 = arith.addi %mul3A_1930, %add3A_1931 : i32
          %swap3A_1933 = arith.index_cast %add3A_1932 : i32 to index
          %swap3A_1934 = arith.constant 0 : index
          %swap3A_1935 = tpu.vector_load %arg10[%swap3A_1933, %swap3A_1934] {strides = array<i32>} : memref<128x128xf32, #tpu.memory_space<vmem>>, vector<1x16xf32>,
          %swap3A_1936 = vector.shape_cast %swap3A_1935 : vector<1x16xf32> to vector<16xf32>
          %swap3A_1937 = vector.shape_cast %mul3A_1928 : vector<16xf32> to vector<1x16xf32>
          tpu.vector_store %arg10[%swap3A_1933, %swap3A_1934], %swap3A_1937 {strides = array<i32>} : memref<128x128xf32, #tpu.memory_space<vmem>>, vector<1x16xf32>,
          %mul3A_1938 = arith.constant 16 : i32
          %mul3A_1939 = arith.muli %scan3A_66, %mul3A_1938 : i32
          %add3A_1940 = arith.constant 12 : i32
          %add3A_1941 = arith.addi %mul3A_1939, %add3A_1940 : i32
          %get3A_1942 = arith.index_cast %add3A_1941 : i32 to index
          %get3A_1943 = arith.constant 16 : index
          %get3A_1944 = tpu.vector_load %arg10[%get3A_1942, %get3A_1943] {strides = array<i32>} : memref<128x128xf32, #tpu.memory_space<vmem>>, vector<1x16xf32>,
          %get3A_1945 = vector.shape_cast %get3A_1944 : vector<1x16xf32> to vector<16xf32>
          %mul3A_1946 = vector.broadcast %squeeze3A_1918 : f32 to vector<16xf32>
          %mul3A_1947 = arith.mulf %get3A_1945, %mul3A_1946 : vector<16xf32>
          %mul3A_1948 = arith.constant 16 : i32
          %mul3A_1949 = arith.muli %scan3A_66, %mul3A_1948 : i32
          %add3A_1950 = arith.constant 12 : i32
          %add3A_1951 = arith.addi %mul3A_1949, %add3A_1950 : i32
          %swap3A_1952 = arith.index_cast %add3A_1951 : i32 to index
          %swap3A_1953 = arith.constant 16 : index
          %swap3A_1954 = tpu.vector_load %arg10[%swap3A_1952, %swap3A_1953] {strides = array<i32>} : memref<128x128xf32, #tpu.memory_space<vmem>>, vector<1x16xf32>,
          %swap3A_1955 = vector.shape_cast %swap3A_1954 : vector<1x16xf32> to vector<16xf32>
          %swap3A_1956 = vector.shape_cast %mul3A_1947 : vector<16xf32> to vector<1x16xf32>
          tpu.vector_store %arg10[%swap3A_1952, %swap3A_1953], %swap3A_1956 {strides = array<i32>} : memref<128x128xf32, #tpu.memory_space<vmem>>, vector<1x16xf32>,
          %mul3A_1957 = arith.constant 16 : i32
          %mul3A_1958 = arith.muli %scan3A_66, %mul3A_1957 : i32
          %add3A_1959 = arith.constant 12 : i32
          %add3A_1960 = arith.addi %mul3A_1958, %add3A_1959 : i32
          %get3A_1961 = arith.index_cast %add3A_1960 : i32 to index
          %get3A_1962 = arith.constant 32 : index
          %get3A_1963 = tpu.vector_load %arg10[%get3A_1961, %get3A_1962] {strides = array<i32>} : memref<128x128xf32, #tpu.memory_space<vmem>>, vector<1x16xf32>,
          %get3A_1964 = vector.shape_cast %get3A_1963 : vector<1x16xf32> to vector<16xf32>
          %mul3A_1965 = vector.broadcast %squeeze3A_1918 : f32 to vector<16xf32>
          %mul3A_1966 = arith.mulf %get3A_1964, %mul3A_1965 : vector<16xf32>
          %mul3A_1967 = arith.constant 16 : i32
          %mul3A_1968 = arith.muli %scan3A_66, %mul3A_1967 : i32
          %add3A_1969 = arith.constant 12 : i32
          %add3A_1970 = arith.addi %mul3A_1968, %add3A_1969 : i32
          %swap3A_1971 = arith.index_cast %add3A_1970 : i32 to index
          %swap3A_1972 = arith.constant 32 : index
          %swap3A_1973 = tpu.vector_load %arg10[%swap3A_1971, %swap3A_1972] {strides = array<i32>} : memref<128x128xf32, #tpu.memory_space<vmem>>, vector<1x16xf32>,
          %swap3A_1974 = vector.shape_cast %swap3A_1973 : vector<1x16xf32> to vector<16xf32>
          %swap3A_1975 = vector.shape_cast %mul3A_1966 : vector<16xf32> to vector<1x16xf32>
          tpu.vector_store %arg10[%swap3A_1971, %swap3A_1972], %swap3A_1975 {strides = array<i32>} : memref<128x128xf32, #tpu.memory_space<vmem>>, vector<1x16xf32>,
          %mul3A_1976 = arith.constant 16 : i32
          %mul3A_1977 = arith.muli %scan3A_66, %mul3A_1976 : i32
          %add3A_1978 = arith.constant 12 : i32
          %add3A_1979 = arith.addi %mul3A_1977, %add3A_1978 : i32
          %get3A_1980 = arith.index_cast %add3A_1979 : i32 to index
          %get3A_1981 = arith.constant 48 : index
          %get3A_1982 = tpu.vector_load %arg10[%get3A_1980, %get3A_1981] {strides = array<i32>} : memref<128x128xf32, #tpu.memory_space<vmem>>, vector<1x16xf32>,
          %get3A_1983 = vector.shape_cast %get3A_1982 : vector<1x16xf32> to vector<16xf32>
          %mul3A_1984 = vector.broadcast %squeeze3A_1918 : f32 to vector<16xf32>
          %mul3A_1985 = arith.mulf %get3A_1983, %mul3A_1984 : vector<16xf32>
          %mul3A_1986 = arith.constant 16 : i32
          %mul3A_1987 = arith.muli %scan3A_66, %mul3A_1986 : i32
          %add3A_1988 = arith.constant 12 : i32
          %add3A_1989 = arith.addi %mul3A_1987, %add3A_1988 : i32
          %swap3A_1990 = arith.index_cast %add3A_1989 : i32 to index
          %swap3A_1991 = arith.constant 48 : index
          %swap3A_1992 = tpu.vector_load %arg10[%swap3A_1990, %swap3A_1991] {strides = array<i32>} : memref<128x128xf32, #tpu.memory_space<vmem>>, vector<1x16xf32>,
          %swap3A_1993 = vector.shape_cast %swap3A_1992 : vector<1x16xf32> to vector<16xf32>
          %swap3A_1994 = vector.shape_cast %mul3A_1985 : vector<16xf32> to vector<1x16xf32>
          tpu.vector_store %arg10[%swap3A_1990, %swap3A_1991], %swap3A_1994 {strides = array<i32>} : memref<128x128xf32, #tpu.memory_space<vmem>>, vector<1x16xf32>,
          %mul3A_1995 = arith.constant 16 : i32
          %mul3A_1996 = arith.muli %scan3A_66, %mul3A_1995 : i32
          %add3A_1997 = arith.constant 12 : i32
          %add3A_1998 = arith.addi %mul3A_1996, %add3A_1997 : i32
          %get3A_1999 = arith.index_cast %add3A_1998 : i32 to index
          %get3A_2000 = arith.constant 64 : index
          %get3A_2001 = tpu.vector_load %arg10[%get3A_1999, %get3A_2000] {strides = array<i32>} : memref<128x128xf32, #tpu.memory_space<vmem>>, vector<1x16xf32>,
          %get3A_2002 = vector.shape_cast %get3A_2001 : vector<1x16xf32> to vector<16xf32>
          %mul3A_2003 = vector.broadcast %squeeze3A_1918 : f32 to vector<16xf32>
          %mul3A_2004 = arith.mulf %get3A_2002, %mul3A_2003 : vector<16xf32>
          %mul3A_2005 = arith.constant 16 : i32
          %mul3A_2006 = arith.muli %scan3A_66, %mul3A_2005 : i32
          %add3A_2007 = arith.constant 12 : i32
          %add3A_2008 = arith.addi %mul3A_2006, %add3A_2007 : i32
          %swap3A_2009 = arith.index_cast %add3A_2008 : i32 to index
          %swap3A_2010 = arith.constant 64 : index
          %swap3A_2011 = tpu.vector_load %arg10[%swap3A_2009, %swap3A_2010] {strides = array<i32>} : memref<128x128xf32, #tpu.memory_space<vmem>>, vector<1x16xf32>,
          %swap3A_2012 = vector.shape_cast %swap3A_2011 : vector<1x16xf32> to vector<16xf32>
          %swap3A_2013 = vector.shape_cast %mul3A_2004 : vector<16xf32> to vector<1x16xf32>
          tpu.vector_store %arg10[%swap3A_2009, %swap3A_2010], %swap3A_2013 {strides = array<i32>} : memref<128x128xf32, #tpu.memory_space<vmem>>, vector<1x16xf32>,
          %mul3A_2014 = arith.constant 16 : i32
          %mul3A_2015 = arith.muli %scan3A_66, %mul3A_2014 : i32
          %add3A_2016 = arith.constant 12 : i32
          %add3A_2017 = arith.addi %mul3A_2015, %add3A_2016 : i32
          %get3A_2018 = arith.index_cast %add3A_2017 : i32 to index
          %get3A_2019 = arith.constant 80 : index
          %get3A_2020 = tpu.vector_load %arg10[%get3A_2018, %get3A_2019] {strides = array<i32>} : memref<128x128xf32, #tpu.memory_space<vmem>>, vector<1x16xf32>,
          %get3A_2021 = vector.shape_cast %get3A_2020 : vector<1x16xf32> to vector<16xf32>
          %mul3A_2022 = vector.broadcast %squeeze3A_1918 : f32 to vector<16xf32>
          %mul3A_2023 = arith.mulf %get3A_2021, %mul3A_2022 : vector<16xf32>
          %mul3A_2024 = arith.constant 16 : i32
          %mul3A_2025 = arith.muli %scan3A_66, %mul3A_2024 : i32
          %add3A_2026 = arith.constant 12 : i32
          %add3A_2027 = arith.addi %mul3A_2025, %add3A_2026 : i32
          %swap3A_2028 = arith.index_cast %add3A_2027 : i32 to index
          %swap3A_2029 = arith.constant 80 : index
          %swap3A_2030 = tpu.vector_load %arg10[%swap3A_2028, %swap3A_2029] {strides = array<i32>} : memref<128x128xf32, #tpu.memory_space<vmem>>, vector<1x16xf32>,
          %swap3A_2031 = vector.shape_cast %swap3A_2030 : vector<1x16xf32> to vector<16xf32>
          %swap3A_2032 = vector.shape_cast %mul3A_2023 : vector<16xf32> to vector<1x16xf32>
          tpu.vector_store %arg10[%swap3A_2028, %swap3A_2029], %swap3A_2032 {strides = array<i32>} : memref<128x128xf32, #tpu.memory_space<vmem>>, vector<1x16xf32>,
          %mul3A_2033 = arith.constant 16 : i32
          %mul3A_2034 = arith.muli %scan3A_66, %mul3A_2033 : i32
          %add3A_2035 = arith.constant 12 : i32
          %add3A_2036 = arith.addi %mul3A_2034, %add3A_2035 : i32
          %get3A_2037 = arith.index_cast %add3A_2036 : i32 to index
          %get3A_2038 = arith.constant 96 : index
          %get3A_2039 = tpu.vector_load %arg10[%get3A_2037, %get3A_2038] {strides = array<i32>} : memref<128x128xf32, #tpu.memory_space<vmem>>, vector<1x16xf32>,
          %get3A_2040 = vector.shape_cast %get3A_2039 : vector<1x16xf32> to vector<16xf32>
          %mul3A_2041 = vector.broadcast %squeeze3A_1918 : f32 to vector<16xf32>
          %mul3A_2042 = arith.mulf %get3A_2040, %mul3A_2041 : vector<16xf32>
          %mul3A_2043 = arith.constant 16 : i32
          %mul3A_2044 = arith.muli %scan3A_66, %mul3A_2043 : i32
          %add3A_2045 = arith.constant 12 : i32
          %add3A_2046 = arith.addi %mul3A_2044, %add3A_2045 : i32
          %swap3A_2047 = arith.index_cast %add3A_2046 : i32 to index
          %swap3A_2048 = arith.constant 96 : index
          %swap3A_2049 = tpu.vector_load %arg10[%swap3A_2047, %swap3A_2048] {strides = array<i32>} : memref<128x128xf32, #tpu.memory_space<vmem>>, vector<1x16xf32>,
          %swap3A_2050 = vector.shape_cast %swap3A_2049 : vector<1x16xf32> to vector<16xf32>
          %swap3A_2051 = vector.shape_cast %mul3A_2042 : vector<16xf32> to vector<1x16xf32>
          tpu.vector_store %arg10[%swap3A_2047, %swap3A_2048], %swap3A_2051 {strides = array<i32>} : memref<128x128xf32, #tpu.memory_space<vmem>>, vector<1x16xf32>,
          %mul3A_2052 = arith.constant 16 : i32
          %mul3A_2053 = arith.muli %scan3A_66, %mul3A_2052 : i32
          %add3A_2054 = arith.constant 12 : i32
          %add3A_2055 = arith.addi %mul3A_2053, %add3A_2054 : i32
          %get3A_2056 = arith.index_cast %add3A_2055 : i32 to index
          %get3A_2057 = arith.constant 112 : index
          %get3A_2058 = tpu.vector_load %arg10[%get3A_2056, %get3A_2057] {strides = array<i32>} : memref<128x128xf32, #tpu.memory_space<vmem>>, vector<1x16xf32>,
          %get3A_2059 = vector.shape_cast %get3A_2058 : vector<1x16xf32> to vector<16xf32>
          %mul3A_2060 = vector.broadcast %squeeze3A_1918 : f32 to vector<16xf32>
          %mul3A_2061 = arith.mulf %get3A_2059, %mul3A_2060 : vector<16xf32>
          %mul3A_2062 = arith.constant 16 : i32
          %mul3A_2063 = arith.muli %scan3A_66, %mul3A_2062 : i32
          %add3A_2064 = arith.constant 12 : i32
          %add3A_2065 = arith.addi %mul3A_2063, %add3A_2064 : i32
          %swap3A_2066 = arith.index_cast %add3A_2065 : i32 to index
          %swap3A_2067 = arith.constant 112 : index
          %swap3A_2068 = tpu.vector_load %arg10[%swap3A_2066, %swap3A_2067] {strides = array<i32>} : memref<128x128xf32, #tpu.memory_space<vmem>>, vector<1x16xf32>,
          %swap3A_2069 = vector.shape_cast %swap3A_2068 : vector<1x16xf32> to vector<16xf32>
          %swap3A_2070 = vector.shape_cast %mul3A_2061 : vector<16xf32> to vector<1x16xf32>
          tpu.vector_store %arg10[%swap3A_2066, %swap3A_2067], %swap3A_2070 {strides = array<i32>} : memref<128x128xf32, #tpu.memory_space<vmem>>, vector<1x16xf32>,
          %slice3A_2071 = vector.extract_strided_slice %get3A_71 {offsets = [13], sizes = [1], strides = [1]} : vector<16xf32> to vector<1xf32>
          %squeeze3A_2072 = vector.extract %slice3A_2071[0] : f32 from vector<1xf32>
          %mul3A_2073 = arith.constant 16 : i32
          %mul3A_2074 = arith.muli %scan3A_66, %mul3A_2073 : i32
          %add3A_2075 = arith.constant 13 : i32
          %add3A_2076 = arith.addi %mul3A_2074, %add3A_2075 : i32
          %get3A_2077 = arith.index_cast %add3A_2076 : i32 to index
          %get3A_2078 = arith.constant 0 : index
          %get3A_2079 = tpu.vector_load %arg10[%get3A_2077, %get3A_2078] {strides = array<i32>} : memref<128x128xf32, #tpu.memory_space<vmem>>, vector<1x16xf32>,
          %get3A_2080 = vector.shape_cast %get3A_2079 : vector<1x16xf32> to vector<16xf32>
          %mul3A_2081 = vector.broadcast %squeeze3A_2072 : f32 to vector<16xf32>
          %mul3A_2082 = arith.mulf %get3A_2080, %mul3A_2081 : vector<16xf32>
          %mul3A_2083 = arith.constant 16 : i32
          %mul3A_2084 = arith.muli %scan3A_66, %mul3A_2083 : i32
          %add3A_2085 = arith.constant 13 : i32
          %add3A_2086 = arith.addi %mul3A_2084, %add3A_2085 : i32
          %swap3A_2087 = arith.index_cast %add3A_2086 : i32 to index
          %swap3A_2088 = arith.constant 0 : index
          %swap3A_2089 = tpu.vector_load %arg10[%swap3A_2087, %swap3A_2088] {strides = array<i32>} : memref<128x128xf32, #tpu.memory_space<vmem>>, vector<1x16xf32>,
          %swap3A_2090 = vector.shape_cast %swap3A_2089 : vector<1x16xf32> to vector<16xf32>
          %swap3A_2091 = vector.shape_cast %mul3A_2082 : vector<16xf32> to vector<1x16xf32>
          tpu.vector_store %arg10[%swap3A_2087, %swap3A_2088], %swap3A_2091 {strides = array<i32>} : memref<128x128xf32, #tpu.memory_space<vmem>>, vector<1x16xf32>,
          %mul3A_2092 = arith.constant 16 : i32
          %mul3A_2093 = arith.muli %scan3A_66, %mul3A_2092 : i32
          %add3A_2094 = arith.constant 13 : i32
          %add3A_2095 = arith.addi %mul3A_2093, %add3A_2094 : i32
          %get3A_2096 = arith.index_cast %add3A_2095 : i32 to index
          %get3A_2097 = arith.constant 16 : index
          %get3A_2098 = tpu.vector_load %arg10[%get3A_2096, %get3A_2097] {strides = array<i32>} : memref<128x128xf32, #tpu.memory_space<vmem>>, vector<1x16xf32>,
          %get3A_2099 = vector.shape_cast %get3A_2098 : vector<1x16xf32> to vector<16xf32>
          %mul3A_2100 = vector.broadcast %squeeze3A_2072 : f32 to vector<16xf32>
          %mul3A_2101 = arith.mulf %get3A_2099, %mul3A_2100 : vector<16xf32>
          %mul3A_2102 = arith.constant 16 : i32
          %mul3A_2103 = arith.muli %scan3A_66, %mul3A_2102 : i32
          %add3A_2104 = arith.constant 13 : i32
          %add3A_2105 = arith.addi %mul3A_2103, %add3A_2104 : i32
          %swap3A_2106 = arith.index_cast %add3A_2105 : i32 to index
          %swap3A_2107 = arith.constant 16 : index
          %swap3A_2108 = tpu.vector_load %arg10[%swap3A_2106, %swap3A_2107] {strides = array<i32>} : memref<128x128xf32, #tpu.memory_space<vmem>>, vector<1x16xf32>,
          %swap3A_2109 = vector.shape_cast %swap3A_2108 : vector<1x16xf32> to vector<16xf32>
          %swap3A_2110 = vector.shape_cast %mul3A_2101 : vector<16xf32> to vector<1x16xf32>
          tpu.vector_store %arg10[%swap3A_2106, %swap3A_2107], %swap3A_2110 {strides = array<i32>} : memref<128x128xf32, #tpu.memory_space<vmem>>, vector<1x16xf32>,
          %mul3A_2111 = arith.constant 16 : i32
          %mul3A_2112 = arith.muli %scan3A_66, %mul3A_2111 : i32
          %add3A_2113 = arith.constant 13 : i32
          %add3A_2114 = arith.addi %mul3A_2112, %add3A_2113 : i32
          %get3A_2115 = arith.index_cast %add3A_2114 : i32 to index
          %get3A_2116 = arith.constant 32 : index
          %get3A_2117 = tpu.vector_load %arg10[%get3A_2115, %get3A_2116] {strides = array<i32>} : memref<128x128xf32, #tpu.memory_space<vmem>>, vector<1x16xf32>,
          %get3A_2118 = vector.shape_cast %get3A_2117 : vector<1x16xf32> to vector<16xf32>
          %mul3A_2119 = vector.broadcast %squeeze3A_2072 : f32 to vector<16xf32>
          %mul3A_2120 = arith.mulf %get3A_2118, %mul3A_2119 : vector<16xf32>
          %mul3A_2121 = arith.constant 16 : i32
          %mul3A_2122 = arith.muli %scan3A_66, %mul3A_2121 : i32
          %add3A_2123 = arith.constant 13 : i32
          %add3A_2124 = arith.addi %mul3A_2122, %add3A_2123 : i32
          %swap3A_2125 = arith.index_cast %add3A_2124 : i32 to index
          %swap3A_2126 = arith.constant 32 : index
          %swap3A_2127 = tpu.vector_load %arg10[%swap3A_2125, %swap3A_2126] {strides = array<i32>} : memref<128x128xf32, #tpu.memory_space<vmem>>, vector<1x16xf32>,
          %swap3A_2128 = vector.shape_cast %swap3A_2127 : vector<1x16xf32> to vector<16xf32>
          %swap3A_2129 = vector.shape_cast %mul3A_2120 : vector<16xf32> to vector<1x16xf32>
          tpu.vector_store %arg10[%swap3A_2125, %swap3A_2126], %swap3A_2129 {strides = array<i32>} : memref<128x128xf32, #tpu.memory_space<vmem>>, vector<1x16xf32>,
          %mul3A_2130 = arith.constant 16 : i32
          %mul3A_2131 = arith.muli %scan3A_66, %mul3A_2130 : i32
          %add3A_2132 = arith.constant 13 : i32
          %add3A_2133 = arith.addi %mul3A_2131, %add3A_2132 : i32
          %get3A_2134 = arith.index_cast %add3A_2133 : i32 to index
          %get3A_2135 = arith.constant 48 : index
          %get3A_2136 = tpu.vector_load %arg10[%get3A_2134, %get3A_2135] {strides = array<i32>} : memref<128x128xf32, #tpu.memory_space<vmem>>, vector<1x16xf32>,
          %get3A_2137 = vector.shape_cast %get3A_2136 : vector<1x16xf32> to vector<16xf32>
          %mul3A_2138 = vector.broadcast %squeeze3A_2072 : f32 to vector<16xf32>
          %mul3A_2139 = arith.mulf %get3A_2137, %mul3A_2138 : vector<16xf32>
          %mul3A_2140 = arith.constant 16 : i32
          %mul3A_2141 = arith.muli %scan3A_66, %mul3A_2140 : i32
          %add3A_2142 = arith.constant 13 : i32
          %add3A_2143 = arith.addi %mul3A_2141, %add3A_2142 : i32
          %swap3A_2144 = arith.index_cast %add3A_2143 : i32 to index
          %swap3A_2145 = arith.constant 48 : index
          %swap3A_2146 = tpu.vector_load %arg10[%swap3A_2144, %swap3A_2145] {strides = array<i32>} : memref<128x128xf32, #tpu.memory_space<vmem>>, vector<1x16xf32>,
          %swap3A_2147 = vector.shape_cast %swap3A_2146 : vector<1x16xf32> to vector<16xf32>
          %swap3A_2148 = vector.shape_cast %mul3A_2139 : vector<16xf32> to vector<1x16xf32>
          tpu.vector_store %arg10[%swap3A_2144, %swap3A_2145], %swap3A_2148 {strides = array<i32>} : memref<128x128xf32, #tpu.memory_space<vmem>>, vector<1x16xf32>,
          %mul3A_2149 = arith.constant 16 : i32
          %mul3A_2150 = arith.muli %scan3A_66, %mul3A_2149 : i32
          %add3A_2151 = arith.constant 13 : i32
          %add3A_2152 = arith.addi %mul3A_2150, %add3A_2151 : i32
          %get3A_2153 = arith.index_cast %add3A_2152 : i32 to index
          %get3A_2154 = arith.constant 64 : index
          %get3A_2155 = tpu.vector_load %arg10[%get3A_2153, %get3A_2154] {strides = array<i32>} : memref<128x128xf32, #tpu.memory_space<vmem>>, vector<1x16xf32>,
          %get3A_2156 = vector.shape_cast %get3A_2155 : vector<1x16xf32> to vector<16xf32>
          %mul3A_2157 = vector.broadcast %squeeze3A_2072 : f32 to vector<16xf32>
          %mul3A_2158 = arith.mulf %get3A_2156, %mul3A_2157 : vector<16xf32>
          %mul3A_2159 = arith.constant 16 : i32
          %mul3A_2160 = arith.muli %scan3A_66, %mul3A_2159 : i32
          %add3A_2161 = arith.constant 13 : i32
          %add3A_2162 = arith.addi %mul3A_2160, %add3A_2161 : i32
          %swap3A_2163 = arith.index_cast %add3A_2162 : i32 to index
          %swap3A_2164 = arith.constant 64 : index
          %swap3A_2165 = tpu.vector_load %arg10[%swap3A_2163, %swap3A_2164] {strides = array<i32>} : memref<128x128xf32, #tpu.memory_space<vmem>>, vector<1x16xf32>,
          %swap3A_2166 = vector.shape_cast %swap3A_2165 : vector<1x16xf32> to vector<16xf32>
          %swap3A_2167 = vector.shape_cast %mul3A_2158 : vector<16xf32> to vector<1x16xf32>
          tpu.vector_store %arg10[%swap3A_2163, %swap3A_2164], %swap3A_2167 {strides = array<i32>} : memref<128x128xf32, #tpu.memory_space<vmem>>, vector<1x16xf32>,
          %mul3A_2168 = arith.constant 16 : i32
          %mul3A_2169 = arith.muli %scan3A_66, %mul3A_2168 : i32
          %add3A_2170 = arith.constant 13 : i32
          %add3A_2171 = arith.addi %mul3A_2169, %add3A_2170 : i32
          %get3A_2172 = arith.index_cast %add3A_2171 : i32 to index
          %get3A_2173 = arith.constant 80 : index
          %get3A_2174 = tpu.vector_load %arg10[%get3A_2172, %get3A_2173] {strides = array<i32>} : memref<128x128xf32, #tpu.memory_space<vmem>>, vector<1x16xf32>,
          %get3A_2175 = vector.shape_cast %get3A_2174 : vector<1x16xf32> to vector<16xf32>
          %mul3A_2176 = vector.broadcast %squeeze3A_2072 : f32 to vector<16xf32>
          %mul3A_2177 = arith.mulf %get3A_2175, %mul3A_2176 : vector<16xf32>
          %mul3A_2178 = arith.constant 16 : i32
          %mul3A_2179 = arith.muli %scan3A_66, %mul3A_2178 : i32
          %add3A_2180 = arith.constant 13 : i32
          %add3A_2181 = arith.addi %mul3A_2179, %add3A_2180 : i32
          %swap3A_2182 = arith.index_cast %add3A_2181 : i32 to index
          %swap3A_2183 = arith.constant 80 : index
          %swap3A_2184 = tpu.vector_load %arg10[%swap3A_2182, %swap3A_2183] {strides = array<i32>} : memref<128x128xf32, #tpu.memory_space<vmem>>, vector<1x16xf32>,
          %swap3A_2185 = vector.shape_cast %swap3A_2184 : vector<1x16xf32> to vector<16xf32>
          %swap3A_2186 = vector.shape_cast %mul3A_2177 : vector<16xf32> to vector<1x16xf32>
          tpu.vector_store %arg10[%swap3A_2182, %swap3A_2183], %swap3A_2186 {strides = array<i32>} : memref<128x128xf32, #tpu.memory_space<vmem>>, vector<1x16xf32>,
          %mul3A_2187 = arith.constant 16 : i32
          %mul3A_2188 = arith.muli %scan3A_66, %mul3A_2187 : i32
          %add3A_2189 = arith.constant 13 : i32
          %add3A_2190 = arith.addi %mul3A_2188, %add3A_2189 : i32
          %get3A_2191 = arith.index_cast %add3A_2190 : i32 to index
          %get3A_2192 = arith.constant 96 : index
          %get3A_2193 = tpu.vector_load %arg10[%get3A_2191, %get3A_2192] {strides = array<i32>} : memref<128x128xf32, #tpu.memory_space<vmem>>, vector<1x16xf32>,
          %get3A_2194 = vector.shape_cast %get3A_2193 : vector<1x16xf32> to vector<16xf32>
          %mul3A_2195 = vector.broadcast %squeeze3A_2072 : f32 to vector<16xf32>
          %mul3A_2196 = arith.mulf %get3A_2194, %mul3A_2195 : vector<16xf32>
          %mul3A_2197 = arith.constant 16 : i32
          %mul3A_2198 = arith.muli %scan3A_66, %mul3A_2197 : i32
          %add3A_2199 = arith.constant 13 : i32
          %add3A_2200 = arith.addi %mul3A_2198, %add3A_2199 : i32
          %swap3A_2201 = arith.index_cast %add3A_2200 : i32 to index
          %swap3A_2202 = arith.constant 96 : index
          %swap3A_2203 = tpu.vector_load %arg10[%swap3A_2201, %swap3A_2202] {strides = array<i32>} : memref<128x128xf32, #tpu.memory_space<vmem>>, vector<1x16xf32>,
          %swap3A_2204 = vector.shape_cast %swap3A_2203 : vector<1x16xf32> to vector<16xf32>
          %swap3A_2205 = vector.shape_cast %mul3A_2196 : vector<16xf32> to vector<1x16xf32>
          tpu.vector_store %arg10[%swap3A_2201, %swap3A_2202], %swap3A_2205 {strides = array<i32>} : memref<128x128xf32, #tpu.memory_space<vmem>>, vector<1x16xf32>,
          %mul3A_2206 = arith.constant 16 : i32
          %mul3A_2207 = arith.muli %scan3A_66, %mul3A_2206 : i32
          %add3A_2208 = arith.constant 13 : i32
          %add3A_2209 = arith.addi %mul3A_2207, %add3A_2208 : i32
          %get3A_2210 = arith.index_cast %add3A_2209 : i32 to index
          %get3A_2211 = arith.constant 112 : index
          %get3A_2212 = tpu.vector_load %arg10[%get3A_2210, %get3A_2211] {strides = array<i32>} : memref<128x128xf32, #tpu.memory_space<vmem>>, vector<1x16xf32>,
          %get3A_2213 = vector.shape_cast %get3A_2212 : vector<1x16xf32> to vector<16xf32>
          %mul3A_2214 = vector.broadcast %squeeze3A_2072 : f32 to vector<16xf32>
          %mul3A_2215 = arith.mulf %get3A_2213, %mul3A_2214 : vector<16xf32>
          %mul3A_2216 = arith.constant 16 : i32
          %mul3A_2217 = arith.muli %scan3A_66, %mul3A_2216 : i32
          %add3A_2218 = arith.constant 13 : i32
          %add3A_2219 = arith.addi %mul3A_2217, %add3A_2218 : i32
          %swap3A_2220 = arith.index_cast %add3A_2219 : i32 to index
          %swap3A_2221 = arith.constant 112 : index
          %swap3A_2222 = tpu.vector_load %arg10[%swap3A_2220, %swap3A_2221] {strides = array<i32>} : memref<128x128xf32, #tpu.memory_space<vmem>>, vector<1x16xf32>,
          %swap3A_2223 = vector.shape_cast %swap3A_2222 : vector<1x16xf32> to vector<16xf32>
          %swap3A_2224 = vector.shape_cast %mul3A_2215 : vector<16xf32> to vector<1x16xf32>
          tpu.vector_store %arg10[%swap3A_2220, %swap3A_2221], %swap3A_2224 {strides = array<i32>} : memref<128x128xf32, #tpu.memory_space<vmem>>, vector<1x16xf32>,
          %slice3A_2225 = vector.extract_strided_slice %get3A_71 {offsets = [14], sizes = [1], strides = [1]} : vector<16xf32> to vector<1xf32>
          %squeeze3A_2226 = vector.extract %slice3A_2225[0] : f32 from vector<1xf32>
          %mul3A_2227 = arith.constant 16 : i32
          %mul3A_2228 = arith.muli %scan3A_66, %mul3A_2227 : i32
          %add3A_2229 = arith.constant 14 : i32
          %add3A_2230 = arith.addi %mul3A_2228, %add3A_2229 : i32
          %get3A_2231 = arith.index_cast %add3A_2230 : i32 to index
          %get3A_2232 = arith.constant 0 : index
          %get3A_2233 = tpu.vector_load %arg10[%get3A_2231, %get3A_2232] {strides = array<i32>} : memref<128x128xf32, #tpu.memory_space<vmem>>, vector<1x16xf32>,
          %get3A_2234 = vector.shape_cast %get3A_2233 : vector<1x16xf32> to vector<16xf32>
          %mul3A_2235 = vector.broadcast %squeeze3A_2226 : f32 to vector<16xf32>
          %mul3A_2236 = arith.mulf %get3A_2234, %mul3A_2235 : vector<16xf32>
          %mul3A_2237 = arith.constant 16 : i32
          %mul3A_2238 = arith.muli %scan3A_66, %mul3A_2237 : i32
          %add3A_2239 = arith.constant 14 : i32
          %add3A_2240 = arith.addi %mul3A_2238, %add3A_2239 : i32
          %swap3A_2241 = arith.index_cast %add3A_2240 : i32 to index
          %swap3A_2242 = arith.constant 0 : index
          %swap3A_2243 = tpu.vector_load %arg10[%swap3A_2241, %swap3A_2242] {strides = array<i32>} : memref<128x128xf32, #tpu.memory_space<vmem>>, vector<1x16xf32>,
          %swap3A_2244 = vector.shape_cast %swap3A_2243 : vector<1x16xf32> to vector<16xf32>
          %swap3A_2245 = vector.shape_cast %mul3A_2236 : vector<16xf32> to vector<1x16xf32>
          tpu.vector_store %arg10[%swap3A_2241, %swap3A_2242], %swap3A_2245 {strides = array<i32>} : memref<128x128xf32, #tpu.memory_space<vmem>>, vector<1x16xf32>,
          %mul3A_2246 = arith.constant 16 : i32
          %mul3A_2247 = arith.muli %scan3A_66, %mul3A_2246 : i32
          %add3A_2248 = arith.constant 14 : i32
          %add3A_2249 = arith.addi %mul3A_2247, %add3A_2248 : i32
          %get3A_2250 = arith.index_cast %add3A_2249 : i32 to index
          %get3A_2251 = arith.constant 16 : index
          %get3A_2252 = tpu.vector_load %arg10[%get3A_2250, %get3A_2251] {strides = array<i32>} : memref<128x128xf32, #tpu.memory_space<vmem>>, vector<1x16xf32>,
          %get3A_2253 = vector.shape_cast %get3A_2252 : vector<1x16xf32> to vector<16xf32>
          %mul3A_2254 = vector.broadcast %squeeze3A_2226 : f32 to vector<16xf32>
          %mul3A_2255 = arith.mulf %get3A_2253, %mul3A_2254 : vector<16xf32>
          %mul3A_2256 = arith.constant 16 : i32
          %mul3A_2257 = arith.muli %scan3A_66, %mul3A_2256 : i32
          %add3A_2258 = arith.constant 14 : i32
          %add3A_2259 = arith.addi %mul3A_2257, %add3A_2258 : i32
          %swap3A_2260 = arith.index_cast %add3A_2259 : i32 to index
          %swap3A_2261 = arith.constant 16 : index
          %swap3A_2262 = tpu.vector_load %arg10[%swap3A_2260, %swap3A_2261] {strides = array<i32>} : memref<128x128xf32, #tpu.memory_space<vmem>>, vector<1x16xf32>,
          %swap3A_2263 = vector.shape_cast %swap3A_2262 : vector<1x16xf32> to vector<16xf32>
          %swap3A_2264 = vector.shape_cast %mul3A_2255 : vector<16xf32> to vector<1x16xf32>
          tpu.vector_store %arg10[%swap3A_2260, %swap3A_2261], %swap3A_2264 {strides = array<i32>} : memref<128x128xf32, #tpu.memory_space<vmem>>, vector<1x16xf32>,
          %mul3A_2265 = arith.constant 16 : i32
          %mul3A_2266 = arith.muli %scan3A_66, %mul3A_2265 : i32
          %add3A_2267 = arith.constant 14 : i32
          %add3A_2268 = arith.addi %mul3A_2266, %add3A_2267 : i32
          %get3A_2269 = arith.index_cast %add3A_2268 : i32 to index
          %get3A_2270 = arith.constant 32 : index
          %get3A_2271 = tpu.vector_load %arg10[%get3A_2269, %get3A_2270] {strides = array<i32>} : memref<128x128xf32, #tpu.memory_space<vmem>>, vector<1x16xf32>,
          %get3A_2272 = vector.shape_cast %get3A_2271 : vector<1x16xf32> to vector<16xf32>
          %mul3A_2273 = vector.broadcast %squeeze3A_2226 : f32 to vector<16xf32>
          %mul3A_2274 = arith.mulf %get3A_2272, %mul3A_2273 : vector<16xf32>
          %mul3A_2275 = arith.constant 16 : i32
          %mul3A_2276 = arith.muli %scan3A_66, %mul3A_2275 : i32
          %add3A_2277 = arith.constant 14 : i32
          %add3A_2278 = arith.addi %mul3A_2276, %add3A_2277 : i32
          %swap3A_2279 = arith.index_cast %add3A_2278 : i32 to index
          %swap3A_2280 = arith.constant 32 : index
          %swap3A_2281 = tpu.vector_load %arg10[%swap3A_2279, %swap3A_2280] {strides = array<i32>} : memref<128x128xf32, #tpu.memory_space<vmem>>, vector<1x16xf32>,
          %swap3A_2282 = vector.shape_cast %swap3A_2281 : vector<1x16xf32> to vector<16xf32>
          %swap3A_2283 = vector.shape_cast %mul3A_2274 : vector<16xf32> to vector<1x16xf32>
          tpu.vector_store %arg10[%swap3A_2279, %swap3A_2280], %swap3A_2283 {strides = array<i32>} : memref<128x128xf32, #tpu.memory_space<vmem>>, vector<1x16xf32>,
          %mul3A_2284 = arith.constant 16 : i32
          %mul3A_2285 = arith.muli %scan3A_66, %mul3A_2284 : i32
          %add3A_2286 = arith.constant 14 : i32
          %add3A_2287 = arith.addi %mul3A_2285, %add3A_2286 : i32
          %get3A_2288 = arith.index_cast %add3A_2287 : i32 to index
          %get3A_2289 = arith.constant 48 : index
          %get3A_2290 = tpu.vector_load %arg10[%get3A_2288, %get3A_2289] {strides = array<i32>} : memref<128x128xf32, #tpu.memory_space<vmem>>, vector<1x16xf32>,
          %get3A_2291 = vector.shape_cast %get3A_2290 : vector<1x16xf32> to vector<16xf32>
          %mul3A_2292 = vector.broadcast %squeeze3A_2226 : f32 to vector<16xf32>
          %mul3A_2293 = arith.mulf %get3A_2291, %mul3A_2292 : vector<16xf32>
          %mul3A_2294 = arith.constant 16 : i32
          %mul3A_2295 = arith.muli %scan3A_66, %mul3A_2294 : i32
          %add3A_2296 = arith.constant 14 : i32
          %add3A_2297 = arith.addi %mul3A_2295, %add3A_2296 : i32
          %swap3A_2298 = arith.index_cast %add3A_2297 : i32 to index
          %swap3A_2299 = arith.constant 48 : index
          %swap3A_2300 = tpu.vector_load %arg10[%swap3A_2298, %swap3A_2299] {strides = array<i32>} : memref<128x128xf32, #tpu.memory_space<vmem>>, vector<1x16xf32>,
          %swap3A_2301 = vector.shape_cast %swap3A_2300 : vector<1x16xf32> to vector<16xf32>
          %swap3A_2302 = vector.shape_cast %mul3A_2293 : vector<16xf32> to vector<1x16xf32>
          tpu.vector_store %arg10[%swap3A_2298, %swap3A_2299], %swap3A_2302 {strides = array<i32>} : memref<128x128xf32, #tpu.memory_space<vmem>>, vector<1x16xf32>,
          %mul3A_2303 = arith.constant 16 : i32
          %mul3A_2304 = arith.muli %scan3A_66, %mul3A_2303 : i32
          %add3A_2305 = arith.constant 14 : i32
          %add3A_2306 = arith.addi %mul3A_2304, %add3A_2305 : i32
          %get3A_2307 = arith.index_cast %add3A_2306 : i32 to index
          %get3A_2308 = arith.constant 64 : index
          %get3A_2309 = tpu.vector_load %arg10[%get3A_2307, %get3A_2308] {strides = array<i32>} : memref<128x128xf32, #tpu.memory_space<vmem>>, vector<1x16xf32>,
          %get3A_2310 = vector.shape_cast %get3A_2309 : vector<1x16xf32> to vector<16xf32>
          %mul3A_2311 = vector.broadcast %squeeze3A_2226 : f32 to vector<16xf32>
          %mul3A_2312 = arith.mulf %get3A_2310, %mul3A_2311 : vector<16xf32>
          %mul3A_2313 = arith.constant 16 : i32
          %mul3A_2314 = arith.muli %scan3A_66, %mul3A_2313 : i32
          %add3A_2315 = arith.constant 14 : i32
          %add3A_2316 = arith.addi %mul3A_2314, %add3A_2315 : i32
          %swap3A_2317 = arith.index_cast %add3A_2316 : i32 to index
          %swap3A_2318 = arith.constant 64 : index
          %swap3A_2319 = tpu.vector_load %arg10[%swap3A_2317, %swap3A_2318] {strides = array<i32>} : memref<128x128xf32, #tpu.memory_space<vmem>>, vector<1x16xf32>,
          %swap3A_2320 = vector.shape_cast %swap3A_2319 : vector<1x16xf32> to vector<16xf32>
          %swap3A_2321 = vector.shape_cast %mul3A_2312 : vector<16xf32> to vector<1x16xf32>
          tpu.vector_store %arg10[%swap3A_2317, %swap3A_2318], %swap3A_2321 {strides = array<i32>} : memref<128x128xf32, #tpu.memory_space<vmem>>, vector<1x16xf32>,
          %mul3A_2322 = arith.constant 16 : i32
          %mul3A_2323 = arith.muli %scan3A_66, %mul3A_2322 : i32
          %add3A_2324 = arith.constant 14 : i32
          %add3A_2325 = arith.addi %mul3A_2323, %add3A_2324 : i32
          %get3A_2326 = arith.index_cast %add3A_2325 : i32 to index
          %get3A_2327 = arith.constant 80 : index
          %get3A_2328 = tpu.vector_load %arg10[%get3A_2326, %get3A_2327] {strides = array<i32>} : memref<128x128xf32, #tpu.memory_space<vmem>>, vector<1x16xf32>,
          %get3A_2329 = vector.shape_cast %get3A_2328 : vector<1x16xf32> to vector<16xf32>
          %mul3A_2330 = vector.broadcast %squeeze3A_2226 : f32 to vector<16xf32>
          %mul3A_2331 = arith.mulf %get3A_2329, %mul3A_2330 : vector<16xf32>
          %mul3A_2332 = arith.constant 16 : i32
          %mul3A_2333 = arith.muli %scan3A_66, %mul3A_2332 : i32
          %add3A_2334 = arith.constant 14 : i32
          %add3A_2335 = arith.addi %mul3A_2333, %add3A_2334 : i32
          %swap3A_2336 = arith.index_cast %add3A_2335 : i32 to index
          %swap3A_2337 = arith.constant 80 : index
          %swap3A_2338 = tpu.vector_load %arg10[%swap3A_2336, %swap3A_2337] {strides = array<i32>} : memref<128x128xf32, #tpu.memory_space<vmem>>, vector<1x16xf32>,
          %swap3A_2339 = vector.shape_cast %swap3A_2338 : vector<1x16xf32> to vector<16xf32>
          %swap3A_2340 = vector.shape_cast %mul3A_2331 : vector<16xf32> to vector<1x16xf32>
          tpu.vector_store %arg10[%swap3A_2336, %swap3A_2337], %swap3A_2340 {strides = array<i32>} : memref<128x128xf32, #tpu.memory_space<vmem>>, vector<1x16xf32>,
          %mul3A_2341 = arith.constant 16 : i32
          %mul3A_2342 = arith.muli %scan3A_66, %mul3A_2341 : i32
          %add3A_2343 = arith.constant 14 : i32
          %add3A_2344 = arith.addi %mul3A_2342, %add3A_2343 : i32
          %get3A_2345 = arith.index_cast %add3A_2344 : i32 to index
          %get3A_2346 = arith.constant 96 : index
          %get3A_2347 = tpu.vector_load %arg10[%get3A_2345, %get3A_2346] {strides = array<i32>} : memref<128x128xf32, #tpu.memory_space<vmem>>, vector<1x16xf32>,
          %get3A_2348 = vector.shape_cast %get3A_2347 : vector<1x16xf32> to vector<16xf32>
          %mul3A_2349 = vector.broadcast %squeeze3A_2226 : f32 to vector<16xf32>
          %mul3A_2350 = arith.mulf %get3A_2348, %mul3A_2349 : vector<16xf32>
          %mul3A_2351 = arith.constant 16 : i32
          %mul3A_2352 = arith.muli %scan3A_66, %mul3A_2351 : i32
          %add3A_2353 = arith.constant 14 : i32
          %add3A_2354 = arith.addi %mul3A_2352, %add3A_2353 : i32
          %swap3A_2355 = arith.index_cast %add3A_2354 : i32 to index
          %swap3A_2356 = arith.constant 96 : index
          %swap3A_2357 = tpu.vector_load %arg10[%swap3A_2355, %swap3A_2356] {strides = array<i32>} : memref<128x128xf32, #tpu.memory_space<vmem>>, vector<1x16xf32>,
          %swap3A_2358 = vector.shape_cast %swap3A_2357 : vector<1x16xf32> to vector<16xf32>
          %swap3A_2359 = vector.shape_cast %mul3A_2350 : vector<16xf32> to vector<1x16xf32>
          tpu.vector_store %arg10[%swap3A_2355, %swap3A_2356], %swap3A_2359 {strides = array<i32>} : memref<128x128xf32, #tpu.memory_space<vmem>>, vector<1x16xf32>,
          %mul3A_2360 = arith.constant 16 : i32
          %mul3A_2361 = arith.muli %scan3A_66, %mul3A_2360 : i32
          %add3A_2362 = arith.constant 14 : i32
          %add3A_2363 = arith.addi %mul3A_2361, %add3A_2362 : i32
          %get3A_2364 = arith.index_cast %add3A_2363 : i32 to index
          %get3A_2365 = arith.constant 112 : index
          %get3A_2366 = tpu.vector_load %arg10[%get3A_2364, %get3A_2365] {strides = array<i32>} : memref<128x128xf32, #tpu.memory_space<vmem>>, vector<1x16xf32>,
          %get3A_2367 = vector.shape_cast %get3A_2366 : vector<1x16xf32> to vector<16xf32>
          %mul3A_2368 = vector.broadcast %squeeze3A_2226 : f32 to vector<16xf32>
          %mul3A_2369 = arith.mulf %get3A_2367, %mul3A_2368 : vector<16xf32>
          %mul3A_2370 = arith.constant 16 : i32
          %mul3A_2371 = arith.muli %scan3A_66, %mul3A_2370 : i32
          %add3A_2372 = arith.constant 14 : i32
          %add3A_2373 = arith.addi %mul3A_2371, %add3A_2372 : i32
          %swap3A_2374 = arith.index_cast %add3A_2373 : i32 to index
          %swap3A_2375 = arith.constant 112 : index
          %swap3A_2376 = tpu.vector_load %arg10[%swap3A_2374, %swap3A_2375] {strides = array<i32>} : memref<128x128xf32, #tpu.memory_space<vmem>>, vector<1x16xf32>,
          %swap3A_2377 = vector.shape_cast %swap3A_2376 : vector<1x16xf32> to vector<16xf32>
          %swap3A_2378 = vector.shape_cast %mul3A_2369 : vector<16xf32> to vector<1x16xf32>
          tpu.vector_store %arg10[%swap3A_2374, %swap3A_2375], %swap3A_2378 {strides = array<i32>} : memref<128x128xf32, #tpu.memory_space<vmem>>, vector<1x16xf32>,
          %slice3A_2379 = vector.extract_strided_slice %get3A_71 {offsets = [15], sizes = [1], strides = [1]} : vector<16xf32> to vector<1xf32>
          %squeeze3A_2380 = vector.extract %slice3A_2379[0] : f32 from vector<1xf32>
          %mul3A_2381 = arith.constant 16 : i32
          %mul3A_2382 = arith.muli %scan3A_66, %mul3A_2381 : i32
          %add3A_2383 = arith.constant 15 : i32
          %add3A_2384 = arith.addi %mul3A_2382, %add3A_2383 : i32
          %get3A_2385 = arith.index_cast %add3A_2384 : i32 to index
          %get3A_2386 = arith.constant 0 : index
          %get3A_2387 = tpu.vector_load %arg10[%get3A_2385, %get3A_2386] {strides = array<i32>} : memref<128x128xf32, #tpu.memory_space<vmem>>, vector<1x16xf32>,
          %get3A_2388 = vector.shape_cast %get3A_2387 : vector<1x16xf32> to vector<16xf32>
          %mul3A_2389 = vector.broadcast %squeeze3A_2380 : f32 to vector<16xf32>
          %mul3A_2390 = arith.mulf %get3A_2388, %mul3A_2389 : vector<16xf32>
          %mul3A_2391 = arith.constant 16 : i32
          %mul3A_2392 = arith.muli %scan3A_66, %mul3A_2391 : i32
          %add3A_2393 = arith.constant 15 : i32
          %add3A_2394 = arith.addi %mul3A_2392, %add3A_2393 : i32
          %swap3A_2395 = arith.index_cast %add3A_2394 : i32 to index
          %swap3A_2396 = arith.constant 0 : index
          %swap3A_2397 = tpu.vector_load %arg10[%swap3A_2395, %swap3A_2396] {strides = array<i32>} : memref<128x128xf32, #tpu.memory_space<vmem>>, vector<1x16xf32>,
          %swap3A_2398 = vector.shape_cast %swap3A_2397 : vector<1x16xf32> to vector<16xf32>
          %swap3A_2399 = vector.shape_cast %mul3A_2390 : vector<16xf32> to vector<1x16xf32>
          tpu.vector_store %arg10[%swap3A_2395, %swap3A_2396], %swap3A_2399 {strides = array<i32>} : memref<128x128xf32, #tpu.memory_space<vmem>>, vector<1x16xf32>,
          %mul3A_2400 = arith.constant 16 : i32
          %mul3A_2401 = arith.muli %scan3A_66, %mul3A_2400 : i32
          %add3A_2402 = arith.constant 15 : i32
          %add3A_2403 = arith.addi %mul3A_2401, %add3A_2402 : i32
          %get3A_2404 = arith.index_cast %add3A_2403 : i32 to index
          %get3A_2405 = arith.constant 16 : index
          %get3A_2406 = tpu.vector_load %arg10[%get3A_2404, %get3A_2405] {strides = array<i32>} : memref<128x128xf32, #tpu.memory_space<vmem>>, vector<1x16xf32>,
          %get3A_2407 = vector.shape_cast %get3A_2406 : vector<1x16xf32> to vector<16xf32>
          %mul3A_2408 = vector.broadcast %squeeze3A_2380 : f32 to vector<16xf32>
          %mul3A_2409 = arith.mulf %get3A_2407, %mul3A_2408 : vector<16xf32>
          %mul3A_2410 = arith.constant 16 : i32
          %mul3A_2411 = arith.muli %scan3A_66, %mul3A_2410 : i32
          %add3A_2412 = arith.constant 15 : i32
          %add3A_2413 = arith.addi %mul3A_2411, %add3A_2412 : i32
          %swap3A_2414 = arith.index_cast %add3A_2413 : i32 to index
          %swap3A_2415 = arith.constant 16 : index
          %swap3A_2416 = tpu.vector_load %arg10[%swap3A_2414, %swap3A_2415] {strides = array<i32>} : memref<128x128xf32, #tpu.memory_space<vmem>>, vector<1x16xf32>,
          %swap3A_2417 = vector.shape_cast %swap3A_2416 : vector<1x16xf32> to vector<16xf32>
          %swap3A_2418 = vector.shape_cast %mul3A_2409 : vector<16xf32> to vector<1x16xf32>
          tpu.vector_store %arg10[%swap3A_2414, %swap3A_2415], %swap3A_2418 {strides = array<i32>} : memref<128x128xf32, #tpu.memory_space<vmem>>, vector<1x16xf32>,
          %mul3A_2419 = arith.constant 16 : i32
          %mul3A_2420 = arith.muli %scan3A_66, %mul3A_2419 : i32
          %add3A_2421 = arith.constant 15 : i32
          %add3A_2422 = arith.addi %mul3A_2420, %add3A_2421 : i32
          %get3A_2423 = arith.index_cast %add3A_2422 : i32 to index
          %get3A_2424 = arith.constant 32 : index
          %get3A_2425 = tpu.vector_load %arg10[%get3A_2423, %get3A_2424] {strides = array<i32>} : memref<128x128xf32, #tpu.memory_space<vmem>>, vector<1x16xf32>,
          %get3A_2426 = vector.shape_cast %get3A_2425 : vector<1x16xf32> to vector<16xf32>
          %mul3A_2427 = vector.broadcast %squeeze3A_2380 : f32 to vector<16xf32>
          %mul3A_2428 = arith.mulf %get3A_2426, %mul3A_2427 : vector<16xf32>
          %mul3A_2429 = arith.constant 16 : i32
          %mul3A_2430 = arith.muli %scan3A_66, %mul3A_2429 : i32
          %add3A_2431 = arith.constant 15 : i32
          %add3A_2432 = arith.addi %mul3A_2430, %add3A_2431 : i32
          %swap3A_2433 = arith.index_cast %add3A_2432 : i32 to index
          %swap3A_2434 = arith.constant 32 : index
          %swap3A_2435 = tpu.vector_load %arg10[%swap3A_2433, %swap3A_2434] {strides = array<i32>} : memref<128x128xf32, #tpu.memory_space<vmem>>, vector<1x16xf32>,
          %swap3A_2436 = vector.shape_cast %swap3A_2435 : vector<1x16xf32> to vector<16xf32>
          %swap3A_2437 = vector.shape_cast %mul3A_2428 : vector<16xf32> to vector<1x16xf32>
          tpu.vector_store %arg10[%swap3A_2433, %swap3A_2434], %swap3A_2437 {strides = array<i32>} : memref<128x128xf32, #tpu.memory_space<vmem>>, vector<1x16xf32>,
          %mul3A_2438 = arith.constant 16 : i32
          %mul3A_2439 = arith.muli %scan3A_66, %mul3A_2438 : i32
          %add3A_2440 = arith.constant 15 : i32
          %add3A_2441 = arith.addi %mul3A_2439, %add3A_2440 : i32
          %get3A_2442 = arith.index_cast %add3A_2441 : i32 to index
          %get3A_2443 = arith.constant 48 : index
          %get3A_2444 = tpu.vector_load %arg10[%get3A_2442, %get3A_2443] {strides = array<i32>} : memref<128x128xf32, #tpu.memory_space<vmem>>, vector<1x16xf32>,
          %get3A_2445 = vector.shape_cast %get3A_2444 : vector<1x16xf32> to vector<16xf32>
          %mul3A_2446 = vector.broadcast %squeeze3A_2380 : f32 to vector<16xf32>
          %mul3A_2447 = arith.mulf %get3A_2445, %mul3A_2446 : vector<16xf32>
          %mul3A_2448 = arith.constant 16 : i32
          %mul3A_2449 = arith.muli %scan3A_66, %mul3A_2448 : i32
          %add3A_2450 = arith.constant 15 : i32
          %add3A_2451 = arith.addi %mul3A_2449, %add3A_2450 : i32
          %swap3A_2452 = arith.index_cast %add3A_2451 : i32 to index
          %swap3A_2453 = arith.constant 48 : index
          %swap3A_2454 = tpu.vector_load %arg10[%swap3A_2452, %swap3A_2453] {strides = array<i32>} : memref<128x128xf32, #tpu.memory_space<vmem>>, vector<1x16xf32>,
          %swap3A_2455 = vector.shape_cast %swap3A_2454 : vector<1x16xf32> to vector<16xf32>
          %swap3A_2456 = vector.shape_cast %mul3A_2447 : vector<16xf32> to vector<1x16xf32>
          tpu.vector_store %arg10[%swap3A_2452, %swap3A_2453], %swap3A_2456 {strides = array<i32>} : memref<128x128xf32, #tpu.memory_space<vmem>>, vector<1x16xf32>,
          %mul3A_2457 = arith.constant 16 : i32
          %mul3A_2458 = arith.muli %scan3A_66, %mul3A_2457 : i32
          %add3A_2459 = arith.constant 15 : i32
          %add3A_2460 = arith.addi %mul3A_2458, %add3A_2459 : i32
          %get3A_2461 = arith.index_cast %add3A_2460 : i32 to index
          %get3A_2462 = arith.constant 64 : index
          %get3A_2463 = tpu.vector_load %arg10[%get3A_2461, %get3A_2462] {strides = array<i32>} : memref<128x128xf32, #tpu.memory_space<vmem>>, vector<1x16xf32>,
          %get3A_2464 = vector.shape_cast %get3A_2463 : vector<1x16xf32> to vector<16xf32>
          %mul3A_2465 = vector.broadcast %squeeze3A_2380 : f32 to vector<16xf32>
          %mul3A_2466 = arith.mulf %get3A_2464, %mul3A_2465 : vector<16xf32>
          %mul3A_2467 = arith.constant 16 : i32
          %mul3A_2468 = arith.muli %scan3A_66, %mul3A_2467 : i32
          %add3A_2469 = arith.constant 15 : i32
          %add3A_2470 = arith.addi %mul3A_2468, %add3A_2469 : i32
          %swap3A_2471 = arith.index_cast %add3A_2470 : i32 to index
          %swap3A_2472 = arith.constant 64 : index
          %swap3A_2473 = tpu.vector_load %arg10[%swap3A_2471, %swap3A_2472] {strides = array<i32>} : memref<128x128xf32, #tpu.memory_space<vmem>>, vector<1x16xf32>,
          %swap3A_2474 = vector.shape_cast %swap3A_2473 : vector<1x16xf32> to vector<16xf32>
          %swap3A_2475 = vector.shape_cast %mul3A_2466 : vector<16xf32> to vector<1x16xf32>
          tpu.vector_store %arg10[%swap3A_2471, %swap3A_2472], %swap3A_2475 {strides = array<i32>} : memref<128x128xf32, #tpu.memory_space<vmem>>, vector<1x16xf32>,
          %mul3A_2476 = arith.constant 16 : i32
          %mul3A_2477 = arith.muli %scan3A_66, %mul3A_2476 : i32
          %add3A_2478 = arith.constant 15 : i32
          %add3A_2479 = arith.addi %mul3A_2477, %add3A_2478 : i32
          %get3A_2480 = arith.index_cast %add3A_2479 : i32 to index
          %get3A_2481 = arith.constant 80 : index
          %get3A_2482 = tpu.vector_load %arg10[%get3A_2480, %get3A_2481] {strides = array<i32>} : memref<128x128xf32, #tpu.memory_space<vmem>>, vector<1x16xf32>,
          %get3A_2483 = vector.shape_cast %get3A_2482 : vector<1x16xf32> to vector<16xf32>
          %mul3A_2484 = vector.broadcast %squeeze3A_2380 : f32 to vector<16xf32>
          %mul3A_2485 = arith.mulf %get3A_2483, %mul3A_2484 : vector<16xf32>
          %mul3A_2486 = arith.constant 16 : i32
          %mul3A_2487 = arith.muli %scan3A_66, %mul3A_2486 : i32
          %add3A_2488 = arith.constant 15 : i32
          %add3A_2489 = arith.addi %mul3A_2487, %add3A_2488 : i32
          %swap3A_2490 = arith.index_cast %add3A_2489 : i32 to index
          %swap3A_2491 = arith.constant 80 : index
          %swap3A_2492 = tpu.vector_load %arg10[%swap3A_2490, %swap3A_2491] {strides = array<i32>} : memref<128x128xf32, #tpu.memory_space<vmem>>, vector<1x16xf32>,
          %swap3A_2493 = vector.shape_cast %swap3A_2492 : vector<1x16xf32> to vector<16xf32>
          %swap3A_2494 = vector.shape_cast %mul3A_2485 : vector<16xf32> to vector<1x16xf32>
          tpu.vector_store %arg10[%swap3A_2490, %swap3A_2491], %swap3A_2494 {strides = array<i32>} : memref<128x128xf32, #tpu.memory_space<vmem>>, vector<1x16xf32>,
          %mul3A_2495 = arith.constant 16 : i32
          %mul3A_2496 = arith.muli %scan3A_66, %mul3A_2495 : i32
          %add3A_2497 = arith.constant 15 : i32
          %add3A_2498 = arith.addi %mul3A_2496, %add3A_2497 : i32
          %get3A_2499 = arith.index_cast %add3A_2498 : i32 to index
          %get3A_2500 = arith.constant 96 : index
          %get3A_2501 = tpu.vector_load %arg10[%get3A_2499, %get3A_2500] {strides = array<i32>} : memref<128x128xf32, #tpu.memory_space<vmem>>, vector<1x16xf32>,
          %get3A_2502 = vector.shape_cast %get3A_2501 : vector<1x16xf32> to vector<16xf32>
          %mul3A_2503 = vector.broadcast %squeeze3A_2380 : f32 to vector<16xf32>
          %mul3A_2504 = arith.mulf %get3A_2502, %mul3A_2503 : vector<16xf32>
          %mul3A_2505 = arith.constant 16 : i32
          %mul3A_2506 = arith.muli %scan3A_66, %mul3A_2505 : i32
          %add3A_2507 = arith.constant 15 : i32
          %add3A_2508 = arith.addi %mul3A_2506, %add3A_2507 : i32
          %swap3A_2509 = arith.index_cast %add3A_2508 : i32 to index
          %swap3A_2510 = arith.constant 96 : index
          %swap3A_2511 = tpu.vector_load %arg10[%swap3A_2509, %swap3A_2510] {strides = array<i32>} : memref<128x128xf32, #tpu.memory_space<vmem>>, vector<1x16xf32>,
          %swap3A_2512 = vector.shape_cast %swap3A_2511 : vector<1x16xf32> to vector<16xf32>
          %swap3A_2513 = vector.shape_cast %mul3A_2504 : vector<16xf32> to vector<1x16xf32>
          tpu.vector_store %arg10[%swap3A_2509, %swap3A_2510], %swap3A_2513 {strides = array<i32>} : memref<128x128xf32, #tpu.memory_space<vmem>>, vector<1x16xf32>,
          %mul3A_2514 = arith.constant 16 : i32
          %mul3A_2515 = arith.muli %scan3A_66, %mul3A_2514 : i32
          %add3A_2516 = arith.constant 15 : i32
          %add3A_2517 = arith.addi %mul3A_2515, %add3A_2516 : i32
          %get3A_2518 = arith.index_cast %add3A_2517 : i32 to index
          %get3A_2519 = arith.constant 112 : index
          %get3A_2520 = tpu.vector_load %arg10[%get3A_2518, %get3A_2519] {strides = array<i32>} : memref<128x128xf32, #tpu.memory_space<vmem>>, vector<1x16xf32>,
          %get3A_2521 = vector.shape_cast %get3A_2520 : vector<1x16xf32> to vector<16xf32>
          %mul3A_2522 = vector.broadcast %squeeze3A_2380 : f32 to vector<16xf32>
          %mul3A_2523 = arith.mulf %get3A_2521, %mul3A_2522 : vector<16xf32>
          %mul3A_2524 = arith.constant 16 : i32
          %mul3A_2525 = arith.muli %scan3A_66, %mul3A_2524 : i32
          %add3A_2526 = arith.constant 15 : i32
          %add3A_2527 = arith.addi %mul3A_2525, %add3A_2526 : i32
          %swap3A_2528 = arith.index_cast %add3A_2527 : i32 to index
          %swap3A_2529 = arith.constant 112 : index
          %swap3A_2530 = tpu.vector_load %arg10[%swap3A_2528, %swap3A_2529] {strides = array<i32>} : memref<128x128xf32, #tpu.memory_space<vmem>>, vector<1x16xf32>,
          %swap3A_2531 = vector.shape_cast %swap3A_2530 : vector<1x16xf32> to vector<16xf32>
          %swap3A_2532 = vector.shape_cast %mul3A_2523 : vector<16xf32> to vector<1x16xf32>
          tpu.vector_store %arg10[%swap3A_2528, %swap3A_2529], %swap3A_2532 {strides = array<i32>} : memref<128x128xf32, #tpu.memory_space<vmem>>, vector<1x16xf32>,
        }
        %scan3A_65 = arith.constant 8 : i32
        "tpu.region"() ({
          %run_scoped3A = tpu.sem_alloc : memref<!tpu.dma_semaphore, #tpu.memory_space<semaphore_mem>>
          %dma_start3A_66 = arith.constant 0 : i32
          %dma_start3A_67 = tpu.memref_slice %arg8[%scan3A_49, %dma_start3A_66] : memref<8x128xi32, #tpu.memory_space<vmem>> -> memref<1x128xi32, #tpu.memory_space<vmem>>
          %dma_start3A_68 = tpu.memref_squeeze %dma_start3A_67 : memref<1x128xi32, #tpu.memory_space<vmem>> -> memref<128xi32, #tpu.memory_space<vmem>>
          %dma_start3A_69 = arith.constant 0 : i32
          %dma_start3A_70 = arith.constant 0 : i32
          %dma_start3A_71 = tpu.memref_slice %arg12[%dma_start3A_69, %dma_start3A_70] : memref<10112x128xf32, #tpu.memory_space<vmem_shared>> -> memref<10112x128xf32, #tpu.memory_space<vmem_shared>>
          tpu.enqueue_indirect_dma source(%arg10 : memref<128x128xf32, #tpu.memory_space<vmem>>) target(%dma_start3A_71 : memref<10112x128xf32, #tpu.memory_space<vmem_shared>>) offsets(%dma_start3A_68 : memref<128xi32, #tpu.memory_space<vmem>>) semaphore(%run_scoped3A : memref<!tpu.dma_semaphore, #tpu.memory_space<semaphore_mem>>) {add = true}
          %dma_wait3A_72 = arith.constant 0 : i32
          %dma_wait3A_73 = tpu.memref_slice %arg8[%scan3A_49, %dma_wait3A_72] : memref<8x128xi32, #tpu.memory_space<vmem>> -> memref<1x128xi32, #tpu.memory_space<vmem>>
          %dma_wait3A_74 = tpu.memref_squeeze %dma_wait3A_73 : memref<1x128xi32, #tpu.memory_space<vmem>> -> memref<128xi32, #tpu.memory_space<vmem>>
          %dma_wait3A_75 = arith.constant 0 : i32
          %dma_wait3A_76 = arith.constant 0 : i32
          %dma_wait3A_77 = tpu.memref_slice %arg12[%dma_wait3A_75, %dma_wait3A_76] : memref<10112x128xf32, #tpu.memory_space<vmem_shared>> -> memref<10112x128xf32, #tpu.memory_space<vmem_shared>>
          tpu.wait_indirect_dma semaphore(%run_scoped3A : memref<!tpu.dma_semaphore, #tpu.memory_space<semaphore_mem>>) src(%arg10 : memref<128x128xf32, #tpu.memory_space<vmem>>) dst(%dma_wait3A_77 : memref<10112x128xf32, #tpu.memory_space<vmem_shared>>)
          tpu.yield
        }) : () -> ()
      }
      %scan3A_48 = arith.constant 8 : i32
    }
    %scan3A_34 = arith.constant 10 : i32
    %barrier3A_35 = arith.constant 0 : index
    tpu.barrier barrier_id(%barrier3A_35)
    "tpu.region"() ({
      %run_scoped3A = tpu.sem_alloc : memref<!tpu.dma_semaphore, #tpu.memory_space<semaphore_mem>>
      %dma_start3A = arith.constant 0 : i32
      %dma_start3A_36 = tpu.memref_slice %arg6[%arg0, %mul3A_2, %dma_start3A] : memref<2x10112x128xf32, #tpu.memory_space<hbm>> -> memref<1x632x128xf32, #tpu.memory_space<hbm>>
      %dma_start3A_37 = tpu.memref_squeeze %dma_start3A_36 : memref<1x632x128xf32, #tpu.memory_space<hbm>> -> memref<632x128xf32, #tpu.memory_space<hbm>>
      %dma_start3A_38 = arith.constant 0 : i32
      %dma_start3A_39 = tpu.memref_slice %arg12[%mul3A_2, %dma_start3A_38] : memref<10112x128xf32, #tpu.memory_space<vmem_shared>> -> memref<632x128xf32, #tpu.memory_space<vmem_shared>>
      tpu.enqueue_dma source(%dma_start3A_39 : memref<632x128xf32, #tpu.memory_space<vmem_shared>>) target(%dma_start3A_37 : memref<632x128xf32, #tpu.memory_space<hbm>>) target_semaphore(%run_scoped3A : memref<!tpu.dma_semaphore, #tpu.memory_space<semaphore_mem>>)
      %dma_wait3A = arith.constant 0 : i32
      %dma_wait3A_40 = tpu.memref_slice %arg6[%arg0, %mul3A_2, %dma_wait3A] : memref<2x10112x128xf32, #tpu.memory_space<hbm>> -> memref<1x632x128xf32, #tpu.memory_space<hbm>>
      %dma_wait3A_41 = tpu.memref_squeeze %dma_wait3A_40 : memref<1x632x128xf32, #tpu.memory_space<hbm>> -> memref<632x128xf32, #tpu.memory_space<hbm>>
      %dma_wait3A_42 = arith.constant 0 : i32
      %dma_wait3A_43 = tpu.memref_slice %arg12[%mul3A_2, %dma_wait3A_42] : memref<10112x128xf32, #tpu.memory_space<vmem_shared>> -> memref<632x128xf32, #tpu.memory_space<vmem_shared>>
      tpu.wait_dma2 semaphore(%run_scoped3A : memref<!tpu.dma_semaphore, #tpu.memory_space<semaphore_mem>>) src(%dma_wait3A_43 : memref<632x128xf32, #tpu.memory_space<vmem_shared>>) dst(%dma_wait3A_41 : memref<632x128xf32, #tpu.memory_space<hbm>>)
      tpu.yield
    }) : () -> ()
    return
  }
}

module attributes {stable_mosaic.version = 14 : i64} {
  func.func @_final_body(%arg0: i32, %arg1: memref<2x1000x128xf32, #tpu.memory_space<vmem>>, %arg2: memref<1x128xf32, #tpu.memory_space<vmem>>, %arg3: memref<1000x128xf32, #tpu.memory_space<vmem>>) attributes {dimension_semantics = [#tpu.dimension_semantics<arbitrary>], iteration_bounds = array<i64: 10>, scalar_prefetch = 0 : i64, scratch_operands = 0 : i64, tpu.core_type = #tpu.core_type<tc>, window_params = [{transform_indices = @transform_0, window_bounds = array<i64: 2, 1000, 128>}, {pipeline_mode = #tpu.pipeline_mode<synchronous>, transform_indices = @transform_1, window_bounds = array<i64: 1, 128>}, {transform_indices = @transform_2, window_bounds = array<i64: 1000, 128>}]} {
    %get3A = arith.constant 0 : index
    %get3A_0 = arith.constant 0 : index
    %get3A_1 = arith.constant 0 : index
    %get3A_2 = vector.load %arg1[%get3A, %get3A_0, %get3A_1] : memref<2x1000x128xf32, #tpu.memory_space<vmem>>, vector<1x1000x128xf32>
    %get3A_3 = vector.shape_cast %get3A_2 : vector<1x1000x128xf32> to vector<1000x128xf32>
    %get3A_4 = arith.constant 1 : index
    %get3A_5 = arith.constant 0 : index
    %get3A_6 = arith.constant 0 : index
    %get3A_7 = vector.load %arg1[%get3A_4, %get3A_5, %get3A_6] : memref<2x1000x128xf32, #tpu.memory_space<vmem>>, vector<1x1000x128xf32>
    %get3A_8 = vector.shape_cast %get3A_7 : vector<1x1000x128xf32> to vector<1000x128xf32>
    %add3A = arith.addf %get3A_3, %get3A_8 : vector<1000x128xf32>
    %get3A_9 = arith.constant 0 : index
    %get3A_10 = arith.constant 0 : index
    %get3A_11 = vector.load %arg2[%get3A_9, %get3A_10] : memref<1x128xf32, #tpu.memory_space<vmem>>, vector<1x128xf32>
    %add3A_12 = vector.broadcast %get3A_11 : vector<1x128xf32> to vector<1000x128xf32>
    %add3A_13 = arith.addf %add3A, %add3A_12 : vector<1000x128xf32>
    %swap3A = arith.constant 0 : index
    %swap3A_14 = arith.constant 0 : index
    %swap3A_15 = vector.load %arg3[%swap3A, %swap3A_14] : memref<1000x128xf32, #tpu.memory_space<vmem>>, vector<1000x128xf32>
    tpu.vector_store %arg3[%swap3A, %swap3A_14], %add3A_13 {strides = array<i32>} : memref<1000x128xf32, #tpu.memory_space<vmem>>, vector<1000x128xf32>,
    return
  }
  func.func @transform_0(%arg0: i32) -> (i32, i32, i32) {
    %c0_i32 = arith.constant 0 : i32
    %c0_i32_0 = arith.constant 0 : i32
    %c0_i32_1 = arith.constant 0 : i32
    return %c0_i32, %arg0, %c0_i32_0 : i32, i32, i32
  }
  func.func @transform_1(%arg0: i32) -> (i32, i32) {
    %c0_i32 = arith.constant 0 : i32
    %c0_i32_0 = arith.constant 0 : i32
    %c0_i32_1 = arith.constant 0 : i32
    return %c0_i32, %c0_i32_0 : i32, i32
  }
  func.func @transform_2(%arg0: i32) -> (i32, i32) {
    %c0_i32 = arith.constant 0 : i32
    %c0_i32_0 = arith.constant 0 : i32
    return %arg0, %c0_i32 : i32, i32
  }
}

module attributes {stable_mosaic.version = 14 : i64} {
  func.func @_linear_body(%arg0: i32, %arg1: memref<1000x128xf32, #tpu.memory_space<vmem>>, %arg2: memref<128x128xf32, #tpu.memory_space<vmem>>, %arg3: memref<1x128xf32, #tpu.memory_space<vmem>>, %arg4: memref<1000x128xf32, #tpu.memory_space<vmem>>) attributes {dimension_semantics = [#tpu.dimension_semantics<arbitrary>], iteration_bounds = array<i64: 10>, scalar_prefetch = 0 : i64, scratch_operands = 0 : i64, tpu.core_type = #tpu.core_type<tc>, window_params = [{transform_indices = @transform_0, window_bounds = array<i64: 1000, 128>}, {pipeline_mode = #tpu.pipeline_mode<synchronous>, transform_indices = @transform_1, window_bounds = array<i64: 128, 128>}, {pipeline_mode = #tpu.pipeline_mode<synchronous>, transform_indices = @transform_2, window_bounds = array<i64: 1, 128>}, {transform_indices = @transform_3, window_bounds = array<i64: 1000, 128>}]} {
    %get3A = arith.constant 0 : index
    %get3A_0 = arith.constant 0 : index
    %get3A_1 = vector.load %arg1[%get3A, %get3A_0] : memref<1000x128xf32, #tpu.memory_space<vmem>>, vector<1000x128xf32>
    %get3A_2 = arith.constant 0 : index
    %get3A_3 = arith.constant 0 : index
    %get3A_4 = vector.load %arg2[%get3A_2, %get3A_3] : memref<128x128xf32, #tpu.memory_space<vmem>>, vector<128x128xf32>
    %dot_general3A = arith.constant dense<0.000000e+00> : vector<1000x128xf32>
    %dot_general3A_5 = tpu.matmul %get3A_1, %get3A_4, %dot_general3A {dimension_numbers = #tpu.dot_dimension_numbers<[1], [1], [0], [0], [0, 0, 1, 0], [], []>, transpose_lhs_hint = false} : vector<1000x128xf32>, vector<128x128xf32>, vector<1000x128xf32> -> vector<1000x128xf32>
    %get3A_6 = arith.constant 0 : index
    %get3A_7 = arith.constant 0 : index
    %get3A_8 = vector.load %arg3[%get3A_6, %get3A_7] : memref<1x128xf32, #tpu.memory_space<vmem>>, vector<1x128xf32>
    %add3A = vector.broadcast %get3A_8 : vector<1x128xf32> to vector<1000x128xf32>
    %add3A_9 = arith.addf %dot_general3A_5, %add3A : vector<1000x128xf32>
    %swap3A = arith.constant 0 : index
    %swap3A_10 = arith.constant 0 : index
    %swap3A_11 = vector.load %arg4[%swap3A, %swap3A_10] : memref<1000x128xf32, #tpu.memory_space<vmem>>, vector<1000x128xf32>
    tpu.vector_store %arg4[%swap3A, %swap3A_10], %add3A_9 {strides = array<i32>} : memref<1000x128xf32, #tpu.memory_space<vmem>>, vector<1000x128xf32>,
    return
  }
  func.func @transform_0(%arg0: i32) -> (i32, i32) {
    %c0_i32 = arith.constant 0 : i32
    %c0_i32_0 = arith.constant 0 : i32
    return %arg0, %c0_i32 : i32, i32
  }
  func.func @transform_1(%arg0: i32) -> (i32, i32) {
    %c0_i32 = arith.constant 0 : i32
    %c0_i32_0 = arith.constant 0 : i32
    %c0_i32_1 = arith.constant 0 : i32
    return %c0_i32, %c0_i32_0 : i32, i32
  }
  func.func @transform_2(%arg0: i32) -> (i32, i32) {
    %c0_i32 = arith.constant 0 : i32
    %c0_i32_0 = arith.constant 0 : i32
    %c0_i32_1 = arith.constant 0 : i32
    return %c0_i32, %c0_i32_0 : i32, i32
  }
  func.func @transform_3(%arg0: i32) -> (i32, i32) {
    %c0_i32 = arith.constant 0 : i32
    %c0_i32_0 = arith.constant 0 : i32
    return %arg0, %c0_i32 : i32, i32
  }
}

</mosaic_0001>

<sc_bundles>
// kernel: kernel.5.cloned.1.call-start
scs
__scs_entry_jumppad:
0x0: {  	(pc) =	sbr.rel $0x88, $3  }
0x1: {  	(tag) =	ssettag $0x0;
	lr =	simm.s32 $0x1  }
0x2: {  	[smem:$0x3F9B] =	sst lr;
	_ =	strace $0xD0000000  }
0x3: {  	_ = 	snop  }
0x4: {  	_ = 	snop  }
0x5: {  	_ = 	snop  }
0x6: {  	_ = 	snop  }
0x7: {  	_ = 	snop  }
__scs_overlays_trampoline_lowered:
0x8: {  	[smem:$0x3FAA] =	sst s0  }
0x9: {  	[smem:$0x3FAB] =	sst s1  }
0xa: {  	[smem:$0x3FAC] =	sst s2  }
0xb: {  	[smem:$0x3FAD] =	sst s3  }
0xc: {  	[smem:$0x3FAE] =	sst s4  }
0xd: {  	[smem:$0x3FAF] =	sst s5  }
0xe: {  	[smem:$0x3FB0] =	sst s6  }
0xf: {  	[smem:$0x3FB1] =	sst s7  }
0x10: {  	[smem:$0x3FB2] =	sst s8  }
0x11: {  	[smem:$0x3FB3] =	sst s9;
	s0 =	simm.s32 @!p0 $0x0  }
0x12: {  	s1 =	sld [smem:$0x3F99];
	s0 =	simm.s32 @p0 $0x1  }
0x13: {  	[smem:$0x3FB4] =	sst s0;
	s0 =	simm.s32 @!p1 $0x0  }
0x14: {  	s2 =	sld [smem:$0x3F98];
	s0 =	simm.s32 @p1 $0x1  }
0x15: {  	[smem:$0x3FB5] =	sst s0;
	s0 =	simm.s32 @!p2 $0x0  }
0x16: {  	s3 =	sld [smem:$0x3FDB];
	s0 =	simm.s32 @p2 $0x1  }
0x17: {  	s4 =	simm.s32 $0x1BF5;
	[smem:$0x3FB7] =	sst s0  }
0x18: {  	s0 =	sld [smem:$0x3F9A];
	_ =	swait.ge [sflag:s4], $0x0  }
0x19: {  	s7 =	sld [smem:$0x3F9B]  }
0x1a: {  	s8 =	sadd.s32 $0xFFFFE003, lr  }
0x1b: {  	s9 =	sadd.s32 $0xFFFFFEF7, lr;
	s5 =	simm.s32 $0xFFFFFFFF;
	p2 =	slt.u32 s8, $0xFFFFF086  }
0x1c: {  	p1 =	slt.u32 s9, $0xF7A;
	s5 =	simm.s32 @!p2 $0x0  }
0x1d: {  	s5 =	simm.s32 @p1 $0x1;
	p0 =	seq.s32 s7, s2  }
0x1e: {  	s7 =	smul.u32 @!p0 $0xF7A, s2;
	p2 =	seq.s32 @!p0 s5, $0x0  }
0x1f: {  	s9 =	smul.u32 $0xF7A, s1;
	s8 =	simm.s32 @!p0 $0x1BF5;
	p2 =	por !p2, p0  }
0x20: {  	[sflag:s8] =	ssyncset.s32 @!p0 $0xFFFFF086;
	s6 =	sadd.s32 @!p0 s3, s7;
	s7 =	simm.s32 @!p0 $0x108  }
0x21: {  	s3 =	sadd.s32 s3, s9;
	s6 =	sadd.s32 @!p0 $0x88, s6;
	s7 =	simm.s32 @p2 $0x1082  }
0x22: {  	[simem:s7], [sflag:s8] =	dma.local @!p0 [hbm:s6], $0xF7A  }
0x23: {  	s9 =	sor.u32 $0xD0000000, s2;
	s6 =	simm.s32 $0x108;
	_ =	swait.ge @!p0 [sflag:s8], $0x0  }
0x24: {  	s3 =	sadd.s32 $0x88, s3;
	s6 =	simm.s32 @!p1 $0x1082;
	[sflag:s4] =	ssyncset.s32 $0xFFFFF086  }
0x25: {  	[simem:s6], [sflag:s4] =	dma.local [hbm:s3], $0xF7A  }
0x26: {  	[smem:$0x3F9B] =	sst s1;
	(tag) =	ssettag s2;
	_ =	strace s9  }
0x27: {  	s1 =	sld [smem:$0x3FAB]  }
0x28: {  	s2 =	sld [smem:$0x3FAC]  }
0x29: {  	s4 =	sld [smem:$0x3FAE]  }
0x2a: {  	p0 =	seq.s32 s5, $0x0;
	s5 =	sld [smem:$0x3FAF]  }
0x2b: {  	s6 =	sld [smem:$0x3FB0]  }
0x2c: {  	s7 =	sld [smem:$0x3FB1]  }
0x2d: {  	s3 =	simm.s32 $0x108;
	s8 =	sld [smem:$0x3FB2]  }
0x2e: {  	s3 =	simm.s32 @!p0 $0x1082;
	s9 =	sld [smem:$0x3FB3]  }
0x2f: {  	lr =	sadd.s32 s0, s3;
	s0 =	sld [smem:$0x3FAA]  }
0x30: {  	s3 =	sld [smem:$0x3FAD]  }
0x31: {  	[smem:$0x3FB6] =	sst s10  }
0x32: {  	s10 =	sld [smem:$0x3FB4];
	_ =	sdelay $0x3  }
0x33: {  	p0 =	seq.s32 s10, $0x1;
	s10 =	sld [smem:$0x3FB6];
	_ =	sdelay $0x3  }
0x34: {  	[smem:$0x3FB6] =	sst s10  }
0x35: {  	s10 =	sld [smem:$0x3FB5];
	_ =	sdelay $0x3  }
0x36: {  	p1 =	seq.s32 s10, $0x1;
	s10 =	sld [smem:$0x3FB6];
	_ =	sdelay $0x3  }
0x37: {  	[smem:$0x3FB6] =	sst s10  }
0x38: {  	s10 =	sld [smem:$0x3FB7]  }
0x39: {  	_ = 	snop;
	(pc) =	sbr.ind lr, $3  }
0x3a: {  	_ = 	snop  }
0x3b: {  	_ = 	snop  }
0x3c: {  	p2 =	seq.s32 s10, $0x1;
	s10 =	sld [smem:$0x3FB6]  }
0x3d: {  	_ =	shalt  }
0x3e: {  	_ =	shalt  }
0x3f: {  	_ =	shalt  }
0x40: {  	_ =	shalt  }
0x41: {  	_ =	shalt  }
0x42: {  	_ =	shalt  }
0x43: {  	_ =	shalt  }
0x44: {  	_ =	shalt  }
0x45: {  	_ =	shalt  }
0x46: {  	_ =	shalt  }
0x47: {  	_ =	shalt  }
0x48: {  	_ =	shalt  }
0x49: {  	_ =	shalt  }
0x4a: {  	_ =	shalt  }
0x4b: {  	_ =	shalt  }
0x4c: {  	_ =	shalt  }
0x4d: {  	_ =	shalt  }
0x4e: {  	_ =	shalt  }
0x4f: {  	_ =	shalt  }
0x50: {  	_ =	shalt  }
0x51: {  	_ =	shalt  }
0x52: {  	_ =	shalt  }
0x53: {  	_ =	shalt  }
0x54: {  	_ =	shalt  }
0x55: {  	_ =	shalt  }
0x56: {  	_ =	shalt  }
0x57: {  	_ =	shalt  }
0x58: {  	_ =	shalt  }
0x59: {  	_ =	shalt  }
0x5a: {  	_ =	shalt  }
0x5b: {  	_ =	shalt  }
0x5c: {  	_ =	shalt  }
0x5d: {  	_ =	shalt  }
0x5e: {  	_ =	shalt  }
0x5f: {  	_ =	shalt  }
0x60: {  	_ =	shalt  }
0x61: {  	_ =	shalt  }
0x62: {  	_ =	shalt  }
0x63: {  	_ =	shalt  }
0x64: {  	_ =	shalt  }
0x65: {  	_ =	shalt  }
0x66: {  	_ =	shalt  }
0x67: {  	_ =	shalt  }
0x68: {  	_ =	shalt  }
0x69: {  	_ =	shalt  }
0x6a: {  	_ =	shalt  }
0x6b: {  	_ =	shalt  }
0x6c: {  	_ =	shalt  }
0x6d: {  	_ =	shalt  }
0x6e: {  	_ =	shalt  }
0x6f: {  	_ =	shalt  }
0x70: {  	_ =	shalt  }
0x71: {  	_ =	shalt  }
0x72: {  	_ =	shalt  }
0x73: {  	_ =	shalt  }
0x74: {  	_ =	shalt  }
0x75: {  	_ =	shalt  }
0x76: {  	_ =	shalt  }
0x77: {  	_ =	shalt  }
0x78: {  	_ =	shalt  }
0x79: {  	_ =	shalt  }
0x7a: {  	_ =	shalt  }
0x7b: {  	_ =	shalt  }
0x7c: {  	_ =	shalt  }
0x7d: {  	_ =	shalt  }
0x7e: {  	_ =	shalt  }
0x7f: {  	_ =	shalt  }
0x80: {  	_ =	shalt  }
0x81: {  	_ =	shalt  }
0x82: {  	_ =	shalt  }
0x83: {  	_ =	shalt  }
0x84: {  	_ =	shalt  }
0x85: {  	_ =	shalt  }
0x86: {  	_ =	shalt  }
0x87: {  	_ =	shalt  }
.Lfunc_end0:
.L_simem_size_0:
called_computation_lowered:
.L_overlay_start_0:
0x88: {  	s2 =	sld [smem:$0x3FD9]  }
0x89: {  	s3 =	sld [smem:$0x3FFE];
	_ =	sdelay $0x1  }
0x8a: {  	s1 =	srdreg.scid  }
0x8b: {  	s0 =	sand.u32 $0x1, s1  }
0x8c: {  	s17 =	sshll.u32 s0, $0xA;
	s2 =	sadd.s32 s3, s2  }
0x8d: {  	s2 =	sadd.s32 s2, s17  }
0x8e: {  	[smem:$0x3FC2] =	sst s2  }
0x8f: {  	_ = 	snop  }
0x90: {  	s2 =	sld [smem:$0x3FD0];
	(tm) =	ssettm $0x1  }
0x91: {  	s18 =	sld [smem:$0x3FFB];
	_ =	sdelay $0x3  }
0x92: {  	_ =	strace s18  }
0x93: {  	s3 =	sld [smem:$0x3FFC];
	_ =	sdelay $0x3  }
0x94: {  	_ =	strace s3  }
0x95: {  	s3 =	sld [smem:$0x3FFD];
	_ =	sdelay $0x3  }
0x96: {  	_ =	strace s3  }
0x97: {  	_ =	strace $0x8FFFFFFF  }
0x98: {  	s19 =	sld [smem:$0x3FDB];
	_ =	sdelay $0x1  }
0x99: {  	s4 =	simm.s32 $_scs_section_size  }
0x9a: {  	s5 =	simm.s32 $_size__tile_overlayer_lowered;
	s6 =	simm.s32 $_tile_overlayer_lowered  }
0x9b: {  	s22 =	simm.s32 $0x1BFF;
	s21 =	sshll.u32 s6, $0x1;
	s3 =	sadd.s32 s4, s19  }
0x9c: {  	s7 =	simm.s32 $0x0;
	s20 =	sshll.u32 s5, $0x1;
	s5 =	sadd.s32 s21, s3  }
0x9d: {  	[timem:s7], [sflag:s22] =	dma.local [hbm:s5], s20  }
0x9e: {  	_ =	swait.ge [sflag:s22], s20  }
0x9f: {  	s4 =	ssub.s32 $0x0, s20;
	[sflag:s22] =	ssyncset.done $0x0  }
0xa0: {  	[sflag:s22] =	ssyncadd.s32 s4;
	_ =	sdelay $0x1  }
0xa1: {  	s23 =	simm.s32 $0x1B8B  }
0xa2: {  	_ =	swait.ge [sflag:s23], $0x1  }
0xa3: {  	[sflag:s23] =	ssyncset.done $0x0  }
0xa4: {  	s25 =	simm.s32 $0x1B8E;
	s24 =	sld [smem:$0x3FFE];
	[sflag:s23] =	ssyncadd.s32 $0xFFFFFFFF  }
0xa5: {  	s26 =	simm.s32 $execute0_lowered;
	[smem:$0x3FD2] =	sst s25  }
0xa6: {  	s5 =	sshll.u32 s26, $0x1;
	_ =	strace $0x80000046;
	[dreg:$0x1] =	wrdreg $0xFFFFFFFF  }
0xa7: {  	s28 =	simm.s32 $_size_execute0_lowered;
	s3 =	sadd.s32 s3, s5;
	[dreg:$0x0] =	wrdreg $0x0  }
0xa8: {  	s5 =	sshll.u32 s28, $0x1;
	[dreg:$0x2] =	wrdreg s3  }
0xa9: {  	[dreg:$0x3] =	wrdreg s5  }
0xaa: {  	[dreg:$0x4] =	wrdreg $0xC0  }
0xab: {  	_ =	task [dreg:s7], $0x5FFFF  }
0xac: {  	[dreg:$0x1] =	wrdreg $0xFFFFFFFF  }
0xad: {  	[dreg:$0x0] =	wrdreg $0x60  }
0xae: {  	[dreg:$0x2] =	wrdreg s2  }
0xaf: {  	[dreg:$0x3] =	wrdreg s24  }
0xb0: {  	[dreg:$0x4] =	wrdreg $0x6C000  }
0xb1: {  	[dreg:$0x5] =	wrdreg $0x9  }
0xb2: {  	_ =	task.clear_ibuf [dreg:s7], $0x6FFFF;
	_ =	strace $0x90000046  }
0xb3: {  	s29 =	simm.s32 $0x9;
	_ =	strace $0x80000048  }
0xb4: {  	_ =	swait.ge [sflag:s29], $0x1  }
0xb5: {  	[sflag:s29] =	ssyncadd.s32 $0xFFFFFFFF  }
0xb6: {  	_ =	strace $0x90000048  }
0xb7: {  	_ =	sfence  }
0xb8: {  	s30 =	sld [smem:$0x0];
	_ =	sdelay $0x2  }
0xb9: {  	s31 =	sshll.u32 s1, $0xD;
	s1 =	sshrl.u32 s1, $0x2  }
0xba: {  	s3 =	sand.u32 $0x4000, s31;
	s1 =	sadd.s32 s1, s30  }
0xbb: {  	s0 =	sor.u32 s3, s0;
	s1 =	sshll.u32 s1, $0x11  }
0xbc: {  	s0 =	sor.u32 s1, s0  }
0xbd: {  	s0 =	sadd.s32 $0x8F2B, s0  }
0xbe: {  	[sflag:s0] =	ssyncadd.remote.s32 $0x1  }
0xbf: {  	_ =	sfence.sel $0xFFFF  }
0xc0: {  	[dreg:$0x0] =	wrdreg $0xFFFFFFFF;
	(pc) =	sbr.abs _section_cstart, $3  }
0xc1: {  	[dreg:$0x1] =	wrdreg $0xFFFFFFFF  }
0xc2: {  	_ =	task.clear_ibuf [dreg:s7], $0x2FFFF;
	_ =	strace $0x9FFFFFFF  }
0xc3: {  	(tm) =	ssettm $0x7FFFFFFF  }
tec
execute0_lowered:
.L_overlay_start_1:
0x0: {  	(tag) =	ssettag $0x1  }
0x1: {  	s1 =	rddreg [dreg:$0x0]  }
0x2: {  	s0 =	rddreg [dreg:$0x1]  }
0x3: {  	s2 =	rddreg [dreg:$0x2];
	s3 =	srdreg.scid;
	s4 =	simm.s32 $0x0  }
0x4: {  	s11 =	stileid.u32;
	s21 =	simm.s32 $0x4C00;
	s22 =	simm.s32 $0x2  }
0x5: {  	s23 =	simm.s32 $0x400;
	s24 =	simm.s32 $0x800;
	s28 =	simm.s32 $0x1  }
0x6: {  	s29 =	simm.s32 $0x0;
	s3 =	sand.u32 $0x1, s3;
	s7 =	smul.u32 $0x13C00, s11  }
0x7: {  	[smem:$0x7FF] =	sst s4;
	s5 =	sadd.s32 $0xB000, s0;
	s9 =	smul.u32 $0x4F000, s11  }
0x8: {  	s6 =	smul.u32 $0x13C000, s3;
	_ =	strace $0x80000047;
	s10 =	ssub.s32 $0x2, s3  }
0x9: {  	s3 =	sshll.u32 s3, $0x4;
	s25 =	sshrl.u32 s9, $0x2;
	s26 =	sshrl.u32 s10, $0x1  }
0xa: {  	s3 =	sor.u32 s11, s3;
	s8 =	sadd.s32 s7, s6;
	s6 =	sadd.s32 $0x1000, s0  }
0xb: {  	s7 =	sadd.s32 $0x15000, s0;
	s9 =	ssub.s32 s10, s26;
	s18 =	smul.u32 $0x2800, s3  }
0xc: {  	s26 =	simm.s32 $0xC00;
	s8 =	sshrl.u32 s8, $0x3;
	s20 =	smax.u32 s9, $0x1  }
0xd: {  	s0 =	sadd.s32 s8, s0;
	s8 =	sadd.s32 s25, s2;
	s25 =	simm.s32 $0x80  }
0xe: {  	s30 =	sadd.s32 $0x2000, s8;
	s31 =	sadd.s32 $0x4000, s8;
	s11 =	sadd.s32 $0x6000, s8  }
0xf: {  	s12 =	sadd.s32 $0x8000, s8;
	s13 =	sadd.s32 $0xA000, s8;
	s14 =	sadd.s32 $0xC000, s8  }
0x10: {  	s15 =	sadd.s32 $0xE000, s8;
	s16 =	sadd.s32 $0x10000, s8;
	[dreg:$0x4] =	wrdreg s30  }
0x11: {  	v0 =	vimm.f32 $0.0e+00;
	s17 =	sadd.s32 $0x12000, s8;
	s19 =	sadd.s32 $0x1F000, s0;
	[dreg:$0x5] =	wrdreg s31  }
.LBB2_1:
0x12: {  	s0 =	simm.s32 $0x0;
	s3 =	simm.s32 $0x200  }
.LBB2_2:
0x13: {  	p0 =	sne.s32 s3, $0x7E00;
	[tilespmem:s0+$0x4C70] =	vst v0  }
0x14: {  	[tilespmem:s0+$0x4C00] =	vst v0  }
0x15: {  	[tilespmem:s0+$0x4C10] =	vst v0  }
.Ltmp0:
0x16: {  	[tilespmem:s0+$0x4C20] =	vst v0;
	(pc) =	sbr.rel @p0 .LBB2_2-.Ltmp0, $4  }
0x17: {  	[tilespmem:s0+$0x4C30] =	vst v0  }
0x18: {  	[tilespmem:s0+$0x4C40] =	vst v0  }
0x19: {  	[tilespmem:s0+$0x4C50] =	vst v0  }
0x1a: {  	[tilespmem:s0+$0x4C60] =	vst v0;
	s0 =	sshra.s32 s3, $0x2;
	s3 =	sadd.s32 $0x200, s3  }
0x1b: {  	[tilespmem:s0+$0x4C70] =	vst v0  }
0x1c: {  	[tilespmem:s0+$0x4C00] =	vst v0  }
0x1d: {  	[tilespmem:s0+$0x4C10] =	vst v0  }
0x1e: {  	[tilespmem:s0+$0x4C20] =	vst v0  }
0x1f: {  	[tilespmem:s0+$0x4C30] =	vst v0  }
0x20: {  	[tilespmem:s0+$0x4C40] =	vst v0  }
0x21: {  	[tilespmem:s0+$0x4C50] =	vst v0  }
0x22: {  	[tilespmem:s0+$0x4C60] =	vst v0  }
0x23: {  	[spmem:s8] =	stream.linear.scatter [tilespmem:s21], [sflag:$0x2], $0x2000, $0x38;
	[tilespmem:$0x1A800] =	vst v63  }
0x24: {  	_ =	swait.ge [sflag:s22], $0x2000  }
0x25: {  	[sflag:s22] =	ssyncset.done $0x0  }
0x26: {  	s10 =	rddreg [dreg:$0x4];
	[sflag:s22] =	ssyncadd.s32 $0xFFFFE000  }
0x27: {  	[spmem:s10] =	stream.linear.scatter [tilespmem:s21], [sflag:$0x2], $0x2000, $0x38;
	[tilespmem:$0x1A800] =	vst v63  }
0x28: {  	_ =	swait.ge [sflag:s22], $0x2000  }
0x29: {  	[sflag:s22] =	ssyncset.done $0x0  }
0x2a: {  	s31 =	rddreg [dreg:$0x5];
	[sflag:s22] =	ssyncadd.s32 $0xFFFFE000  }
0x2b: {  	[spmem:s31] =	stream.linear.scatter [tilespmem:s21], [sflag:$0x2], $0x2000, $0x38;
	[tilespmem:$0x1A800] =	vst v63  }
0x2c: {  	_ =	swait.ge [sflag:s22], $0x2000  }
0x2d: {  	[sflag:s22] =	ssyncset.done $0x0  }
0x2e: {  	[sflag:s22] =	ssyncadd.s32 $0xFFFFE000  }
0x2f: {  	[spmem:s11] =	stream.linear.scatter [tilespmem:s21], [sflag:$0x2], $0x2000, $0x38;
	[tilespmem:$0x1A800] =	vst v63  }
0x30: {  	_ =	swait.ge [sflag:s22], $0x2000  }
0x31: {  	[sflag:s22] =	ssyncset.done $0x0  }
0x32: {  	[sflag:s22] =	ssyncadd.s32 $0xFFFFE000  }
0x33: {  	[spmem:s12] =	stream.linear.scatter [tilespmem:s21], [sflag:$0x2], $0x2000, $0x38;
	[tilespmem:$0x1A800] =	vst v63  }
0x34: {  	_ =	swait.ge [sflag:s22], $0x2000  }
0x35: {  	[sflag:s22] =	ssyncset.done $0x0  }
0x36: {  	[sflag:s22] =	ssyncadd.s32 $0xFFFFE000  }
0x37: {  	[spmem:s13] =	stream.linear.scatter [tilespmem:s21], [sflag:$0x2], $0x2000, $0x38;
	[tilespmem:$0x1A800] =	vst v63  }
0x38: {  	_ =	swait.ge [sflag:s22], $0x2000  }
0x39: {  	[sflag:s22] =	ssyncset.done $0x0  }
0x3a: {  	[sflag:s22] =	ssyncadd.s32 $0xFFFFE000  }
0x3b: {  	[spmem:s14] =	stream.linear.scatter [tilespmem:s21], [sflag:$0x2], $0x2000, $0x38;
	[tilespmem:$0x1A800] =	vst v63  }
0x3c: {  	_ =	swait.ge [sflag:s22], $0x2000  }
0x3d: {  	[sflag:s22] =	ssyncset.done $0x0  }
0x3e: {  	[sflag:s22] =	ssyncadd.s32 $0xFFFFE000  }
0x3f: {  	[spmem:s15] =	stream.linear.scatter [tilespmem:s21], [sflag:$0x2], $0x2000, $0x38;
	[tilespmem:$0x1A800] =	vst v63  }
0x40: {  	_ =	swait.ge [sflag:s22], $0x2000  }
0x41: {  	[sflag:s22] =	ssyncset.done $0x0  }
0x42: {  	[sflag:s22] =	ssyncadd.s32 $0xFFFFE000  }
0x43: {  	[spmem:s16] =	stream.linear.scatter [tilespmem:s21], [sflag:$0x2], $0x2000, $0x38;
	[tilespmem:$0x1A800] =	vst v63  }
0x44: {  	_ =	swait.ge [sflag:s22], $0x2000  }
0x45: {  	[sflag:s22] =	ssyncset.done $0x0  }
0x46: {  	[sflag:s22] =	ssyncadd.s32 $0xFFFFE000  }
0x47: {  	[spmem:s17] =	stream.linear.scatter [tilespmem:s21], [sflag:$0x2], $0x1C00, $0x38;
	[tilespmem:$0x1A800] =	vst v63  }
0x48: {  	_ =	swait.ge [sflag:s22], $0x1C00  }
0x49: {  	[sflag:s22] =	ssyncset.done $0x0  }
0x4a: {  	[sflag:s22] =	ssyncadd.s32 $0xFFFFE400  }
0x4b: {  	s30 =	simm.s32 $0x0;
	[bflag:$0x0] =	sbarrier.arrive $0xFFFF  }
.LBB2_4:
0x4c: {  	s0 =	sshll.u32 s30, $0xA  }
0x4d: {  	s0 =	sadd.s32 s18, s0  }
0x4e: {  	s0 =	sshrl.u32 s0, $0x3  }
0x4f: {  	s3 =	sadd.s32 s5, s0  }
0x50: {  	[tilespmem:s29], [sflag:$0x2] =	stream.linear.gather [hbm4b:s3+s29], $0x400, $0x38;
	[tilespmem:$0x1A800] =	vst v63  }
0x51: {  	_ =	swait.ge [sflag:s22], $0x400  }
0x52: {  	[sflag:s22] =	ssyncset.done $0x0  }
0x53: {  	s10 =	sadd.s32 s6, s0;
	[sflag:s22] =	ssyncadd.s32 $0xFFFFFC00  }
0x54: {  	[tilespmem:s23], [sflag:$0x2] =	stream.linear.gather [hbm4b:s10+s29], $0x400, $0x38;
	[tilespmem:$0x1A800] =	vst v63  }
0x55: {  	_ =	swait.ge [sflag:s22], $0x400  }
0x56: {  	[sflag:s22] =	ssyncset.done $0x0  }
0x57: {  	s0 =	sadd.s32 s7, s0;
	[sflag:s22] =	ssyncadd.s32 $0xFFFFFC00  }
0x58: {  	[tilespmem:s24], [sflag:$0x2] =	stream.linear.gather [hbm4b:s0+s29], $0x400, $0x38;
	[tilespmem:$0x1A800] =	vst v63  }
0x59: {  	_ =	swait.ge [sflag:s22], $0x400  }
0x5a: {  	[sflag:s22] =	ssyncset.done $0x0  }
0x5b: {  	s31 =	simm.s32 $0x0;
	[sflag:s22] =	ssyncadd.s32 $0xFFFFFC00  }
.LBB2_5:
0x5c: {  	s0 =	sshll.u32 s31, $0x7  }
0x5d: {  	s3 =	sadd.s32 $0x800, s0  }
0x5e: {  	v1 =	vmov s3  }
0x5f: {  	[tilespmem:s26], [sflag:$0x1] =	stream.indirect.gather [hbm4b:s1+s25], $0x80, s0, s25, $0xb8;
	[tilespmem:$0x1A800] =	vst v63  }
0x60: {  	_ =	swait.ge [sflag:s28], $0x4000  }
0x61: {  	s10 =	simm.s32 $0x0;
	[sflag:s28] =	ssyncset.done $0x0  }
0x62: {  	s9 =	simm.s32 $0x0;
	s3 =	sand.u32 $0x3FFFFFF0, s10;
	[sflag:s28] =	ssyncadd.s32 $0xFFFFC000  }
0x63: {  	v2 =	vld.idx.msk [tilespmem:v1+s3+$0x0 ss:$0x1], $0xffff;
	s3 =	sand.u32 $0x3FFFF800, s9  }
0x64: {  	v8 =	vld [tilespmem:s3+$0xCC0]  }
0x65: {  	v4 =	vld [tilespmem:s3+$0xC20]  }
0x66: {  	v5 =	vld [tilespmem:s3+$0xC30]  }
0x67: {  	v11 =	vld [tilespmem:s3+$0xC60]  }
0x68: {  	v12 =	vld [tilespmem:s3+$0xC70];
	v3 =	vbroadcast v2, $0x0  }
0x69: {  	v13 =	vld [tilespmem:s3+$0xC80]  }
0x6a: {  	v14 =	vld [tilespmem:s3+$0xC90];
	v4 =	vmul.f32 v4, v3  }
0x6b: {  	v15 =	vld [tilespmem:s3+$0xCA0];
	v5 =	vmul.f32 v5, v3  }
0x6c: {  	v10 =	vld [tilespmem:s3+$0xCB0];
	v21 =	vbroadcast v2, $0x1;
	v20 =	vmul.f32 v11, v3;
	[tilespmem:s3+$0xC20] =	vst v4  }
0x6d: {  	v9 =	vld [tilespmem:s3+$0xCD0];
	v12 =	vmul.f32 v12, v3;
	[tilespmem:s3+$0xC30] =	vst v5  }
0x6e: {  	v7 =	vld [tilespmem:s3+$0x1170];
	v13 =	vmul.f32 v13, v21;
	[tilespmem:s3+$0xC60] =	vst v20  }
0x6f: {  	v23 =	vld [tilespmem:s3+$0xCF0];
	v14 =	vmul.f32 v14, v21;
	[tilespmem:s3+$0xC70] =	vst v12  }
0x70: {  	v24 =	vld [tilespmem:s3+$0xD00];
	v15 =	vmul.f32 v15, v21;
	[tilespmem:s3+$0xC80] =	vst v13  }
0x71: {  	v25 =	vld [tilespmem:s3+$0xD10];
	v10 =	vmul.f32 v10, v21;
	[tilespmem:s3+$0xC90] =	vst v14  }
0x72: {  	v22 =	vld [tilespmem:s3+$0xCE0];
	v8 =	vmul.f32 v8, v21;
	[tilespmem:s3+$0xCA0] =	vst v15  }
0x73: {  	v26 =	vld [tilespmem:s3+$0xD20];
	v16 =	vbroadcast v2, $0x2;
	v9 =	vmul.f32 v9, v21;
	[tilespmem:s3+$0xCB0] =	vst v10  }
0x74: {  	v27 =	vld [tilespmem:s3+$0xD30];
	v11 =	vmul.f32 v23, v21;
	[tilespmem:s3+$0xCC0] =	vst v8  }
0x75: {  	v28 =	vld [tilespmem:s3+$0xD40];
	v6 =	vbroadcast v2, $0xA;
	v30 =	vmul.f32 v24, v16;
	[tilespmem:s3+$0xCD0] =	vst v9  }
0x76: {  	v29 =	vld [tilespmem:s3+$0xD50];
	v32 =	vmul.f32 v25, v16;
	[tilespmem:s3+$0xCF0] =	vst v11  }
0x77: {  	v31 =	vld [tilespmem:s3+$0xD60];
	v4 =	vmul.f32 v7, v6;
	[tilespmem:s3+$0xD00] =	vst v30  }
0x78: {  	v33 =	vld [tilespmem:s3+$0xD70];
	v12 =	vmul.f32 v22, v21;
	[tilespmem:s3+$0xD10] =	vst v32  }
0x79: {  	v34 =	vld [tilespmem:s3+$0xD80];
	v10 =	vmul.f32 v26, v16;
	[tilespmem:s3+$0x1170] =	vst v4  }
0x7a: {  	v35 =	vld [tilespmem:s3+$0xD90];
	v8 =	vmul.f32 v27, v16;
	[tilespmem:s3+$0xCE0] =	vst v12  }
0x7b: {  	v36 =	vld [tilespmem:s3+$0xDA0];
	v9 =	vmul.f32 v28, v16;
	[tilespmem:s3+$0xD20] =	vst v10  }
0x7c: {  	v37 =	vld [tilespmem:s3+$0xDB0];
	v39 =	vbroadcast v2, $0x3;
	v11 =	vmul.f32 v31, v16;
	[tilespmem:s3+$0xD30] =	vst v8  }
0x7d: {  	v38 =	vld [tilespmem:s3+$0xDC0];
	v13 =	vmul.f32 v33, v16;
	[tilespmem:s3+$0xD40] =	vst v9  }
0x7e: {  	v40 =	vld [tilespmem:s3+$0xDD0];
	v14 =	vmul.f32 v34, v39;
	[tilespmem:s3+$0xD60] =	vst v11  }
0x7f: {  	v41 =	vld [tilespmem:s3+$0xDE0];
	v12 =	vmul.f32 v29, v16;
	[tilespmem:s3+$0xD70] =	vst v13  }
0x80: {  	v42 =	vld [tilespmem:s3+$0xDF0];
	v10 =	vmul.f32 v35, v39;
	[tilespmem:s3+$0xD80] =	vst v14  }
0x81: {  	v43 =	vld [tilespmem:s3+$0xE00];
	v8 =	vmul.f32 v36, v39;
	[tilespmem:s3+$0xD50] =	vst v12  }
0x82: {  	v44 =	vld [tilespmem:s3+$0xE10];
	v9 =	vmul.f32 v37, v39;
	[tilespmem:s3+$0xD90] =	vst v10  }
0x83: {  	v45 =	vld [tilespmem:s3+$0xE20];
	v11 =	vmul.f32 v40, v39;
	[tilespmem:s3+$0xDA0] =	vst v8  }
0x84: {  	v46 =	vld [tilespmem:s3+$0xE30];
	v13 =	vmul.f32 v41, v39;
	[tilespmem:s3+$0xDB0] =	vst v9  }
0x85: {  	v47 =	vld [tilespmem:s3+$0xE40];
	v48 =	vbroadcast v2, $0x4;
	v14 =	vmul.f32 v42, v39;
	[tilespmem:s3+$0xDD0] =	vst v11  }
0x86: {  	v49 =	vld [tilespmem:s3+$0xE50];
	v12 =	vmul.f32 v38, v39;
	[tilespmem:s3+$0xDE0] =	vst v13  }
0x87: {  	v50 =	vld [tilespmem:s3+$0xE60];
	v10 =	vmul.f32 v43, v48;
	[tilespmem:s3+$0xDF0] =	vst v14  }
0x88: {  	v51 =	vld [tilespmem:s3+$0xE70];
	v8 =	vmul.f32 v44, v48;
	[tilespmem:s3+$0xDC0] =	vst v12  }
0x89: {  	v52 =	vld [tilespmem:s3+$0xE80];
	v9 =	vmul.f32 v45, v48;
	[tilespmem:s3+$0xE00] =	vst v10  }
0x8a: {  	v53 =	vld [tilespmem:s3+$0xE90];
	v11 =	vmul.f32 v47, v48;
	[tilespmem:s3+$0xE10] =	vst v8  }
0x8b: {  	v54 =	vld [tilespmem:s3+$0xEA0];
	v13 =	vmul.f32 v49, v48;
	[tilespmem:s3+$0xE20] =	vst v9  }
0x8c: {  	v55 =	vld [tilespmem:s3+$0xEB0];
	v14 =	vmul.f32 v50, v48;
	[tilespmem:s3+$0xE40] =	vst v11  }
0x8d: {  	v56 =	vld [tilespmem:s3+$0xEC0];
	v57 =	vbroadcast v2, $0x5;
	v12 =	vmul.f32 v46, v48;
	[tilespmem:s3+$0xE50] =	vst v13  }
0x8e: {  	v58 =	vld [tilespmem:s3+$0xED0];
	v10 =	vmul.f32 v51, v48;
	[tilespmem:s3+$0xE60] =	vst v14  }
0x8f: {  	v59 =	vld [tilespmem:s3+$0xEE0];
	v8 =	vmul.f32 v52, v57;
	[tilespmem:s3+$0xE30] =	vst v12  }
0x90: {  	v60 =	vld [tilespmem:s3+$0xEF0];
	v9 =	vmul.f32 v53, v57;
	[tilespmem:s3+$0xE70] =	vst v10  }
0x91: {  	v61 =	vld [tilespmem:s3+$0xF00];
	v11 =	vmul.f32 v55, v57;
	[tilespmem:s3+$0xE80] =	vst v8  }
0x92: {  	v62 =	vld [tilespmem:s3+$0xF10];
	v13 =	vmul.f32 v56, v57;
	[tilespmem:s3+$0xE90] =	vst v9  }
0x93: {  	v63 =	vld [tilespmem:s3+$0xF20];
	v14 =	vmul.f32 v58, v57;
	[tilespmem:s3+$0xEB0] =	vst v11  }
0x94: {  	v20 =	vld [tilespmem:s3+$0xF30];
	v12 =	vmul.f32 v54, v57;
	[tilespmem:s3+$0xEC0] =	vst v13  }
0x95: {  	v21 =	vld [tilespmem:s3+$0xF40];
	v22 =	vbroadcast v2, $0x6;
	v10 =	vmul.f32 v59, v57;
	[tilespmem:s3+$0xED0] =	vst v14  }
0x96: {  	v23 =	vld [tilespmem:s3+$0xF50];
	v8 =	vmul.f32 v60, v57;
	[tilespmem:s3+$0xEA0] =	vst v12  }
0x97: {  	v24 =	vld [tilespmem:s3+$0xF60];
	v9 =	vmul.f32 v61, v22;
	[tilespmem:s3+$0xEE0] =	vst v10  }
0x98: {  	v25 =	vld [tilespmem:s3+$0xF70];
	v11 =	vmul.f32 v63, v22;
	[tilespmem:s3+$0xEF0] =	vst v8  }
0x99: {  	v5 =	vld [tilespmem:s3+$0x1180];
	v13 =	vmul.f32 v20, v22;
	[tilespmem:s3+$0xF00] =	vst v9  }
0x9a: {  	v27 =	vld [tilespmem:s3+$0xF90];
	v14 =	vmul.f32 v21, v22;
	[tilespmem:s3+$0xF20] =	vst v11  }
0x9b: {  	v28 =	vld [tilespmem:s3+$0xFA0];
	v12 =	vmul.f32 v62, v22;
	[tilespmem:s3+$0xF30] =	vst v13  }
0x9c: {  	v29 =	vld [tilespmem:s3+$0xFB0];
	v10 =	vmul.f32 v23, v22;
	[tilespmem:s3+$0xF40] =	vst v14  }
0x9d: {  	v31 =	vbroadcast v2, $0x7;
	v53 =	vld [tilespmem:s3+$0x1100];
	v8 =	vmul.f32 v24, v22;
	[tilespmem:s3+$0xF10] =	vst v12  }
0x9e: {  	v58 =	vld [tilespmem:s3+$0x1150];
	v9 =	vmul.f32 v25, v22;
	[tilespmem:s3+$0xF50] =	vst v10  }
0x9f: {  	v26 =	vld [tilespmem:s3+$0xF80];
	v11 =	vmul.f32 v27, v31;
	[tilespmem:s3+$0xF60] =	vst v8  }
0xa0: {  	v30 =	vld [tilespmem:s3+$0xFC0];
	v13 =	vmul.f32 v28, v31;
	[tilespmem:s3+$0xF70] =	vst v9  }
0xa1: {  	v32 =	vld [tilespmem:s3+$0xFD0];
	v14 =	vmul.f32 v29, v31;
	[tilespmem:s3+$0xF90] =	vst v11  }
0xa2: {  	v33 =	vld [tilespmem:s3+$0xFE0];
	v59 =	vmul.f32 v53, v6;
	[tilespmem:s3+$0xFA0] =	vst v13  }
0xa3: {  	v35 =	vld [tilespmem:s3+$0x1000];
	v21 =	vmul.f32 v58, v6;
	[tilespmem:s3+$0xFB0] =	vst v14  }
0xa4: {  	v36 =	vld [tilespmem:s3+$0x1010];
	v12 =	vmul.f32 v26, v31;
	[tilespmem:s3+$0x1100] =	vst v59  }
0xa5: {  	v37 =	vld [tilespmem:s3+$0x1020];
	v10 =	vmul.f32 v30, v31;
	[tilespmem:s3+$0x1150] =	vst v21  }
0xa6: {  	v7 =	vld [tilespmem:s3+$0x1190];
	v40 =	vbroadcast v2, $0x8;
	v8 =	vmul.f32 v32, v31;
	[tilespmem:s3+$0xF80] =	vst v12  }
0xa7: {  	v34 =	vld [tilespmem:s3+$0xFF0];
	v9 =	vmul.f32 v33, v31;
	[tilespmem:s3+$0xFC0] =	vst v10  }
0xa8: {  	v57 =	vld [tilespmem:s3+$0x1140];
	v11 =	vmul.f32 v35, v40;
	[tilespmem:s3+$0xFD0] =	vst v8  }
0xa9: {  	v61 =	vld [tilespmem:s3+$0xC00];
	v24 =	vbroadcast v2, $0xB;
	v13 =	vmul.f32 v36, v40;
	[tilespmem:s3+$0xFE0] =	vst v9  }
0xaa: {  	v4 =	vld [tilespmem:s3+$0x13D0];
	v14 =	vmul.f32 v37, v40;
	[tilespmem:s3+$0x1000] =	vst v11  }
0xab: {  	v38 =	vld [tilespmem:s3+$0x1030];
	v5 =	vmul.f32 v5, v24;
	[tilespmem:s3+$0x1010] =	vst v13  }
0xac: {  	v39 =	vld [tilespmem:s3+$0x1040];
	v7 =	vmul.f32 v7, v24;
	[tilespmem:s3+$0x1020] =	vst v14  }
0xad: {  	v41 =	vld [tilespmem:s3+$0x1050];
	v19 =	vmul.f32 v57, v6;
	[tilespmem:s3+$0x1180] =	vst v5  }
0xae: {  	v43 =	vld [tilespmem:s3+$0x1070];
	v25 =	vmul.f32 v3, v61;
	[tilespmem:s3+$0x1190] =	vst v7  }
0xaf: {  	v44 =	vld [tilespmem:s3+$0x1080];
	v12 =	vmul.f32 v34, v31;
	[tilespmem:s3+$0x1140] =	vst v19  }
0xb0: {  	v45 =	vld [tilespmem:s3+$0x1090];
	v10 =	vmul.f32 v38, v40;
	[tilespmem:s3+$0xC00] =	vst v25  }
0xb1: {  	v27 =	vld [tilespmem:s3+$0x11D0];
	v8 =	vmul.f32 v39, v40;
	[tilespmem:s3+$0xFF0] =	vst v12  }
0xb2: {  	v49 =	vbroadcast v2, $0x9;
	v29 =	vld [tilespmem:s3+$0x11F0];
	v9 =	vmul.f32 v41, v40;
	[tilespmem:s3+$0x1030] =	vst v10  }
0xb3: {  	v42 =	vld [tilespmem:s3+$0x1060];
	v11 =	vmul.f32 v43, v40;
	[tilespmem:s3+$0x1040] =	vst v8  }
0xb4: {  	v46 =	vld [tilespmem:s3+$0x10A0];
	v13 =	vmul.f32 v44, v49;
	[tilespmem:s3+$0x1050] =	vst v9  }
0xb5: {  	v47 =	vld [tilespmem:s3+$0x10B0];
	v14 =	vmul.f32 v45, v49;
	[tilespmem:s3+$0x1070] =	vst v11  }
0xb6: {  	v48 =	vld [tilespmem:s3+$0x10C0];
	v32 =	vmul.f32 v27, v24;
	[tilespmem:s3+$0x1080] =	vst v13  }
0xb7: {  	v51 =	vld [tilespmem:s3+$0x10E0];
	v7 =	vmul.f32 v29, v24;
	[tilespmem:s3+$0x1090] =	vst v14  }
0xb8: {  	v52 =	vld [tilespmem:s3+$0x10F0];
	v12 =	vmul.f32 v42, v40;
	[tilespmem:s3+$0x11D0] =	vst v32  }
0xb9: {  	v10 =	vmul.f32 v46, v49;
	[tilespmem:s3+$0x11F0] =	vst v7  }
0xba: {  	v28 =	vld [tilespmem:s3+$0x11E0];
	v8 =	vmul.f32 v47, v49;
	[tilespmem:s3+$0x1060] =	vst v12  }
0xbb: {  	v30 =	vld [tilespmem:s3+$0x1200];
	v9 =	vmul.f32 v48, v49;
	[tilespmem:s3+$0x10A0] =	vst v10  }
0xbc: {  	v50 =	vld [tilespmem:s3+$0x10D0];
	v5 =	vbroadcast v2, $0xF;
	v11 =	vmul.f32 v51, v49;
	[tilespmem:s3+$0x10B0] =	vst v8  }
0xbd: {  	v54 =	vld [tilespmem:s3+$0x1110];
	v13 =	vmul.f32 v52, v49;
	[tilespmem:s3+$0x10C0] =	vst v9  }
0xbe: {  	v55 =	vld [tilespmem:s3+$0x1120];
	v35 =	vbroadcast v2, $0xC;
	v4 =	vmul.f32 v4, v5;
	[tilespmem:s3+$0x10E0] =	vst v11  }
0xbf: {  	v56 =	vld [tilespmem:s3+$0x1130];
	v40 =	vmul.f32 v28, v24;
	[tilespmem:s3+$0x10F0] =	vst v13  }
0xc0: {  	v60 =	vld [tilespmem:s3+$0x1160];
	v16 =	vmul.f32 v30, v35;
	[tilespmem:s3+$0x13D0] =	vst v4  }
0xc1: {  	v62 =	vld [tilespmem:s3+$0xC10];
	v12 =	vmul.f32 v50, v49;
	[tilespmem:s3+$0x11E0] =	vst v40  }
0xc2: {  	v63 =	vld [tilespmem:s3+$0xC40];
	v10 =	vmul.f32 v54, v6;
	[tilespmem:s3+$0x1200] =	vst v16  }
0xc3: {  	v20 =	vld [tilespmem:s3+$0xC50];
	v8 =	vmul.f32 v55, v6;
	[tilespmem:s3+$0x10D0] =	vst v12  }
0xc4: {  	v33 =	vld [tilespmem:s3+$0x1230];
	v9 =	vmul.f32 v56, v6;
	[tilespmem:s3+$0x1110] =	vst v10  }
0xc5: {  	v61 =	vld [tilespmem:s3+$0x13F0];
	v6 =	vmul.f32 v60, v6;
	[tilespmem:s3+$0x1120] =	vst v8  }
0xc6: {  	v38 =	vld [tilespmem:s3+$0x1270];
	v13 =	vmul.f32 v62, v3;
	[tilespmem:s3+$0x1130] =	vst v9  }
0xc7: {  	v22 =	vld [tilespmem:s3+$0x11A0];
	v4 =	vmul.f32 v63, v3;
	[tilespmem:s3+$0x1160] =	vst v6  }
0xc8: {  	v23 =	vld [tilespmem:s3+$0x11B0];
	v3 =	vmul.f32 v20, v3;
	[tilespmem:s3+$0xC10] =	vst v13  }
0xc9: {  	v26 =	vld [tilespmem:s3+$0x11C0];
	v62 =	vmul.f32 v33, v35;
	[tilespmem:s3+$0xC40] =	vst v4  }
0xca: {  	v31 =	vld [tilespmem:s3+$0x1210];
	v63 =	vmul.f32 v61, v5;
	[tilespmem:s3+$0xC50] =	vst v3  }
0xcb: {  	v34 =	vld [tilespmem:s3+$0x1240];
	v16 =	vmul.f32 v38, v35;
	[tilespmem:s3+$0x1230] =	vst v62  }
0xcc: {  	v41 =	vld [tilespmem:s3+$0x12A0];
	v8 =	vmul.f32 v22, v24;
	[tilespmem:s3+$0x13F0] =	vst v63  }
0xcd: {  	v46 =	vld [tilespmem:s3+$0x12E0];
	v9 =	vmul.f32 v23, v24;
	[tilespmem:s3+$0x1270] =	vst v16  }
0xce: {  	v6 =	vmul.f32 v26, v24;
	v3 =	vld [tilespmem:s3+$0x1290];
	[tilespmem:s3+$0x11A0] =	vst v8  }
0xcf: {  	v36 =	vld [tilespmem:s3+$0x1250];
	v44 =	vbroadcast v2, $0xD;
	v10 =	vmul.f32 v31, v35;
	[tilespmem:s3+$0x11B0] =	vst v9  }
0xd0: {  	v37 =	vld [tilespmem:s3+$0x1260];
	v13 =	vmul.f32 v34, v35;
	[tilespmem:s3+$0x11C0] =	vst v6  }
0xd1: {  	v39 =	vld [tilespmem:s3+$0x1280];
	v12 =	vmul.f32 v41, v44;
	[tilespmem:s3+$0x1210] =	vst v10  }
0xd2: {  	v42 =	vld [tilespmem:s3+$0x12B0];
	v51 =	vmul.f32 v46, v44;
	[tilespmem:s3+$0x1240] =	vst v13  }
0xd3: {  	v48 =	vld [tilespmem:s3+$0x1310];
	[tilespmem:s3+$0x12A0] =	vst v12;
	v3 =	vmul.f32 v3, v44  }
0xd4: {  	v49 =	vld [tilespmem:s3+$0x1320];
	v9 =	vmul.f32 v36, v35;
	[tilespmem:s3+$0x12E0] =	vst v51  }
0xd5: {  	v6 =	vmul.f32 v37, v35;
	[tilespmem:s3+$0x1290] =	vst v3;
	v3 =	vld [tilespmem:s3+$0x1300]  }
0xd6: {  	v2 =	vbroadcast v2, $0xE;
	v50 =	vld [tilespmem:s3+$0x1330];
	v10 =	vmul.f32 v39, v44;
	[tilespmem:s3+$0x1250] =	vst v9  }
0xd7: {  	v45 =	vld [tilespmem:s3+$0x12D0];
	v13 =	vmul.f32 v42, v44;
	[tilespmem:s3+$0x1260] =	vst v6  }
0xd8: {  	v47 =	vld [tilespmem:s3+$0x12F0];
	v12 =	vmul.f32 v48, v2;
	[tilespmem:s3+$0x1280] =	vst v10  }
0xd9: {  	v43 =	vld [tilespmem:s3+$0x12C0];
	v11 =	vmul.f32 v49, v2;
	[tilespmem:s3+$0x12B0] =	vst v13  }
0xda: {  	v55 =	vld [tilespmem:s3+$0x1380];
	[tilespmem:s3+$0x1310] =	vst v12;
	v3 =	vmul.f32 v3, v2  }
0xdb: {  	v57 =	vld [tilespmem:s3+$0x13A0];
	v7 =	vmul.f32 v50, v2;
	[tilespmem:s3+$0x1320] =	vst v11  }
0xdc: {  	v6 =	vmul.f32 v45, v44;
	[tilespmem:s3+$0x1300] =	vst v3;
	v3 =	vld [tilespmem:s3+$0x1370]  }
0xdd: {  	v52 =	vld [tilespmem:s3+$0x1340];
	v10 =	vmul.f32 v47, v44;
	[tilespmem:s3+$0x1330] =	vst v7  }
0xde: {  	v56 =	vld [tilespmem:s3+$0x1390];
	v9 =	vmul.f32 v43, v44;
	[tilespmem:s3+$0x12D0] =	vst v6  }
0xdf: {  	v54 =	vld [tilespmem:s3+$0x1360];
	v12 =	vmul.f32 v55, v5;
	[tilespmem:s3+$0x12F0] =	vst v10  }
0xe0: {  	v58 =	vld [tilespmem:s3+$0x13B0];
	v7 =	vmul.f32 v57, v5;
	[tilespmem:s3+$0x12C0] =	vst v9  }
0xe1: {  	v53 =	vld [tilespmem:s3+$0x1350];
	[tilespmem:s3+$0x1380] =	vst v12;
	v3 =	vmul.f32 v3, v2  }
0xe2: {  	v59 =	vld [tilespmem:s3+$0x13C0];
	v6 =	vmul.f32 v52, v2;
	[tilespmem:s3+$0x13A0] =	vst v7  }
0xe3: {  	v60 =	vld [tilespmem:s3+$0x13E0];
	[tilespmem:s3+$0x1370] =	vst v3;
	v3 =	vmul.f32 v56, v5  }
0xe4: {  	v10 =	vmul.f32 v54, v2;
	[tilespmem:s3+$0x1340] =	vst v6  }
0xe5: {  	v4 =	vld [tilespmem:s3+$0x1220];
	[tilespmem:s3+$0x1390] =	vst v3;
	v3 =	vmul.f32 v58, v5  }
0xe6: {  	[tilespmem:s3+$0x1360] =	vst v10;
	v2 =	vmul.f32 v53, v2  }
0xe7: {  	[tilespmem:s3+$0x13B0] =	vst v3;
	v3 =	vmul.f32 v59, v5  }
0xe8: {  	[tilespmem:s3+$0x1350] =	vst v2;
	v5 =	vmul.f32 v60, v5  }
0xe9: {  	[tilespmem:s3+$0x13C0] =	vst v3  }
0xea: {  	s9 =	simm.s32 $0x1;
	v3 =	vmul.f32 v4, v35;
	[tilespmem:s3+$0x13E0] =	vst v5  }
.LBB2_6:
0xeb: {  	s10 =	sshll.u32 s9, $0x4  }
0xec: {  	p0 =	sne.s32 s9, $0x7;
	[tilespmem:s3+$0x1220] =	vst v3;
	s3 =	smov.u32 s9;
	s9 =	sadd.s32 $0x1, s9  }
0xed: {  	s10 =	sand.u32 $0x3FFFFFF0, s10  }
0xee: {  	v2 =	vld.idx.msk [tilespmem:v1+s10+$0x0 ss:$0x1], $0xffff  }
0xef: {  	s3 =	sshll.u32 s3, $0xB  }
0xf0: {  	s3 =	sand.u32 $0x3FFFF800, s3  }
0xf1: {  	v9 =	vld [tilespmem:s3+$0xCC0]  }
0xf2: {  	v10 =	vld [tilespmem:s3+$0xCD0]  }
0xf3: {  	v11 =	vld [tilespmem:s3+$0xCB0]  }
0xf4: {  	v3 =	vbroadcast v2, $0x0;
	v8 =	vbroadcast v2, $0x4;
	v4 =	vld [tilespmem:s3+$0xC20]  }
0xf5: {  	v6 =	vld [tilespmem:s3+$0xC30]  }
0xf6: {  	v7 =	vld [tilespmem:s3+$0x1170]  }
0xf7: {  	v12 =	vld [tilespmem:s3+$0xC60]  }
0xf8: {  	v13 =	vld [tilespmem:s3+$0xC70]  }
0xf9: {  	v5 =	vbroadcast v2, $0xA;
	v4 =	vmul.f32 v4, v3;
	v14 =	vld [tilespmem:s3+$0xC80]  }
0xfa: {  	v6 =	vmul.f32 v6, v3;
	v15 =	vld [tilespmem:s3+$0xC90]  }
0xfb: {  	[tilespmem:s3+$0xC20] =	vst v4;
	v16 =	vld [tilespmem:s3+$0xCA0];
	v4 =	vmul.f32 v7, v5  }
0xfc: {  	[tilespmem:s3+$0xC30] =	vst v6;
	v7 =	vmul.f32 v12, v3;
	v12 =	vbroadcast v2, $0x1;
	v6 =	vld [tilespmem:s3+$0x1180]  }
0xfd: {  	v13 =	vmul.f32 v13, v3;
	[tilespmem:s3+$0x1170] =	vst v4;
	v4 =	vld [tilespmem:s3+$0x13D0]  }
0xfe: {  	[tilespmem:s3+$0xC60] =	vst v7;
	v14 =	vmul.f32 v14, v12;
	v7 =	vld [tilespmem:s3+$0x1190]  }
0xff: {  	[tilespmem:s3+$0xC70] =	vst v13;
	v13 =	vmul.f32 v15, v12;
	v15 =	vld [tilespmem:s3+$0xCE0]  }
0x100: {  	[tilespmem:s3+$0xC80] =	vst v14;
	v14 =	vmul.f32 v16, v12;
	v16 =	vld [tilespmem:s3+$0xCF0]  }
0x101: {  	v11 =	vmul.f32 v11, v12;
	[tilespmem:s3+$0xC90] =	vst v13;
	v13 =	vld [tilespmem:s3+$0xD00]  }
0x102: {  	v9 =	vmul.f32 v9, v12;
	[tilespmem:s3+$0xCA0] =	vst v14;
	v14 =	vld [tilespmem:s3+$0xD10]  }
0x103: {  	v10 =	vmul.f32 v10, v12;
	[tilespmem:s3+$0xCB0] =	vst v11;
	v11 =	vld [tilespmem:s3+$0xD20]  }
0x104: {  	[tilespmem:s3+$0xCC0] =	vst v9;
	v9 =	vmul.f32 v15, v12;
	v15 =	vbroadcast v2, $0x2;
	v17 =	vld [tilespmem:s3+$0xD30]  }
0x105: {  	[tilespmem:s3+$0xCD0] =	vst v10;
	v10 =	vmul.f32 v16, v12;
	v12 =	vld [tilespmem:s3+$0xD40]  }
0x106: {  	[tilespmem:s3+$0xCE0] =	vst v9;
	v9 =	vmul.f32 v13, v15;
	v13 =	vld [tilespmem:s3+$0xD50]  }
0x107: {  	[tilespmem:s3+$0xCF0] =	vst v10;
	v10 =	vmul.f32 v14, v15;
	v14 =	vld [tilespmem:s3+$0xD60]  }
0x108: {  	[tilespmem:s3+$0xD00] =	vst v9;
	v9 =	vmul.f32 v11, v15;
	v11 =	vld [tilespmem:s3+$0xD70]  }
0x109: {  	[tilespmem:s3+$0xD10] =	vst v10;
	v10 =	vmul.f32 v17, v15;
	v16 =	vld [tilespmem:s3+$0xD80]  }
0x10a: {  	[tilespmem:s3+$0xD20] =	vst v9;
	v9 =	vmul.f32 v12, v15;
	v12 =	vld [tilespmem:s3+$0xD90]  }
0x10b: {  	[tilespmem:s3+$0xD30] =	vst v10;
	v10 =	vmul.f32 v13, v15;
	v13 =	vld [tilespmem:s3+$0xDA0]  }
0x10c: {  	[tilespmem:s3+$0xD40] =	vst v9;
	v9 =	vmul.f32 v14, v15;
	v14 =	vbroadcast v2, $0x3;
	v17 =	vld [tilespmem:s3+$0xDB0]  }
0x10d: {  	[tilespmem:s3+$0xD50] =	vst v10;
	v10 =	vmul.f32 v11, v15;
	v11 =	vld [tilespmem:s3+$0xDC0]  }
0x10e: {  	[tilespmem:s3+$0xD60] =	vst v9;
	v9 =	vmul.f32 v16, v14;
	v15 =	vld [tilespmem:s3+$0xDD0]  }
0x10f: {  	[tilespmem:s3+$0xD70] =	vst v10;
	v10 =	vmul.f32 v12, v14;
	v12 =	vld [tilespmem:s3+$0xDE0]  }
0x110: {  	[tilespmem:s3+$0xD80] =	vst v9;
	v9 =	vmul.f32 v13, v14;
	v13 =	vld [tilespmem:s3+$0xDF0]  }
0x111: {  	[tilespmem:s3+$0xD90] =	vst v10;
	v10 =	vmul.f32 v17, v14;
	v16 =	vld [tilespmem:s3+$0xE00]  }
0x112: {  	[tilespmem:s3+$0xDA0] =	vst v9;
	v9 =	vmul.f32 v11, v14;
	v11 =	vld [tilespmem:s3+$0xE10]  }
0x113: {  	[tilespmem:s3+$0xDB0] =	vst v10;
	v10 =	vmul.f32 v15, v14;
	v15 =	vld [tilespmem:s3+$0xE20]  }
0x114: {  	[tilespmem:s3+$0xDC0] =	vst v9;
	v9 =	vmul.f32 v12, v14;
	v12 =	vld [tilespmem:s3+$0xE30]  }
0x115: {  	[tilespmem:s3+$0xDD0] =	vst v10;
	v10 =	vmul.f32 v13, v14;
	v13 =	vld [tilespmem:s3+$0xE40]  }
0x116: {  	[tilespmem:s3+$0xDE0] =	vst v9;
	v9 =	vmul.f32 v16, v8;
	v14 =	vld [tilespmem:s3+$0xE50]  }
0x117: {  	[tilespmem:s3+$0xDF0] =	vst v10;
	v10 =	vmul.f32 v11, v8;
	v11 =	vld [tilespmem:s3+$0xE60]  }
0x118: {  	[tilespmem:s3+$0xE00] =	vst v9;
	v9 =	vmul.f32 v15, v8;
	v15 =	vld [tilespmem:s3+$0xE70]  }
0x119: {  	[tilespmem:s3+$0xE10] =	vst v10;
	v10 =	vmul.f32 v12, v8;
	v12 =	vld [tilespmem:s3+$0xE80]  }
0x11a: {  	[tilespmem:s3+$0xE20] =	vst v9;
	v9 =	vmul.f32 v13, v8;
	v13 =	vld [tilespmem:s3+$0xE90]  }
0x11b: {  	[tilespmem:s3+$0xE30] =	vst v10;
	v10 =	vmul.f32 v14, v8;
	v14 =	vld [tilespmem:s3+$0xEA0]  }
0x11c: {  	[tilespmem:s3+$0xE40] =	vst v9;
	v9 =	vmul.f32 v11, v8;
	v11 =	vbroadcast v2, $0x5;
	v16 =	vld [tilespmem:s3+$0xEB0]  }
0x11d: {  	[tilespmem:s3+$0xE50] =	vst v10;
	v8 =	vmul.f32 v15, v8;
	v10 =	vld [tilespmem:s3+$0xEC0]  }
0x11e: {  	[tilespmem:s3+$0xE60] =	vst v9;
	v9 =	vmul.f32 v12, v11;
	v12 =	vld [tilespmem:s3+$0xED0]  }
0x11f: {  	[tilespmem:s3+$0xE70] =	vst v8;
	v8 =	vmul.f32 v13, v11;
	v13 =	vld [tilespmem:s3+$0xEE0]  }
0x120: {  	[tilespmem:s3+$0xE80] =	vst v9;
	v9 =	vmul.f32 v14, v11;
	v14 =	vld [tilespmem:s3+$0xEF0]  }
0x121: {  	[tilespmem:s3+$0xE90] =	vst v8;
	v8 =	vmul.f32 v16, v11;
	v15 =	vld [tilespmem:s3+$0xF00]  }
0x122: {  	[tilespmem:s3+$0xEA0] =	vst v9;
	v9 =	vmul.f32 v10, v11;
	v10 =	vld [tilespmem:s3+$0xF10]  }
0x123: {  	[tilespmem:s3+$0xEB0] =	vst v8;
	v8 =	vmul.f32 v12, v11;
	v12 =	vld [tilespmem:s3+$0xF20]  }
0x124: {  	[tilespmem:s3+$0xEC0] =	vst v9;
	v9 =	vmul.f32 v13, v11;
	v13 =	vbroadcast v2, $0x6;
	v16 =	vld [tilespmem:s3+$0xF30]  }
0x125: {  	[tilespmem:s3+$0xED0] =	vst v8;
	v8 =	vmul.f32 v14, v11;
	v11 =	vld [tilespmem:s3+$0xF40]  }
0x126: {  	[tilespmem:s3+$0xEE0] =	vst v9;
	v9 =	vmul.f32 v15, v13;
	v14 =	vld [tilespmem:s3+$0xF50]  }
0x127: {  	[tilespmem:s3+$0xEF0] =	vst v8;
	v8 =	vmul.f32 v10, v13;
	v10 =	vld [tilespmem:s3+$0xF60]  }
0x128: {  	[tilespmem:s3+$0xF00] =	vst v9;
	v9 =	vmul.f32 v12, v13;
	v12 =	vld [tilespmem:s3+$0xF70]  }
0x129: {  	[tilespmem:s3+$0xF10] =	vst v8;
	v8 =	vmul.f32 v16, v13;
	v15 =	vld [tilespmem:s3+$0xF80]  }
0x12a: {  	[tilespmem:s3+$0xF20] =	vst v9;
	v9 =	vmul.f32 v11, v13;
	v11 =	vld [tilespmem:s3+$0xF90]  }
0x12b: {  	[tilespmem:s3+$0xF30] =	vst v8;
	v8 =	vmul.f32 v14, v13;
	v14 =	vld [tilespmem:s3+$0xFA0]  }
0x12c: {  	[tilespmem:s3+$0xF40] =	vst v9;
	v9 =	vmul.f32 v10, v13;
	v10 =	vbroadcast v2, $0x7;
	v16 =	vld [tilespmem:s3+$0xFB0]  }
0x12d: {  	[tilespmem:s3+$0xF50] =	vst v8;
	v8 =	vmul.f32 v12, v13;
	v12 =	vld [tilespmem:s3+$0xFC0]  }
0x12e: {  	[tilespmem:s3+$0xF60] =	vst v9;
	v9 =	vmul.f32 v15, v10;
	v13 =	vld [tilespmem:s3+$0xFD0]  }
0x12f: {  	[tilespmem:s3+$0xF70] =	vst v8;
	v8 =	vmul.f32 v11, v10;
	v11 =	vld [tilespmem:s3+$0xFE0]  }
0x130: {  	[tilespmem:s3+$0xF80] =	vst v9;
	v9 =	vmul.f32 v14, v10;
	v14 =	vld [tilespmem:s3+$0xFF0]  }
0x131: {  	[tilespmem:s3+$0xF90] =	vst v8;
	v8 =	vmul.f32 v16, v10;
	v15 =	vld [tilespmem:s3+$0x1000]  }
0x132: {  	[tilespmem:s3+$0xFA0] =	vst v9;
	v9 =	vmul.f32 v12, v10;
	v12 =	vld [tilespmem:s3+$0x1010]  }
0x133: {  	[tilespmem:s3+$0xFB0] =	vst v8;
	v8 =	vmul.f32 v13, v10;
	v13 =	vld [tilespmem:s3+$0x1020]  }
0x134: {  	[tilespmem:s3+$0xFC0] =	vst v9;
	v9 =	vmul.f32 v11, v10;
	v11 =	vbroadcast v2, $0x8;
	v16 =	vld [tilespmem:s3+$0x1030]  }
0x135: {  	[tilespmem:s3+$0xFD0] =	vst v8;
	v8 =	vmul.f32 v14, v10;
	v10 =	vld [tilespmem:s3+$0x1040]  }
0x136: {  	[tilespmem:s3+$0xFE0] =	vst v9;
	v9 =	vmul.f32 v15, v11;
	v14 =	vld [tilespmem:s3+$0x1050]  }
0x137: {  	[tilespmem:s3+$0xFF0] =	vst v8;
	v8 =	vmul.f32 v12, v11;
	v12 =	vld [tilespmem:s3+$0x1060]  }
0x138: {  	[tilespmem:s3+$0x1000] =	vst v9;
	v9 =	vmul.f32 v13, v11;
	v13 =	vld [tilespmem:s3+$0x1070]  }
0x139: {  	[tilespmem:s3+$0x1010] =	vst v8;
	v8 =	vmul.f32 v16, v11;
	v15 =	vld [tilespmem:s3+$0x1080]  }
0x13a: {  	[tilespmem:s3+$0x1020] =	vst v9;
	v9 =	vmul.f32 v10, v11;
	v10 =	vld [tilespmem:s3+$0x1090]  }
0x13b: {  	[tilespmem:s3+$0x1030] =	vst v8;
	v8 =	vmul.f32 v14, v11;
	v14 =	vld [tilespmem:s3+$0x10A0]  }
0x13c: {  	[tilespmem:s3+$0x1040] =	vst v9;
	v9 =	vmul.f32 v12, v11;
	v12 =	vbroadcast v2, $0x9;
	v16 =	vld [tilespmem:s3+$0x10B0]  }
0x13d: {  	[tilespmem:s3+$0x1050] =	vst v8;
	v8 =	vmul.f32 v13, v11;
	v11 =	vld [tilespmem:s3+$0x10C0]  }
0x13e: {  	[tilespmem:s3+$0x1060] =	vst v9;
	v9 =	vmul.f32 v15, v12;
	v13 =	vld [tilespmem:s3+$0x10D0]  }
0x13f: {  	[tilespmem:s3+$0x1070] =	vst v8;
	v8 =	vmul.f32 v10, v12;
	v10 =	vld [tilespmem:s3+$0x10E0]  }
0x140: {  	[tilespmem:s3+$0x1080] =	vst v9;
	v9 =	vmul.f32 v14, v12;
	v14 =	vld [tilespmem:s3+$0x10F0]  }
0x141: {  	[tilespmem:s3+$0x1090] =	vst v8;
	v8 =	vmul.f32 v16, v12;
	v15 =	vld [tilespmem:s3+$0x1100]  }
0x142: {  	[tilespmem:s3+$0x10A0] =	vst v9;
	v9 =	vmul.f32 v11, v12;
	v11 =	vld [tilespmem:s3+$0x1110]  }
0x143: {  	[tilespmem:s3+$0x10B0] =	vst v8;
	v8 =	vmul.f32 v13, v12;
	v13 =	vld [tilespmem:s3+$0x1120]  }
0x144: {  	[tilespmem:s3+$0x10C0] =	vst v9;
	v9 =	vmul.f32 v10, v12;
	v10 =	vld [tilespmem:s3+$0x1130]  }
0x145: {  	[tilespmem:s3+$0x10D0] =	vst v8;
	v8 =	vmul.f32 v14, v12;
	v12 =	vld [tilespmem:s3+$0x1140]  }
0x146: {  	[tilespmem:s3+$0x10E0] =	vst v9;
	v9 =	vmul.f32 v15, v5;
	v14 =	vld [tilespmem:s3+$0x1150]  }
0x147: {  	[tilespmem:s3+$0x10F0] =	vst v8;
	v8 =	vmul.f32 v11, v5;
	v11 =	vld [tilespmem:s3+$0x1160]  }
0x148: {  	v15 =	vld [tilespmem:s3+$0xC00];
	[tilespmem:s3+$0x1100] =	vst v9;
	v9 =	vmul.f32 v13, v5  }
0x149: {  	v13 =	vld [tilespmem:s3+$0xC10];
	[tilespmem:s3+$0x1110] =	vst v8;
	v8 =	vmul.f32 v10, v5  }
0x14a: {  	v10 =	vld [tilespmem:s3+$0xC40];
	[tilespmem:s3+$0x1120] =	vst v9;
	v9 =	vmul.f32 v12, v5  }
0x14b: {  	v12 =	vld [tilespmem:s3+$0xC50];
	[tilespmem:s3+$0x1130] =	vst v8;
	v8 =	vmul.f32 v14, v5  }
0x14c: {  	[tilespmem:s3+$0x1140] =	vst v9;
	v9 =	vmul.f32 v11, v5;
	v11 =	vbroadcast v2, $0xB;
	v14 =	vld [tilespmem:s3+$0x11A0]  }
0x14d: {  	v5 =	vbroadcast v2, $0xF;
	v15 =	vmul.f32 v3, v15;
	[tilespmem:s3+$0x1150] =	vst v8;
	v8 =	vld [tilespmem:s3+$0x11B0]  }
0x14e: {  	v13 =	vmul.f32 v13, v3;
	[tilespmem:s3+$0x1160] =	vst v9;
	v6 =	vmul.f32 v6, v11;
	v9 =	vld [tilespmem:s3+$0x11C0]  }
0x14f: {  	v7 =	vmul.f32 v7, v11;
	[tilespmem:s3+$0xC00] =	vst v15;
	v10 =	vmul.f32 v10, v3;
	v15 =	vld [tilespmem:s3+$0x11D0]  }
0x150: {  	v4 =	vmul.f32 v4, v5;
	v12 =	vmul.f32 v12, v3;
	[tilespmem:s3+$0x1180] =	vst v6;
	v3 =	vld [tilespmem:s3+$0x11E0]  }
0x151: {  	[tilespmem:s3+$0x1190] =	vst v7;
	v6 =	vmul.f32 v14, v11;
	v7 =	vld [tilespmem:s3+$0x11F0]  }
0x152: {  	v8 =	vmul.f32 v8, v11;
	v14 =	vld [tilespmem:s3+$0x1200];
	[tilespmem:s3+$0x13D0] =	vst v4  }
0x153: {  	[tilespmem:s3+$0xC10] =	vst v13;
	v4 =	vmul.f32 v9, v11;
	v9 =	vld [tilespmem:s3+$0x1210]  }
0x154: {  	[tilespmem:s3+$0xC40] =	vst v10;
	v10 =	vmul.f32 v15, v11;
	v13 =	vld [tilespmem:s3+$0x1220]  }
0x155: {  	v15 =	vbroadcast v2, $0xC;
	[tilespmem:s3+$0x11A0] =	vst v6;
	v6 =	vmul.f32 v3, v11;
	v16 =	vld [tilespmem:s3+$0x1230]  }
0x156: {  	[tilespmem:s3+$0x11D0] =	vst v10;
	v7 =	vmul.f32 v7, v11;
	v10 =	vld [tilespmem:s3+$0x1240]  }
0x157: {  	[tilespmem:s3+$0x11B0] =	vst v8;
	v3 =	vmul.f32 v14, v15;
	v8 =	vld [tilespmem:s3+$0x1250]  }
0x158: {  	[tilespmem:s3+$0x11C0] =	vst v4;
	v4 =	vmul.f32 v9, v15;
	v9 =	vld [tilespmem:s3+$0x1260]  }
0x159: {  	[tilespmem:s3+$0x1200] =	vst v3;
	v3 =	vmul.f32 v13, v15;
	v11 =	vld [tilespmem:s3+$0x1270]  }
0x15a: {  	[tilespmem:s3+$0x1210] =	vst v4;
	v4 =	vld [tilespmem:s3+$0x1280]  }
0x15b: {  	[tilespmem:s3+$0xC50] =	vst v12;
	v10 =	vmul.f32 v10, v15;
	v12 =	vld [tilespmem:s3+$0x1290]  }
0x15c: {  	[tilespmem:s3+$0x11E0] =	vst v6;
	v6 =	vmul.f32 v8, v15;
	v8 =	vld [tilespmem:s3+$0x12A0]  }
0x15d: {  	[tilespmem:s3+$0x1240] =	vst v10;
	v9 =	vmul.f32 v9, v15;
	v10 =	vbroadcast v2, $0xD;
	v13 =	vld [tilespmem:s3+$0x12B0]  }
0x15e: {  	[tilespmem:s3+$0x1250] =	vst v6;
	v6 =	vmul.f32 v11, v15;
	v11 =	vld [tilespmem:s3+$0x12C0]  }
0x15f: {  	[tilespmem:s3+$0x1260] =	vst v9;
	v4 =	vmul.f32 v4, v10;
	v9 =	vld [tilespmem:s3+$0x12D0]  }
0x160: {  	[tilespmem:s3+$0x1270] =	vst v6;
	v6 =	vmul.f32 v12, v10;
	v12 =	vld [tilespmem:s3+$0x12E0]  }
0x161: {  	[tilespmem:s3+$0x1280] =	vst v4;
	v4 =	vmul.f32 v8, v10;
	v8 =	vld [tilespmem:s3+$0x12F0]  }
0x162: {  	[tilespmem:s3+$0x1290] =	vst v6;
	v6 =	vmul.f32 v13, v10;
	v13 =	vld [tilespmem:s3+$0x1300]  }
0x163: {  	[tilespmem:s3+$0x12A0] =	vst v4;
	v4 =	vmul.f32 v11, v10;
	v11 =	vld [tilespmem:s3+$0x1310]  }
0x164: {  	[tilespmem:s3+$0x12B0] =	vst v6;
	v6 =	vmul.f32 v9, v10;
	v9 =	vld [tilespmem:s3+$0x1320]  }
0x165: {  	v2 =	vbroadcast v2, $0xE;
	[tilespmem:s3+$0x11F0] =	vst v7;
	v7 =	vmul.f32 v12, v10;
	v12 =	vld [tilespmem:s3+$0x1330]  }
0x166: {  	[tilespmem:s3+$0x12D0] =	vst v6;
	v6 =	vmul.f32 v8, v10;
	v8 =	vld [tilespmem:s3+$0x1340]  }
0x167: {  	[tilespmem:s3+$0x12E0] =	vst v7;
	v7 =	vmul.f32 v13, v2;
	v10 =	vld [tilespmem:s3+$0x1350]  }
0x168: {  	[tilespmem:s3+$0x12F0] =	vst v6;
	v6 =	vmul.f32 v11, v2;
	v11 =	vld [tilespmem:s3+$0x1360]  }
0x169: {  	[tilespmem:s3+$0x1300] =	vst v7;
	v7 =	vmul.f32 v9, v2;
	v9 =	vld [tilespmem:s3+$0x1370]  }
0x16a: {  	[tilespmem:s3+$0x1310] =	vst v6;
	v6 =	vmul.f32 v12, v2;
	v12 =	vld [tilespmem:s3+$0x1380]  }
0x16b: {  	[tilespmem:s3+$0x1320] =	vst v7;
	v7 =	vmul.f32 v8, v2;
	v8 =	vld [tilespmem:s3+$0x1390]  }
0x16c: {  	[tilespmem:s3+$0x1330] =	vst v6;
	v6 =	vmul.f32 v10, v2;
	v10 =	vld [tilespmem:s3+$0x13A0]  }
0x16d: {  	[tilespmem:s3+$0x1340] =	vst v7;
	v7 =	vmul.f32 v11, v2;
	v11 =	vld [tilespmem:s3+$0x13B0]  }
0x16e: {  	[tilespmem:s3+$0x12C0] =	vst v4;
	v2 =	vmul.f32 v9, v2;
	v4 =	vld [tilespmem:s3+$0x13C0]  }
0x16f: {  	[tilespmem:s3+$0x1360] =	vst v7;
	v7 =	vmul.f32 v12, v5;
	v9 =	vld [tilespmem:s3+$0x13E0]  }
0x170: {  	[tilespmem:s3+$0x1370] =	vst v2;
	v2 =	vmul.f32 v8, v5;
	v8 =	vld [tilespmem:s3+$0x13F0]  }
0x171: {  	[tilespmem:s3+$0x1380] =	vst v7;
	v7 =	vmul.f32 v10, v5  }
0x172: {  	[tilespmem:s3+$0x1390] =	vst v2;
	v2 =	vmul.f32 v11, v5  }
0x173: {  	v10 =	vmul.f32 v16, v15;
	[tilespmem:s3+$0x13A0] =	vst v7  }
0x174: {  	[tilespmem:s3+$0x13B0] =	vst v2;
	v2 =	vmul.f32 v4, v5  }
.Ltmp1:
0x175: {  	[tilespmem:s3+$0x1230] =	vst v10;
	v4 =	vmul.f32 v8, v5;
	(pc) =	sbr.rel @p0 .LBB2_6-.Ltmp1, $4  }
0x176: {  	[tilespmem:s3+$0x13C0] =	vst v2  }
0x177: {  	v2 =	vmul.f32 v9, v5;
	[tilespmem:s3+$0x13F0] =	vst v4  }
0x178: {  	[tilespmem:s3+$0x1350] =	vst v6  }
0x179: {  	[tilespmem:s3+$0x13E0] =	vst v2  }
0x17a: {  	s31 =	sadd.s32 $0x1, s31  }
0x17b: {  	p0 =	sne.s32 s31, $0x8  }
.Ltmp2:
0x17c: {  	[tilespmem:s3+$0x1220] =	vst v3;
	s0 =	sadd.s32 $0x400, s0;
	(pc) =	sbr.rel @p0 .LBB2_5-.Ltmp2, $4  }
0x17d: {  	[spmem:s2] =	stream.indirect.scatter.add.f32 [tilespmem:s26], [sflag:$0x2], $0x80, s0, s25, $0xb8;
	[tilespmem:$0x1A800] =	vst v63  }
0x17e: {  	_ =	swait.ge [sflag:s22], $0x4000  }
0x17f: {  	[sflag:s22] =	ssyncset.done $0x0  }
0x180: {  	[sflag:s22] =	ssyncadd.s32 $0xFFFFC000  }
0x181: {  	s30 =	sadd.s32 $0x1, s30  }
0x182: {  	p0 =	sne.s32 s30, $0xA  }
.Ltmp3:
0x183: {  	_ = 	snop;
	(pc) =	sbr.rel @p0 .LBB2_4-.Ltmp3, $1  }
0x184: {  	_ =	sdelay $0x3  }
0x185: {  	s0 =	stileid.u32;
	s4 =	sadd.s32 $0x1, s4  }
0x186: {  	[bflag:$0x0] =	sbarrier.arrive $0xFFFF;
	s0 =	sshll.u32 s0, $0x6;
	p0 =	sne.s32 s4, s20  }
.Ltmp4:
0x187: {  	s3 =	sshrl.u32 s8, $0x3;
	s0 =	sor.u32 $0x1C02, s0;
	(pc) =	sbr.rel @p0 .LBB2_1-.Ltmp4, $4  }
0x188: {  	[hbm:s19], [sflag:s0] =	dma.local [spmem:s3], $0x2780  }
0x189: {  	_ =	swait.ge [sflag:s22], $0x2780  }
0x18a: {  	[sflag:s22] =	ssyncset.done $0x0  }
0x18b: {  	[sflag:s22] =	ssyncadd.s32 $0xFFFFD880  }
0x18c: {  	_ =	sfence.sel $0x180000  }
0x18d: {  	[bflag:$0x0] =	sbarrier.arrive $0xFFFF  }
0x18e: {  	_ =	strace $0x90000047  }
0x18f: {  	s0 =	stileid.u32;
	[bflag:$0x2] =	sbarrier.arrive $0xFFFF  }
0x190: {  	p0 =	sne.s32 s0, $0x0;
	s0 =	rddreg [dreg:$0x3]  }
0x191: {  	s0 =	sadd.s32 @!p0 $0x100000, s0  }
0x192: {  	[sflag:s0] =	ssyncadd.tile.s32 @!p0 $0x1;
	_ =	shalt  }
.Lfunc_end2:
_tile_overlayer_lowered:
.L_overlay_start_2:
0x193: {  	(tag) =	ssettag $0x2  }
0x194: {  	s0 =	rddreg [dreg:$0x0];
	s2 =	stileid.u32  }
0x195: {  	s1 =	rddreg [dreg:$0x1];
	p0 =	sne.s32 s2, $0x0  }
0x196: {  	s3 =	rddreg [dreg:$0x2];
	[bflag:$0x3] =	sbarrier.arrive $0xFFFF;
	s2 =	simm.s32 @!p0 $0x1C02  }
0x197: {  	[timem:s3], [sflag:s2] =	dma.local @!p0 [hbm:s0], s1  }
0x198: {  	s0 =	simm.s32 @!p0 $0x2  }
0x199: {  	_ =	swait.ge @!p0 [sflag:s0], s1  }
0x19a: {  	s1 =	ssub.s32 @!p0 $0x0, s1;
	[sflag:s0] =	ssyncset.done @!p0 $0x0  }
0x19b: {  	[sflag:s0] =	ssyncadd.s32 @!p0 s1  }
0x19c: {  	[bflag:$0x3] =	sbarrier.arrive $0xFFFF  }
0x19d: {  	_ =	shalt  }

</sc_bundles>
